<compile_context>
chip_gen: v7x
topology: tpu7x:2x2x1
jax: 0.10.2.dev20260603
libtpu: 0.0.44.dev20260713+nightly
codegen_flags: <defaults>
</compile_context>

<pallas_src>
import functools

import jax
import jax.numpy as jnp
from jax import lax
from jax.experimental import pallas as pl
from jax.experimental.pallas import tpu as pltpu
from jax.experimental.pallas import tpu_sc as plsc

N = 10000
E = 320000
D = 128
NC = 2
NS = 16
NW = NC * NS
EPW = E // NW
CH = 80
NCHUNK = EPW // CH
CHA = 72
NCHA = -(-EPW // CHA)
EPWP = NCHA * CHA
NPAD = 10240
RPT = NPAD // NS
RC = 64
NB = 5
NBI = NB + 1
DPT = NPAD // NS
RB = 640
GRID = NPAD // RB

_mesh = plsc.VectorSubcoreMesh(core_axis_name="c", subcore_axis_name="s")



@functools.partial(
    pl.kernel,
    out_type=jax.ShapeDtypeStruct((NC * NPAD,), jnp.float32),
    mesh=_mesh,
    scratch_types=[
        pltpu.VMEM((NCHUNK, CH), jnp.int32),
        pltpu.VMEM((CH,), jnp.float32),
        pltpu.VMEM((DPT,), jnp.float32),
        pltpu.VMEM_SHARED((NPAD,), jnp.float32),
        pltpu.SemaphoreType.DMA,
    ],
)
def _deg_kernel(dst3_hbm, out_hbm, dst_v, ones_v, zb_v, shared, sem):
    cid = lax.axis_index("c")
    sid = lax.axis_index("s")
    wid = sid * NC + cid

    def fill(i, _):
        ones_v[pl.ds(i * 16, 16)] = jnp.ones((16,), jnp.float32)
        return 0
    lax.fori_loop(0, CH // 16, fill, 0)

    def zfill(i, _):
        zb_v[pl.ds(i * 16, 16)] = jnp.zeros((16,), jnp.float32)
        return 0
    lax.fori_loop(0, DPT // 16, zfill, 0)

    pltpu.sync_copy(zb_v, shared.at[pl.ds(sid * DPT, DPT)])
    pltpu.sync_copy(dst3_hbm.at[wid], dst_v)
    plsc.subcore_barrier()

    def acc(j, _):
        pltpu.sync_copy(ones_v, shared.at[dst_v.at[j]], add=True)
        return 0
    lax.fori_loop(0, NCHUNK, acc, 0)

    plsc.subcore_barrier()
    pltpu.sync_copy(shared.at[pl.ds(sid * DPT, DPT)],
                    out_hbm.at[pl.ds(cid * NPAD + sid * DPT, DPT)])


@functools.partial(
    pl.kernel,
    out_type=jax.ShapeDtypeStruct((NC, NPAD, D), jnp.float32),
    mesh=_mesh,
    scratch_types=[
        pltpu.VMEM((NBI, 2, CHA), jnp.int32),
        pltpu.VMEM((NB, CHA, D), jnp.float32),
        pltpu.VMEM_SHARED((NPAD, D), jnp.float32),
        pltpu.SemaphoreType.DMA((NBI,)),
        pltpu.SemaphoreType.DMA((NB,)),
        pltpu.SemaphoreType.DMA((NB,)),
    ],
)
def _agg_kernel(y_hbm, idx2_hbm, out_hbm,
                idxb, rows_v, shared, isems, gsems, ssems):
    cid = lax.axis_index("c")
    sid = lax.axis_index("s")
    wid = sid * NC + cid
    row0 = sid * RPT

    @pl.when(cid == 0)
    def _():
        def yinit(k, _):
            r = row0 + k * RC
            pltpu.async_copy(y_hbm.at[pl.ds(r, RC)],
                             shared.at[pl.ds(r, RC)], isems.at[0])
            return 0
        lax.fori_loop(0, RPT // RC, yinit, 0)

        def ydrain(k, _):
            r = row0 + k * RC
            pltpu.make_async_copy(y_hbm.at[pl.ds(r, RC)],
                                  shared.at[pl.ds(r, RC)], isems.at[0]).wait()
            return 0
        lax.fori_loop(0, RPT // RC, ydrain, 0)

    @pl.when(cid != 0)
    def _():
        def zfill(i, _):
            for k in range(D // 16):
                rows_v[0, i, pl.ds(k * 16, 16)] = jnp.zeros((16,), jnp.float32)
            return 0
        lax.fori_loop(0, RC, zfill, 0)

        def zinit(k, _):
            r = row0 + k * RC
            pltpu.async_copy(rows_v.at[0, pl.ds(0, RC)],
                             shared.at[pl.ds(r, RC)], isems.at[0])
            return 0
        lax.fori_loop(0, RPT // RC, zinit, 0)

        def zdrain(k, _):
            r = row0 + k * RC
            pltpu.make_async_copy(rows_v.at[0, pl.ds(0, RC)],
                                  shared.at[pl.ds(r, RC)], isems.at[0]).wait()
            return 0
        lax.fori_loop(0, RPT // RC, zdrain, 0)

    plsc.subcore_barrier()

    def istart(j):
        b = lax.rem(j, NBI)
        pltpu.async_copy(idx2_hbm.at[wid, j], idxb.at[b], isems.at[b])

    def iwait(j):
        b = lax.rem(j, NBI)
        pltpu.make_async_copy(idx2_hbm.at[wid, j], idxb.at[b],
                              isems.at[b]).wait()

    def gstart(j):
        bi = lax.rem(j, NBI)
        b = lax.rem(j, NB)
        pltpu.async_copy(y_hbm.at[idxb.at[bi, 0]], rows_v.at[b], gsems.at[b])

    def gwait(j):
        bi = lax.rem(j, NBI)
        b = lax.rem(j, NB)
        pltpu.make_async_copy(y_hbm.at[idxb.at[bi, 0]], rows_v.at[b],
                              gsems.at[b]).wait()

    def sstart(j):
        bi = lax.rem(j, NBI)
        b = lax.rem(j, NB)
        pltpu.async_copy(rows_v.at[b], shared.at[idxb.at[bi, 1]],
                         ssems.at[b], add=True)

    def swait(j):
        bi = lax.rem(j, NBI)
        b = lax.rem(j, NB)
        pltpu.make_async_copy(rows_v.at[b], shared.at[idxb.at[bi, 1]],
                              ssems.at[b]).wait()

    for jj in range(NB):
        istart(jj)
    for jj in range(NB - 1):
        iwait(jj)
        gstart(jj)

    def body(j, _):
        @pl.when(j + NB - 1 < NCHA)
        def _():
            @pl.when(j >= 1)
            def _():
                swait(j - 1)

            @pl.when(j + NB < NCHA)
            def _():
                istart(j + NB)
            iwait(j + NB - 1)
            gstart(j + NB - 1)

        gwait(j)
        sstart(j)
        return 0
    lax.fori_loop(0, NCHA, body, 0)
    for jj in range(NCHA - NB, NCHA):
        swait(jj)

    plsc.subcore_barrier()
    pltpu.sync_copy(shared.at[pl.ds(row0, RPT)],
                    out_hbm.at[cid, pl.ds(row0, RPT)])



def _mm1_body(degT_ref, x_ref, w_ref, y_ref, dinv_ref):
    d = degT_ref[:, 0:1] + degT_ref[:, 1:2] + 1.0
    dinv = lax.rsqrt(d)
    dinv_ref[...] = dinv
    y_ref[...] = jnp.dot(x_ref[...], w_ref[...],
                         preferred_element_type=jnp.float32) * dinv


_mm1 = pl.pallas_call(
    _mm1_body,
    grid=(GRID,),
    in_specs=[
        pl.BlockSpec((RB, 2), lambda i: (i, 0)),
        pl.BlockSpec((RB, D), lambda i: (i, 0)),
        pl.BlockSpec((D, D), lambda i: (0, 0)),
    ],
    out_specs=[
        pl.BlockSpec((RB, D), lambda i: (i, 0)),
        pl.BlockSpec((RB, 1), lambda i: (i, 0)),
    ],
    out_shape=[
        jax.ShapeDtypeStruct((NPAD, D), jnp.float32),
        jax.ShapeDtypeStruct((NPAD, 1), jnp.float32),
    ],
)


def _mm2_body(p0_ref, p1_ref, dinv_ref, w_ref, b_ref, y2_ref):
    dinv = dinv_ref[...]
    h = jnp.maximum((p0_ref[...] + p1_ref[...]) * dinv + b_ref[...], 0.0)
    y2_ref[...] = jnp.dot(h, w_ref[...],
                          preferred_element_type=jnp.float32) * dinv


_mm2 = pl.pallas_call(
    _mm2_body,
    grid=(GRID,),
    in_specs=[
        pl.BlockSpec((RB, D), lambda i: (i, 0)),
        pl.BlockSpec((RB, D), lambda i: (i, 0)),
        pl.BlockSpec((RB, 1), lambda i: (i, 0)),
        pl.BlockSpec((D, D), lambda i: (0, 0)),
        pl.BlockSpec((1, D), lambda i: (0, 0)),
    ],
    out_specs=pl.BlockSpec((RB, D), lambda i: (i, 0)),
    out_shape=jax.ShapeDtypeStruct((NPAD, D), jnp.float32),
)


def _fin_body(q0_ref, q1_ref, dinv_ref, b_ref, out_ref):
    out_ref[...] = jnp.maximum(
        (q0_ref[...] + q1_ref[...]) * dinv_ref[...] + b_ref[...], 0.0)


_fin = pl.pallas_call(
    _fin_body,
    grid=(GRID,),
    in_specs=[
        pl.BlockSpec((RB, D), lambda i: (i, 0)),
        pl.BlockSpec((RB, D), lambda i: (i, 0)),
        pl.BlockSpec((RB, 1), lambda i: (i, 0)),
        pl.BlockSpec((1, D), lambda i: (0, 0)),
    ],
    out_specs=pl.BlockSpec((RB, D), lambda i: (i, 0)),
    out_shape=jax.ShapeDtypeStruct((NPAD, D), jnp.float32),
)



@jax.jit
def kernel(x, edge_index, W1, b1, W2, b2):
    dst3 = edge_index[1].reshape(NW, NCHUNK, CH)
    xp = jnp.pad(x, ((0, NPAD - N), (0, 0)))

    degp = _deg_kernel(dst3)
    degT = degp.reshape(NC, NPAD).T

    e2 = edge_index.reshape(2, NW, EPW)
    e2 = jnp.pad(e2, ((0, 0), (0, 0), (0, EPWP - EPW)),
                 constant_values=NPAD - 1)
    idx2 = e2.reshape(2, NW, NCHA, CHA).transpose(1, 2, 0, 3)

    y1, dinv = _mm1(degT, xp, W1)
    p = _agg_kernel(y1, idx2)
    y2 = _mm2(p[0], p[1], dinv, W2, b1.reshape(1, D))
    q = _agg_kernel(y2, idx2)
    return _fin(q[0], q[1], dinv, b2.reshape(1, D))[:N]

# --- scband reference (transcript-rebuilt; emitter-appended) ---
"""Pipeline reference for scband-server-gcn-23407571763335 (READ-ONLY COPY).

The authoritative reference and input builder live on the scoring server;
editing this copy changes nothing except your own understanding.
"""

import jax, jax.numpy as jnp
import numpy as np


def gcn_conv(x, edge_index, W, b):
    # PyG-style GCNConv: add self-loops, symmetric normalization, scatter-add aggregation
    N = x.shape[0]
    src = edge_index[0]
    dst = edge_index[1]
    loop = jnp.arange(N, dtype=edge_index.dtype)
    src = jnp.concatenate([src, loop])
    dst = jnp.concatenate([dst, loop])
    deg = jax.ops.segment_sum(jnp.ones(src.shape[0], dtype=x.dtype), dst, num_segments=N)
    deg_inv_sqrt = jnp.where(deg > 0, jax.lax.rsqrt(jnp.maximum(deg, 1e-12)), 0.0)
    xW = x @ W
    norm = deg_inv_sqrt[src] * deg_inv_sqrt[dst]
    msg = xW[src] * norm[:, None]
    out = jax.ops.segment_sum(msg, dst, num_segments=N)
    return out + b


def setup_inputs(seed: int = 0) -> dict:
    key = jax.random.key(seed)
    k1, k2, k3, k4, k5, k6 = jax.random.split(key, 6)
    N = 10000
    E = 320000
    d = 128  # nhid
    x = jax.random.normal(k1, (N, d), dtype=jnp.float32)
    edge_index = jax.random.randint(k2, (2, E), 0, N, dtype=jnp.int32)
    scale = 1.0 / np.sqrt(d)
    W1 = jax.random.normal(k3, (d, d), dtype=jnp.float32) * scale
    b1 = jnp.zeros((d,), dtype=jnp.float32)
    W2 = jax.random.normal(k4, (d, d), dtype=jnp.float32) * scale
    b2 = jnp.zeros((d,), dtype=jnp.float32)
    return {"x": x, "edge_index": edge_index, "W1": W1, "b1": b1, "W2": W2, "b2": b2}


def reference(x, edge_index, W1, b1, W2, b2):
    # serverGCN forward: stack of nlayer=2 GCNConv(nhid->nhid) with ReLU
    h = jax.nn.relu(gcn_conv(x, edge_index, W1, b1))
    out = jax.nn.relu(gcn_conv(h, edge_index, W2, b2))
    return out

if __name__ == "__main__":
    import jax
    _d = setup_inputs()
    print(jax.jit(kernel)(*tuple(_d.values())))

</pallas_src>

<mosaic_0001>
#map = affine_map<(d0, d1) -> (0, 0, 0)>
#map1 = affine_map<(d0, d1) -> (0)>
module attributes {stable_mosaic.version = 14 : i64} {
  func.func @_deg_kernel(%arg0: i32, %arg1: i32, %arg2: memref<32x125x80xi32, #tpu.memory_space<hbm>>, %arg3: memref<20480xf32, #tpu.memory_space<hbm>>, %arg4: memref<125x80xi32, #tpu.memory_space<vmem>>, %arg5: memref<80xf32, #tpu.memory_space<vmem>>, %arg6: memref<640xf32, #tpu.memory_space<vmem>>, %arg7: memref<10240xf32, #tpu.memory_space<vmem_shared>>, %arg8: memref<!tpu.dma_semaphore, #tpu.memory_space<semaphore_mem>>) attributes {dimension_semantics = [#tpu.dimension_semantics<core_parallel>, #tpu.dimension_semantics<subcore_parallel>], iteration_bounds = array<i64: 2, 16>, scalar_prefetch = 0 : i64, scratch_operands = 5 : i64, tpu.core_type = #tpu.core_type<sc_vector_subcore>, window_params = [{transform_indices = #map}, {transform_indices = #map1}]} {
    %mul3A = arith.constant 2 : i32
    %mul3A_0 = arith.muli %arg1, %mul3A : i32
    %add3A = arith.addi %mul3A_0, %arg0 : i32
    %scan3A = arith.constant 0 : i32
    %scan3A_1 = arith.constant 0 : i32
    %scan3A_2 = arith.constant 5 : i32
    %scan3A_3 = arith.addi %scan3A_1, %scan3A_2 : i32
    %scan3A_4 = arith.constant 1 : i32
    %scan3A_5 = scf.for %scan3A_31 = %scan3A_1 to %scan3A_3 step %scan3A_4 iter_args(%scan3A_32 = %scan3A) -> (i32)  : i32 {
      %broadcast_in_dim3A = arith.constant 1.000000e+00 : f32
      %broadcast_in_dim3A_33 = vector.broadcast %broadcast_in_dim3A : f32 to vector<16xf32>
      %mul3A_34 = arith.constant 16 : i32
      %mul3A_35 = arith.muli %scan3A_31, %mul3A_34 : i32
      %swap3A = arith.index_cast %mul3A_35 : i32 to index
      %swap3A_36 = tpu.vector_load %arg5[%swap3A] {strides = array<i32>} : memref<80xf32, #tpu.memory_space<vmem>>, vector<16xf32>,
      %swap3A_37 = vector.shape_cast %swap3A_36 : vector<16xf32> to vector<16xf32>
      %swap3A_38 = vector.shape_cast %broadcast_in_dim3A_33 : vector<16xf32> to vector<16xf32>
      tpu.vector_store %arg5[%swap3A], %swap3A_38 {strides = array<i32>} : memref<80xf32, #tpu.memory_space<vmem>>, vector<16xf32>,
      %scan3A_39 = arith.constant 0 : i32
      scf.yield %scan3A_39 : i32
    }
    %scan3A_6 = arith.constant 5 : i32
    %scan3A_7 = arith.constant 0 : i32
    %scan3A_8 = arith.constant 0 : i32
    %scan3A_9 = arith.constant 40 : i32
    %scan3A_10 = arith.addi %scan3A_8, %scan3A_9 : i32
    %scan3A_11 = arith.constant 1 : i32
    %scan3A_12 = scf.for %scan3A_31 = %scan3A_8 to %scan3A_10 step %scan3A_11 iter_args(%scan3A_32 = %scan3A_7) -> (i32)  : i32 {
      %broadcast_in_dim3A = arith.constant 0.000000e+00 : f32
      %broadcast_in_dim3A_33 = vector.broadcast %broadcast_in_dim3A : f32 to vector<16xf32>
      %mul3A_34 = arith.constant 16 : i32
      %mul3A_35 = arith.muli %scan3A_31, %mul3A_34 : i32
      %swap3A = arith.index_cast %mul3A_35 : i32 to index
      %swap3A_36 = tpu.vector_load %arg6[%swap3A] {strides = array<i32>} : memref<640xf32, #tpu.memory_space<vmem>>, vector<16xf32>,
      %swap3A_37 = vector.shape_cast %swap3A_36 : vector<16xf32> to vector<16xf32>
      %swap3A_38 = vector.shape_cast %broadcast_in_dim3A_33 : vector<16xf32> to vector<16xf32>
      tpu.vector_store %arg6[%swap3A], %swap3A_38 {strides = array<i32>} : memref<640xf32, #tpu.memory_space<vmem>>, vector<16xf32>,
      %scan3A_39 = arith.constant 0 : i32
      scf.yield %scan3A_39 : i32
    }
    %scan3A_13 = arith.constant 40 : i32
    %mul3A_14 = arith.constant 640 : i32
    %mul3A_15 = arith.muli %arg1, %mul3A_14 : i32
    "tpu.region"() ({
      %run_scoped3A = tpu.sem_alloc : memref<!tpu.dma_semaphore, #tpu.memory_space<semaphore_mem>>
      %dma_start3A = tpu.memref_slice %arg7[%mul3A_15] : memref<10240xf32, #tpu.memory_space<vmem_shared>> -> memref<640xf32, #tpu.memory_space<vmem_shared>>
      %dma_start3A_31 = tpu.memref_slice %arg7[%mul3A_15] : memref<10240xf32, #tpu.memory_space<vmem_shared>> -> memref<640xf32, #tpu.memory_space<vmem_shared>>
      tpu.enqueue_dma source(%arg6 : memref<640xf32, #tpu.memory_space<vmem>>) target(%dma_start3A_31 : memref<640xf32, #tpu.memory_space<vmem_shared>>) target_semaphore(%run_scoped3A : memref<!tpu.dma_semaphore, #tpu.memory_space<semaphore_mem>>)
      %dma_wait3A = tpu.memref_slice %arg7[%mul3A_15] : memref<10240xf32, #tpu.memory_space<vmem_shared>> -> memref<640xf32, #tpu.memory_space<vmem_shared>>
      %dma_wait3A_32 = tpu.memref_slice %arg7[%mul3A_15] : memref<10240xf32, #tpu.memory_space<vmem_shared>> -> memref<640xf32, #tpu.memory_space<vmem_shared>>
      tpu.wait_dma2 semaphore(%run_scoped3A : memref<!tpu.dma_semaphore, #tpu.memory_space<semaphore_mem>>) src(%arg6 : memref<640xf32, #tpu.memory_space<vmem>>) dst(%dma_wait3A_32 : memref<640xf32, #tpu.memory_space<vmem_shared>>)
      tpu.yield
    }) : () -> ()
    "tpu.region"() ({
      %run_scoped3A = tpu.sem_alloc : memref<!tpu.dma_semaphore, #tpu.memory_space<semaphore_mem>>
      %dma_start3A = arith.constant 0 : i32
      %dma_start3A_31 = arith.constant 0 : i32
      %dma_start3A_32 = tpu.memref_slice %arg2[%add3A, %dma_start3A, %dma_start3A_31] : memref<32x125x80xi32, #tpu.memory_space<hbm>> -> memref<1x125x80xi32, #tpu.memory_space<hbm>>
      %dma_start3A_33 = tpu.memref_squeeze %dma_start3A_32 : memref<1x125x80xi32, #tpu.memory_space<hbm>> -> memref<125x80xi32, #tpu.memory_space<hbm>>
      %dma_start3A_34 = arith.constant 0 : i32
      %dma_start3A_35 = arith.constant 0 : i32
      %dma_start3A_36 = tpu.memref_slice %arg2[%add3A, %dma_start3A_34, %dma_start3A_35] : memref<32x125x80xi32, #tpu.memory_space<hbm>> -> memref<1x125x80xi32, #tpu.memory_space<hbm>>
      %dma_start3A_37 = tpu.memref_squeeze %dma_start3A_36 : memref<1x125x80xi32, #tpu.memory_space<hbm>> -> memref<125x80xi32, #tpu.memory_space<hbm>>
      tpu.enqueue_dma source(%dma_start3A_37 : memref<125x80xi32, #tpu.memory_space<hbm>>) target(%arg4 : memref<125x80xi32, #tpu.memory_space<vmem>>) target_semaphore(%run_scoped3A : memref<!tpu.dma_semaphore, #tpu.memory_space<semaphore_mem>>)
      %dma_wait3A = arith.constant 0 : i32
      %dma_wait3A_38 = arith.constant 0 : i32
      %dma_wait3A_39 = tpu.memref_slice %arg2[%add3A, %dma_wait3A, %dma_wait3A_38] : memref<32x125x80xi32, #tpu.memory_space<hbm>> -> memref<1x125x80xi32, #tpu.memory_space<hbm>>
      %dma_wait3A_40 = tpu.memref_squeeze %dma_wait3A_39 : memref<1x125x80xi32, #tpu.memory_space<hbm>> -> memref<125x80xi32, #tpu.memory_space<hbm>>
      %dma_wait3A_41 = arith.constant 0 : i32
      %dma_wait3A_42 = arith.constant 0 : i32
      %dma_wait3A_43 = tpu.memref_slice %arg2[%add3A, %dma_wait3A_41, %dma_wait3A_42] : memref<32x125x80xi32, #tpu.memory_space<hbm>> -> memref<1x125x80xi32, #tpu.memory_space<hbm>>
      %dma_wait3A_44 = tpu.memref_squeeze %dma_wait3A_43 : memref<1x125x80xi32, #tpu.memory_space<hbm>> -> memref<125x80xi32, #tpu.memory_space<hbm>>
      tpu.wait_dma2 semaphore(%run_scoped3A : memref<!tpu.dma_semaphore, #tpu.memory_space<semaphore_mem>>) src(%dma_wait3A_44 : memref<125x80xi32, #tpu.memory_space<hbm>>) dst(%arg4 : memref<125x80xi32, #tpu.memory_space<vmem>>)
      tpu.yield
    }) : () -> ()
    %barrier3A = arith.constant 0 : index
    tpu.barrier barrier_id(%barrier3A)
    %scan3A_16 = arith.constant 0 : i32
    %scan3A_17 = arith.constant 0 : i32
    %scan3A_18 = arith.constant 125 : i32
    %scan3A_19 = arith.addi %scan3A_17, %scan3A_18 : i32
    %scan3A_20 = arith.constant 1 : i32
    %scan3A_21 = scf.for %scan3A_31 = %scan3A_17 to %scan3A_19 step %scan3A_20 iter_args(%scan3A_32 = %scan3A_16) -> (i32)  : i32 {
      "tpu.region"() ({
        %run_scoped3A = tpu.sem_alloc : memref<!tpu.dma_semaphore, #tpu.memory_space<semaphore_mem>>
        %dma_start3A = arith.constant 0 : i32
        %dma_start3A_34 = tpu.memref_slice %arg4[%scan3A_31, %dma_start3A] : memref<125x80xi32, #tpu.memory_space<vmem>> -> memref<1x80xi32, #tpu.memory_space<vmem>>
        %dma_start3A_35 = tpu.memref_squeeze %dma_start3A_34 : memref<1x80xi32, #tpu.memory_space<vmem>> -> memref<80xi32, #tpu.memory_space<vmem>>
        %dma_start3A_36 = arith.constant 0 : i32
        %dma_start3A_37 = tpu.memref_slice %arg7[%dma_start3A_36] : memref<10240xf32, #tpu.memory_space<vmem_shared>> -> memref<10240xf32, #tpu.memory_space<vmem_shared>>
        tpu.enqueue_indirect_dma source(%arg5 : memref<80xf32, #tpu.memory_space<vmem>>) target(%dma_start3A_37 : memref<10240xf32, #tpu.memory_space<vmem_shared>>) offsets(%dma_start3A_35 : memref<80xi32, #tpu.memory_space<vmem>>) semaphore(%run_scoped3A : memref<!tpu.dma_semaphore, #tpu.memory_space<semaphore_mem>>) {add = true}
        %dma_wait3A = arith.constant 0 : i32
        %dma_wait3A_38 = tpu.memref_slice %arg4[%scan3A_31, %dma_wait3A] : memref<125x80xi32, #tpu.memory_space<vmem>> -> memref<1x80xi32, #tpu.memory_space<vmem>>
        %dma_wait3A_39 = tpu.memref_squeeze %dma_wait3A_38 : memref<1x80xi32, #tpu.memory_space<vmem>> -> memref<80xi32, #tpu.memory_space<vmem>>
        %dma_wait3A_40 = arith.constant 0 : i32
        %dma_wait3A_41 = tpu.memref_slice %arg7[%dma_wait3A_40] : memref<10240xf32, #tpu.memory_space<vmem_shared>> -> memref<10240xf32, #tpu.memory_space<vmem_shared>>
        tpu.wait_indirect_dma semaphore(%run_scoped3A : memref<!tpu.dma_semaphore, #tpu.memory_space<semaphore_mem>>) src(%arg5 : memref<80xf32, #tpu.memory_space<vmem>>) dst(%dma_wait3A_41 : memref<10240xf32, #tpu.memory_space<vmem_shared>>)
        tpu.yield
      }) : () -> ()
      %scan3A_33 = arith.constant 0 : i32
      scf.yield %scan3A_33 : i32
    }
    %scan3A_22 = arith.constant 125 : i32
    %barrier3A_23 = arith.constant 0 : index
    tpu.barrier barrier_id(%barrier3A_23)
    %mul3A_24 = arith.constant 640 : i32
    %mul3A_25 = arith.muli %arg1, %mul3A_24 : i32
    %mul3A_26 = arith.constant 10240 : i32
    %mul3A_27 = arith.muli %arg0, %mul3A_26 : i32
    %mul3A_28 = arith.constant 640 : i32
    %mul3A_29 = arith.muli %arg1, %mul3A_28 : i32
    %add3A_30 = arith.addi %mul3A_27, %mul3A_29 : i32
    "tpu.region"() ({
      %run_scoped3A = tpu.sem_alloc : memref<!tpu.dma_semaphore, #tpu.memory_space<semaphore_mem>>
      %dma_start3A = tpu.memref_slice %arg3[%add3A_30] : memref<20480xf32, #tpu.memory_space<hbm>> -> memref<640xf32, #tpu.memory_space<hbm>>
      %dma_start3A_31 = tpu.memref_slice %arg7[%mul3A_25] : memref<10240xf32, #tpu.memory_space<vmem_shared>> -> memref<640xf32, #tpu.memory_space<vmem_shared>>
      tpu.enqueue_dma source(%dma_start3A_31 : memref<640xf32, #tpu.memory_space<vmem_shared>>) target(%dma_start3A : memref<640xf32, #tpu.memory_space<hbm>>) target_semaphore(%run_scoped3A : memref<!tpu.dma_semaphore, #tpu.memory_space<semaphore_mem>>)
      %dma_wait3A = tpu.memref_slice %arg3[%add3A_30] : memref<20480xf32, #tpu.memory_space<hbm>> -> memref<640xf32, #tpu.memory_space<hbm>>
      %dma_wait3A_32 = tpu.memref_slice %arg7[%mul3A_25] : memref<10240xf32, #tpu.memory_space<vmem_shared>> -> memref<640xf32, #tpu.memory_space<vmem_shared>>
      tpu.wait_dma2 semaphore(%run_scoped3A : memref<!tpu.dma_semaphore, #tpu.memory_space<semaphore_mem>>) src(%dma_wait3A_32 : memref<640xf32, #tpu.memory_space<vmem_shared>>) dst(%dma_wait3A : memref<640xf32, #tpu.memory_space<hbm>>)
      tpu.yield
    }) : () -> ()
    return
  }
}

#map = affine_map<(d0, d1) -> (0, 0)>
#map1 = affine_map<(d0, d1) -> (0, 0, 0, 0)>
#map2 = affine_map<(d0, d1) -> (0, 0, 0)>
module attributes {stable_mosaic.version = 14 : i64} {
  func.func @_agg_kernel(%arg0: i32, %arg1: i32, %arg2: memref<10240x128xf32, #tpu.memory_space<hbm>>, %arg3: memref<32x139x2x72xi32, #tpu.memory_space<hbm>>, %arg4: memref<2x10240x128xf32, #tpu.memory_space<hbm>>, %arg5: memref<6x2x72xi32, #tpu.memory_space<vmem>>, %arg6: memref<5x72x128xf32, #tpu.memory_space<vmem>>, %arg7: memref<10240x128xf32, #tpu.memory_space<vmem_shared>>, %arg8: memref<6x!tpu.dma_semaphore, #tpu.memory_space<semaphore_mem>>, %arg9: memref<5x!tpu.dma_semaphore, #tpu.memory_space<semaphore_mem>>, %arg10: memref<5x!tpu.dma_semaphore, #tpu.memory_space<semaphore_mem>>) attributes {dimension_semantics = [#tpu.dimension_semantics<core_parallel>, #tpu.dimension_semantics<subcore_parallel>], iteration_bounds = array<i64: 2, 16>, scalar_prefetch = 0 : i64, scratch_operands = 6 : i64, tpu.core_type = #tpu.core_type<sc_vector_subcore>, window_params = [{transform_indices = #map}, {transform_indices = #map1}, {transform_indices = #map2}]} {
    %mul3A = arith.constant 2 : i32
    %mul3A_0 = arith.muli %arg1, %mul3A : i32
    %add3A = arith.addi %mul3A_0, %arg0 : i32
    %mul3A_1 = arith.constant 640 : i32
    %mul3A_2 = arith.muli %arg1, %mul3A_1 : i32
    %eq3A = arith.constant 0 : i32
    %eq3A_3 = arith.cmpi eq, %arg0, %eq3A : i32
    %convert_element_type3A = arith.extui %eq3A_3 : i1 to i32
    %cond3A = arith.constant 0 : i32
    %cond3A_4 = arith.cmpi ne, %convert_element_type3A, %cond3A : i32
    scf.if %cond3A_4 {
      %scan3A_382 = arith.constant 0 : i32
      %scan3A_383 = arith.constant 0 : i32
      %scan3A_384 = arith.constant 10 : i32
      %scan3A_385 = arith.addi %scan3A_383, %scan3A_384 : i32
      %scan3A_386 = arith.constant 1 : i32
      %scan3A_387 = scf.for %scan3A_396 = %scan3A_383 to %scan3A_385 step %scan3A_386 iter_args(%scan3A_397 = %scan3A_382) -> (i32)  : i32 {
        %mul3A_398 = arith.constant 64 : i32
        %mul3A_399 = arith.muli %scan3A_396, %mul3A_398 : i32
        %add3A_400 = arith.addi %mul3A_2, %mul3A_399 : i32
        %dma_start3A_401 = arith.constant 0 : i32
        %dma_start3A_402 = tpu.memref_slice %arg8[%dma_start3A_401] : memref<6x!tpu.dma_semaphore, #tpu.memory_space<semaphore_mem>> -> memref<1x!tpu.dma_semaphore, #tpu.memory_space<semaphore_mem>>
        %dma_start3A_403 = tpu.memref_squeeze %dma_start3A_402 : memref<1x!tpu.dma_semaphore, #tpu.memory_space<semaphore_mem>> -> memref<!tpu.dma_semaphore, #tpu.memory_space<semaphore_mem>>
        %dma_start3A_404 = arith.constant 0 : i32
        %dma_start3A_405 = tpu.memref_slice %arg7[%add3A_400, %dma_start3A_404] : memref<10240x128xf32, #tpu.memory_space<vmem_shared>> -> memref<64x128xf32, #tpu.memory_space<vmem_shared>>
        %dma_start3A_406 = arith.constant 0 : i32
        %dma_start3A_407 = tpu.memref_slice %arg2[%add3A_400, %dma_start3A_406] : memref<10240x128xf32, #tpu.memory_space<hbm>> -> memref<64x128xf32, #tpu.memory_space<hbm>>
        tpu.enqueue_dma source(%dma_start3A_407 : memref<64x128xf32, #tpu.memory_space<hbm>>) target(%dma_start3A_405 : memref<64x128xf32, #tpu.memory_space<vmem_shared>>) target_semaphore(%dma_start3A_403 : memref<!tpu.dma_semaphore, #tpu.memory_space<semaphore_mem>>)
        %scan3A_408 = arith.constant 0 : i32
        scf.yield %scan3A_408 : i32
      }
      %scan3A_388 = arith.constant 10 : i32
      %scan3A_389 = arith.constant 0 : i32
      %scan3A_390 = arith.constant 0 : i32
      %scan3A_391 = arith.constant 10 : i32
      %scan3A_392 = arith.addi %scan3A_390, %scan3A_391 : i32
      %scan3A_393 = arith.constant 1 : i32
      %scan3A_394 = scf.for %scan3A_396 = %scan3A_390 to %scan3A_392 step %scan3A_393 iter_args(%scan3A_397 = %scan3A_389) -> (i32)  : i32 {
        %mul3A_398 = arith.constant 64 : i32
        %mul3A_399 = arith.muli %scan3A_396, %mul3A_398 : i32
        %add3A_400 = arith.addi %mul3A_2, %mul3A_399 : i32
        %dma_wait3A_401 = arith.constant 0 : i32
        %dma_wait3A_402 = tpu.memref_slice %arg8[%dma_wait3A_401] : memref<6x!tpu.dma_semaphore, #tpu.memory_space<semaphore_mem>> -> memref<1x!tpu.dma_semaphore, #tpu.memory_space<semaphore_mem>>
        %dma_wait3A_403 = tpu.memref_squeeze %dma_wait3A_402 : memref<1x!tpu.dma_semaphore, #tpu.memory_space<semaphore_mem>> -> memref<!tpu.dma_semaphore, #tpu.memory_space<semaphore_mem>>
        %dma_wait3A_404 = arith.constant 0 : i32
        %dma_wait3A_405 = tpu.memref_slice %arg7[%add3A_400, %dma_wait3A_404] : memref<10240x128xf32, #tpu.memory_space<vmem_shared>> -> memref<64x128xf32, #tpu.memory_space<vmem_shared>>
        %dma_wait3A_406 = arith.constant 0 : i32
        %dma_wait3A_407 = tpu.memref_slice %arg2[%add3A_400, %dma_wait3A_406] : memref<10240x128xf32, #tpu.memory_space<hbm>> -> memref<64x128xf32, #tpu.memory_space<hbm>>
        tpu.wait_dma2 semaphore(%dma_wait3A_403 : memref<!tpu.dma_semaphore, #tpu.memory_space<semaphore_mem>>) src(%dma_wait3A_407 : memref<64x128xf32, #tpu.memory_space<hbm>>) dst(%dma_wait3A_405 : memref<64x128xf32, #tpu.memory_space<vmem_shared>>)
        %scan3A_408 = arith.constant 0 : i32
        scf.yield %scan3A_408 : i32
      }
      %scan3A_395 = arith.constant 10 : i32
    } else {
    }
    %ne3A = arith.constant 0 : i32
    %ne3A_5 = arith.cmpi ne, %arg0, %ne3A : i32
    %convert_element_type3A_6 = arith.extui %ne3A_5 : i1 to i32
    %cond3A_7 = arith.constant 0 : i32
    %cond3A_8 = arith.cmpi ne, %convert_element_type3A_6, %cond3A_7 : i32
    scf.if %cond3A_8 {
      %scan3A_382 = arith.constant 0 : i32
      %scan3A_383 = arith.constant 0 : i32
      %scan3A_384 = arith.constant 64 : i32
      %scan3A_385 = arith.addi %scan3A_383, %scan3A_384 : i32
      %scan3A_386 = arith.constant 1 : i32
      %scan3A_387 = scf.for %scan3A_403 = %scan3A_383 to %scan3A_385 step %scan3A_386 iter_args(%scan3A_404 = %scan3A_382) -> (i32)  : i32 {
        %broadcast_in_dim3A = arith.constant 0.000000e+00 : f32
        %broadcast_in_dim3A_405 = vector.broadcast %broadcast_in_dim3A : f32 to vector<16xf32>
        %swap3A = arith.constant 0 : i32
        %swap3A_406 = arith.index_cast %swap3A : i32 to index
        %swap3A_407 = arith.index_cast %scan3A_403 : i32 to index
        %swap3A_408 = arith.constant 0 : index
        %swap3A_409 = tpu.vector_load %arg6[%swap3A_406, %swap3A_407, %swap3A_408] {strides = array<i32>} : memref<5x72x128xf32, #tpu.memory_space<vmem>>, vector<1x1x16xf32>,
        %swap3A_410 = vector.shape_cast %swap3A_409 : vector<1x1x16xf32> to vector<16xf32>
        %swap3A_411 = vector.shape_cast %broadcast_in_dim3A_405 : vector<16xf32> to vector<1x1x16xf32>
        tpu.vector_store %arg6[%swap3A_406, %swap3A_407, %swap3A_408], %swap3A_411 {strides = array<i32>} : memref<5x72x128xf32, #tpu.memory_space<vmem>>, vector<1x1x16xf32>,
        %broadcast_in_dim3A_412 = arith.constant 0.000000e+00 : f32
        %broadcast_in_dim3A_413 = vector.broadcast %broadcast_in_dim3A_412 : f32 to vector<16xf32>
        %swap3A_414 = arith.constant 0 : i32
        %swap3A_415 = arith.index_cast %swap3A_414 : i32 to index
        %swap3A_416 = arith.index_cast %scan3A_403 : i32 to index
        %swap3A_417 = arith.constant 16 : index
        %swap3A_418 = tpu.vector_load %arg6[%swap3A_415, %swap3A_416, %swap3A_417] {strides = array<i32>} : memref<5x72x128xf32, #tpu.memory_space<vmem>>, vector<1x1x16xf32>,
        %swap3A_419 = vector.shape_cast %swap3A_418 : vector<1x1x16xf32> to vector<16xf32>
        %swap3A_420 = vector.shape_cast %broadcast_in_dim3A_413 : vector<16xf32> to vector<1x1x16xf32>
        tpu.vector_store %arg6[%swap3A_415, %swap3A_416, %swap3A_417], %swap3A_420 {strides = array<i32>} : memref<5x72x128xf32, #tpu.memory_space<vmem>>, vector<1x1x16xf32>,
        %broadcast_in_dim3A_421 = arith.constant 0.000000e+00 : f32
        %broadcast_in_dim3A_422 = vector.broadcast %broadcast_in_dim3A_421 : f32 to vector<16xf32>
        %swap3A_423 = arith.constant 0 : i32
        %swap3A_424 = arith.index_cast %swap3A_423 : i32 to index
        %swap3A_425 = arith.index_cast %scan3A_403 : i32 to index
        %swap3A_426 = arith.constant 32 : index
        %swap3A_427 = tpu.vector_load %arg6[%swap3A_424, %swap3A_425, %swap3A_426] {strides = array<i32>} : memref<5x72x128xf32, #tpu.memory_space<vmem>>, vector<1x1x16xf32>,
        %swap3A_428 = vector.shape_cast %swap3A_427 : vector<1x1x16xf32> to vector<16xf32>
        %swap3A_429 = vector.shape_cast %broadcast_in_dim3A_422 : vector<16xf32> to vector<1x1x16xf32>
        tpu.vector_store %arg6[%swap3A_424, %swap3A_425, %swap3A_426], %swap3A_429 {strides = array<i32>} : memref<5x72x128xf32, #tpu.memory_space<vmem>>, vector<1x1x16xf32>,
        %broadcast_in_dim3A_430 = arith.constant 0.000000e+00 : f32
        %broadcast_in_dim3A_431 = vector.broadcast %broadcast_in_dim3A_430 : f32 to vector<16xf32>
        %swap3A_432 = arith.constant 0 : i32
        %swap3A_433 = arith.index_cast %swap3A_432 : i32 to index
        %swap3A_434 = arith.index_cast %scan3A_403 : i32 to index
        %swap3A_435 = arith.constant 48 : index
        %swap3A_436 = tpu.vector_load %arg6[%swap3A_433, %swap3A_434, %swap3A_435] {strides = array<i32>} : memref<5x72x128xf32, #tpu.memory_space<vmem>>, vector<1x1x16xf32>,
        %swap3A_437 = vector.shape_cast %swap3A_436 : vector<1x1x16xf32> to vector<16xf32>
        %swap3A_438 = vector.shape_cast %broadcast_in_dim3A_431 : vector<16xf32> to vector<1x1x16xf32>
        tpu.vector_store %arg6[%swap3A_433, %swap3A_434, %swap3A_435], %swap3A_438 {strides = array<i32>} : memref<5x72x128xf32, #tpu.memory_space<vmem>>, vector<1x1x16xf32>,
        %broadcast_in_dim3A_439 = arith.constant 0.000000e+00 : f32
        %broadcast_in_dim3A_440 = vector.broadcast %broadcast_in_dim3A_439 : f32 to vector<16xf32>
        %swap3A_441 = arith.constant 0 : i32
        %swap3A_442 = arith.index_cast %swap3A_441 : i32 to index
        %swap3A_443 = arith.index_cast %scan3A_403 : i32 to index
        %swap3A_444 = arith.constant 64 : index
        %swap3A_445 = tpu.vector_load %arg6[%swap3A_442, %swap3A_443, %swap3A_444] {strides = array<i32>} : memref<5x72x128xf32, #tpu.memory_space<vmem>>, vector<1x1x16xf32>,
        %swap3A_446 = vector.shape_cast %swap3A_445 : vector<1x1x16xf32> to vector<16xf32>
        %swap3A_447 = vector.shape_cast %broadcast_in_dim3A_440 : vector<16xf32> to vector<1x1x16xf32>
        tpu.vector_store %arg6[%swap3A_442, %swap3A_443, %swap3A_444], %swap3A_447 {strides = array<i32>} : memref<5x72x128xf32, #tpu.memory_space<vmem>>, vector<1x1x16xf32>,
        %broadcast_in_dim3A_448 = arith.constant 0.000000e+00 : f32
        %broadcast_in_dim3A_449 = vector.broadcast %broadcast_in_dim3A_448 : f32 to vector<16xf32>
        %swap3A_450 = arith.constant 0 : i32
        %swap3A_451 = arith.index_cast %swap3A_450 : i32 to index
        %swap3A_452 = arith.index_cast %scan3A_403 : i32 to index
        %swap3A_453 = arith.constant 80 : index
        %swap3A_454 = tpu.vector_load %arg6[%swap3A_451, %swap3A_452, %swap3A_453] {strides = array<i32>} : memref<5x72x128xf32, #tpu.memory_space<vmem>>, vector<1x1x16xf32>,
        %swap3A_455 = vector.shape_cast %swap3A_454 : vector<1x1x16xf32> to vector<16xf32>
        %swap3A_456 = vector.shape_cast %broadcast_in_dim3A_449 : vector<16xf32> to vector<1x1x16xf32>
        tpu.vector_store %arg6[%swap3A_451, %swap3A_452, %swap3A_453], %swap3A_456 {strides = array<i32>} : memref<5x72x128xf32, #tpu.memory_space<vmem>>, vector<1x1x16xf32>,
        %broadcast_in_dim3A_457 = arith.constant 0.000000e+00 : f32
        %broadcast_in_dim3A_458 = vector.broadcast %broadcast_in_dim3A_457 : f32 to vector<16xf32>
        %swap3A_459 = arith.constant 0 : i32
        %swap3A_460 = arith.index_cast %swap3A_459 : i32 to index
        %swap3A_461 = arith.index_cast %scan3A_403 : i32 to index
        %swap3A_462 = arith.constant 96 : index
        %swap3A_463 = tpu.vector_load %arg6[%swap3A_460, %swap3A_461, %swap3A_462] {strides = array<i32>} : memref<5x72x128xf32, #tpu.memory_space<vmem>>, vector<1x1x16xf32>,
        %swap3A_464 = vector.shape_cast %swap3A_463 : vector<1x1x16xf32> to vector<16xf32>
        %swap3A_465 = vector.shape_cast %broadcast_in_dim3A_458 : vector<16xf32> to vector<1x1x16xf32>
        tpu.vector_store %arg6[%swap3A_460, %swap3A_461, %swap3A_462], %swap3A_465 {strides = array<i32>} : memref<5x72x128xf32, #tpu.memory_space<vmem>>, vector<1x1x16xf32>,
        %broadcast_in_dim3A_466 = arith.constant 0.000000e+00 : f32
        %broadcast_in_dim3A_467 = vector.broadcast %broadcast_in_dim3A_466 : f32 to vector<16xf32>
        %swap3A_468 = arith.constant 0 : i32
        %swap3A_469 = arith.index_cast %swap3A_468 : i32 to index
        %swap3A_470 = arith.index_cast %scan3A_403 : i32 to index
        %swap3A_471 = arith.constant 112 : index
        %swap3A_472 = tpu.vector_load %arg6[%swap3A_469, %swap3A_470, %swap3A_471] {strides = array<i32>} : memref<5x72x128xf32, #tpu.memory_space<vmem>>, vector<1x1x16xf32>,
        %swap3A_473 = vector.shape_cast %swap3A_472 : vector<1x1x16xf32> to vector<16xf32>
        %swap3A_474 = vector.shape_cast %broadcast_in_dim3A_467 : vector<16xf32> to vector<1x1x16xf32>
        tpu.vector_store %arg6[%swap3A_469, %swap3A_470, %swap3A_471], %swap3A_474 {strides = array<i32>} : memref<5x72x128xf32, #tpu.memory_space<vmem>>, vector<1x1x16xf32>,
        %scan3A_475 = arith.constant 0 : i32
        scf.yield %scan3A_475 : i32
      }
      %scan3A_388 = arith.constant 64 : i32
      %scan3A_389 = arith.constant 0 : i32
      %scan3A_390 = arith.constant 0 : i32
      %scan3A_391 = arith.constant 10 : i32
      %scan3A_392 = arith.addi %scan3A_390, %scan3A_391 : i32
      %scan3A_393 = arith.constant 1 : i32
      %scan3A_394 = scf.for %scan3A_403 = %scan3A_390 to %scan3A_392 step %scan3A_393 iter_args(%scan3A_404 = %scan3A_389) -> (i32)  : i32 {
        %mul3A_405 = arith.constant 64 : i32
        %mul3A_406 = arith.muli %scan3A_403, %mul3A_405 : i32
        %add3A_407 = arith.addi %mul3A_2, %mul3A_406 : i32
        %dma_start3A_408 = arith.constant 0 : i32
        %dma_start3A_409 = arith.constant 0 : i32
        %dma_start3A_410 = arith.constant 0 : i32
        %dma_start3A_411 = arith.constant 0 : i32
        %dma_start3A_412 = tpu.memref_slice %arg6[%dma_start3A_408, %dma_start3A_410, %dma_start3A_411] : memref<5x72x128xf32, #tpu.memory_space<vmem>> -> memref<1x64x128xf32, #tpu.memory_space<vmem>>
        %dma_start3A_413 = tpu.memref_squeeze %dma_start3A_412 : memref<1x64x128xf32, #tpu.memory_space<vmem>> -> memref<64x128xf32, #tpu.memory_space<vmem>>
        %dma_start3A_414 = arith.constant 0 : i32
        %dma_start3A_415 = tpu.memref_slice %arg7[%add3A_407, %dma_start3A_414] : memref<10240x128xf32, #tpu.memory_space<vmem_shared>> -> memref<64x128xf32, #tpu.memory_space<vmem_shared>>
        %dma_start3A_416 = tpu.memref_slice %arg8[%dma_start3A_409] : memref<6x!tpu.dma_semaphore, #tpu.memory_space<semaphore_mem>> -> memref<1x!tpu.dma_semaphore, #tpu.memory_space<semaphore_mem>>
        %dma_start3A_417 = tpu.memref_squeeze %dma_start3A_416 : memref<1x!tpu.dma_semaphore, #tpu.memory_space<semaphore_mem>> -> memref<!tpu.dma_semaphore, #tpu.memory_space<semaphore_mem>>
        %dma_start3A_418 = arith.constant 0 : i32
        %dma_start3A_419 = tpu.memref_slice %arg7[%add3A_407, %dma_start3A_418] : memref<10240x128xf32, #tpu.memory_space<vmem_shared>> -> memref<64x128xf32, #tpu.memory_space<vmem_shared>>
        %dma_start3A_420 = arith.constant 0 : i32
        %dma_start3A_421 = arith.constant 0 : i32
        %dma_start3A_422 = tpu.memref_slice %arg6[%dma_start3A_408, %dma_start3A_420, %dma_start3A_421] : memref<5x72x128xf32, #tpu.memory_space<vmem>> -> memref<1x64x128xf32, #tpu.memory_space<vmem>>
        %dma_start3A_423 = tpu.memref_squeeze %dma_start3A_422 : memref<1x64x128xf32, #tpu.memory_space<vmem>> -> memref<64x128xf32, #tpu.memory_space<vmem>>
        tpu.enqueue_dma source(%dma_start3A_423 : memref<64x128xf32, #tpu.memory_space<vmem>>) target(%dma_start3A_419 : memref<64x128xf32, #tpu.memory_space<vmem_shared>>) target_semaphore(%dma_start3A_417 : memref<!tpu.dma_semaphore, #tpu.memory_space<semaphore_mem>>)
        %scan3A_424 = arith.constant 0 : i32
        scf.yield %scan3A_424 : i32
      }
      %scan3A_395 = arith.constant 10 : i32
      %scan3A_396 = arith.constant 0 : i32
      %scan3A_397 = arith.constant 0 : i32
      %scan3A_398 = arith.constant 10 : i32
      %scan3A_399 = arith.addi %scan3A_397, %scan3A_398 : i32
      %scan3A_400 = arith.constant 1 : i32
      %scan3A_401 = scf.for %scan3A_403 = %scan3A_397 to %scan3A_399 step %scan3A_400 iter_args(%scan3A_404 = %scan3A_396) -> (i32)  : i32 {
        %mul3A_405 = arith.constant 64 : i32
        %mul3A_406 = arith.muli %scan3A_403, %mul3A_405 : i32
        %add3A_407 = arith.addi %mul3A_2, %mul3A_406 : i32
        %dma_wait3A_408 = arith.constant 0 : i32
        %dma_wait3A_409 = arith.constant 0 : i32
        %dma_wait3A_410 = arith.constant 0 : i32
        %dma_wait3A_411 = arith.constant 0 : i32
        %dma_wait3A_412 = tpu.memref_slice %arg6[%dma_wait3A_408, %dma_wait3A_410, %dma_wait3A_411] : memref<5x72x128xf32, #tpu.memory_space<vmem>> -> memref<1x64x128xf32, #tpu.memory_space<vmem>>
        %dma_wait3A_413 = tpu.memref_squeeze %dma_wait3A_412 : memref<1x64x128xf32, #tpu.memory_space<vmem>> -> memref<64x128xf32, #tpu.memory_space<vmem>>
        %dma_wait3A_414 = arith.constant 0 : i32
        %dma_wait3A_415 = tpu.memref_slice %arg7[%add3A_407, %dma_wait3A_414] : memref<10240x128xf32, #tpu.memory_space<vmem_shared>> -> memref<64x128xf32, #tpu.memory_space<vmem_shared>>
        %dma_wait3A_416 = tpu.memref_slice %arg8[%dma_wait3A_409] : memref<6x!tpu.dma_semaphore, #tpu.memory_space<semaphore_mem>> -> memref<1x!tpu.dma_semaphore, #tpu.memory_space<semaphore_mem>>
        %dma_wait3A_417 = tpu.memref_squeeze %dma_wait3A_416 : memref<1x!tpu.dma_semaphore, #tpu.memory_space<semaphore_mem>> -> memref<!tpu.dma_semaphore, #tpu.memory_space<semaphore_mem>>
        %dma_wait3A_418 = arith.constant 0 : i32
        %dma_wait3A_419 = tpu.memref_slice %arg7[%add3A_407, %dma_wait3A_418] : memref<10240x128xf32, #tpu.memory_space<vmem_shared>> -> memref<64x128xf32, #tpu.memory_space<vmem_shared>>
        %dma_wait3A_420 = arith.constant 0 : i32
        %dma_wait3A_421 = arith.constant 0 : i32
        %dma_wait3A_422 = tpu.memref_slice %arg6[%dma_wait3A_408, %dma_wait3A_420, %dma_wait3A_421] : memref<5x72x128xf32, #tpu.memory_space<vmem>> -> memref<1x64x128xf32, #tpu.memory_space<vmem>>
        %dma_wait3A_423 = tpu.memref_squeeze %dma_wait3A_422 : memref<1x64x128xf32, #tpu.memory_space<vmem>> -> memref<64x128xf32, #tpu.memory_space<vmem>>
        tpu.wait_dma2 semaphore(%dma_wait3A_417 : memref<!tpu.dma_semaphore, #tpu.memory_space<semaphore_mem>>) src(%dma_wait3A_423 : memref<64x128xf32, #tpu.memory_space<vmem>>) dst(%dma_wait3A_419 : memref<64x128xf32, #tpu.memory_space<vmem_shared>>)
        %scan3A_424 = arith.constant 0 : i32
        scf.yield %scan3A_424 : i32
      }
      %scan3A_402 = arith.constant 10 : i32
    } else {
    }
    %barrier3A = arith.constant 0 : index
    tpu.barrier barrier_id(%barrier3A)
    %rem3A = arith.constant 0 : i32
    %rem3A_9 = arith.constant 6 : i32
    %rem3A_10 = arith.remsi %rem3A, %rem3A_9 : i32
    %dma_start3A = arith.constant 0 : i32
    %dma_start3A_11 = arith.constant 0 : i32
    %dma_start3A_12 = arith.constant 0 : i32
    %dma_start3A_13 = tpu.memref_slice %arg5[%rem3A_10, %dma_start3A_11, %dma_start3A_12] : memref<6x2x72xi32, #tpu.memory_space<vmem>> -> memref<1x2x72xi32, #tpu.memory_space<vmem>>
    %dma_start3A_14 = tpu.memref_squeeze %dma_start3A_13 : memref<1x2x72xi32, #tpu.memory_space<vmem>> -> memref<2x72xi32, #tpu.memory_space<vmem>>
    %dma_start3A_15 = arith.constant 0 : i32
    %dma_start3A_16 = arith.constant 0 : i32
    %dma_start3A_17 = tpu.memref_slice %arg3[%add3A, %dma_start3A, %dma_start3A_15, %dma_start3A_16] : memref<32x139x2x72xi32, #tpu.memory_space<hbm>> -> memref<1x1x2x72xi32, #tpu.memory_space<hbm>>
    %dma_start3A_18 = tpu.memref_squeeze %dma_start3A_17 : memref<1x1x2x72xi32, #tpu.memory_space<hbm>> -> memref<2x72xi32, #tpu.memory_space<hbm>>
    %dma_start3A_19 = tpu.memref_slice %arg8[%rem3A_10] : memref<6x!tpu.dma_semaphore, #tpu.memory_space<semaphore_mem>> -> memref<1x!tpu.dma_semaphore, #tpu.memory_space<semaphore_mem>>
    %dma_start3A_20 = tpu.memref_squeeze %dma_start3A_19 : memref<1x!tpu.dma_semaphore, #tpu.memory_space<semaphore_mem>> -> memref<!tpu.dma_semaphore, #tpu.memory_space<semaphore_mem>>
    %dma_start3A_21 = arith.constant 0 : i32
    %dma_start3A_22 = arith.constant 0 : i32
    %dma_start3A_23 = tpu.memref_slice %arg5[%rem3A_10, %dma_start3A_21, %dma_start3A_22] : memref<6x2x72xi32, #tpu.memory_space<vmem>> -> memref<1x2x72xi32, #tpu.memory_space<vmem>>
    %dma_start3A_24 = tpu.memref_squeeze %dma_start3A_23 : memref<1x2x72xi32, #tpu.memory_space<vmem>> -> memref<2x72xi32, #tpu.memory_space<vmem>>
    %dma_start3A_25 = arith.constant 0 : i32
    %dma_start3A_26 = arith.constant 0 : i32
    %dma_start3A_27 = tpu.memref_slice %arg3[%add3A, %dma_start3A, %dma_start3A_25, %dma_start3A_26] : memref<32x139x2x72xi32, #tpu.memory_space<hbm>> -> memref<1x1x2x72xi32, #tpu.memory_space<hbm>>
    %dma_start3A_28 = tpu.memref_squeeze %dma_start3A_27 : memref<1x1x2x72xi32, #tpu.memory_space<hbm>> -> memref<2x72xi32, #tpu.memory_space<hbm>>
    tpu.enqueue_dma source(%dma_start3A_28 : memref<2x72xi32, #tpu.memory_space<hbm>>) target(%dma_start3A_24 : memref<2x72xi32, #tpu.memory_space<vmem>>) target_semaphore(%dma_start3A_20 : memref<!tpu.dma_semaphore, #tpu.memory_space<semaphore_mem>>)
    %rem3A_29 = arith.constant 1 : i32
    %rem3A_30 = arith.constant 6 : i32
    %rem3A_31 = arith.remsi %rem3A_29, %rem3A_30 : i32
    %dma_start3A_32 = arith.constant 1 : i32
    %dma_start3A_33 = arith.constant 0 : i32
    %dma_start3A_34 = arith.constant 0 : i32
    %dma_start3A_35 = tpu.memref_slice %arg5[%rem3A_31, %dma_start3A_33, %dma_start3A_34] : memref<6x2x72xi32, #tpu.memory_space<vmem>> -> memref<1x2x72xi32, #tpu.memory_space<vmem>>
    %dma_start3A_36 = tpu.memref_squeeze %dma_start3A_35 : memref<1x2x72xi32, #tpu.memory_space<vmem>> -> memref<2x72xi32, #tpu.memory_space<vmem>>
    %dma_start3A_37 = arith.constant 0 : i32
    %dma_start3A_38 = arith.constant 0 : i32
    %dma_start3A_39 = tpu.memref_slice %arg3[%add3A, %dma_start3A_32, %dma_start3A_37, %dma_start3A_38] : memref<32x139x2x72xi32, #tpu.memory_space<hbm>> -> memref<1x1x2x72xi32, #tpu.memory_space<hbm>>
    %dma_start3A_40 = tpu.memref_squeeze %dma_start3A_39 : memref<1x1x2x72xi32, #tpu.memory_space<hbm>> -> memref<2x72xi32, #tpu.memory_space<hbm>>
    %dma_start3A_41 = tpu.memref_slice %arg8[%rem3A_31] : memref<6x!tpu.dma_semaphore, #tpu.memory_space<semaphore_mem>> -> memref<1x!tpu.dma_semaphore, #tpu.memory_space<semaphore_mem>>
    %dma_start3A_42 = tpu.memref_squeeze %dma_start3A_41 : memref<1x!tpu.dma_semaphore, #tpu.memory_space<semaphore_mem>> -> memref<!tpu.dma_semaphore, #tpu.memory_space<semaphore_mem>>
    %dma_start3A_43 = arith.constant 0 : i32
    %dma_start3A_44 = arith.constant 0 : i32
    %dma_start3A_45 = tpu.memref_slice %arg5[%rem3A_31, %dma_start3A_43, %dma_start3A_44] : memref<6x2x72xi32, #tpu.memory_space<vmem>> -> memref<1x2x72xi32, #tpu.memory_space<vmem>>
    %dma_start3A_46 = tpu.memref_squeeze %dma_start3A_45 : memref<1x2x72xi32, #tpu.memory_space<vmem>> -> memref<2x72xi32, #tpu.memory_space<vmem>>
    %dma_start3A_47 = arith.constant 0 : i32
    %dma_start3A_48 = arith.constant 0 : i32
    %dma_start3A_49 = tpu.memref_slice %arg3[%add3A, %dma_start3A_32, %dma_start3A_47, %dma_start3A_48] : memref<32x139x2x72xi32, #tpu.memory_space<hbm>> -> memref<1x1x2x72xi32, #tpu.memory_space<hbm>>
    %dma_start3A_50 = tpu.memref_squeeze %dma_start3A_49 : memref<1x1x2x72xi32, #tpu.memory_space<hbm>> -> memref<2x72xi32, #tpu.memory_space<hbm>>
    tpu.enqueue_dma source(%dma_start3A_50 : memref<2x72xi32, #tpu.memory_space<hbm>>) target(%dma_start3A_46 : memref<2x72xi32, #tpu.memory_space<vmem>>) target_semaphore(%dma_start3A_42 : memref<!tpu.dma_semaphore, #tpu.memory_space<semaphore_mem>>)
    %rem3A_51 = arith.constant 2 : i32
    %rem3A_52 = arith.constant 6 : i32
    %rem3A_53 = arith.remsi %rem3A_51, %rem3A_52 : i32
    %dma_start3A_54 = arith.constant 2 : i32
    %dma_start3A_55 = arith.constant 0 : i32
    %dma_start3A_56 = arith.constant 0 : i32
    %dma_start3A_57 = tpu.memref_slice %arg5[%rem3A_53, %dma_start3A_55, %dma_start3A_56] : memref<6x2x72xi32, #tpu.memory_space<vmem>> -> memref<1x2x72xi32, #tpu.memory_space<vmem>>
    %dma_start3A_58 = tpu.memref_squeeze %dma_start3A_57 : memref<1x2x72xi32, #tpu.memory_space<vmem>> -> memref<2x72xi32, #tpu.memory_space<vmem>>
    %dma_start3A_59 = arith.constant 0 : i32
    %dma_start3A_60 = arith.constant 0 : i32
    %dma_start3A_61 = tpu.memref_slice %arg3[%add3A, %dma_start3A_54, %dma_start3A_59, %dma_start3A_60] : memref<32x139x2x72xi32, #tpu.memory_space<hbm>> -> memref<1x1x2x72xi32, #tpu.memory_space<hbm>>
    %dma_start3A_62 = tpu.memref_squeeze %dma_start3A_61 : memref<1x1x2x72xi32, #tpu.memory_space<hbm>> -> memref<2x72xi32, #tpu.memory_space<hbm>>
    %dma_start3A_63 = tpu.memref_slice %arg8[%rem3A_53] : memref<6x!tpu.dma_semaphore, #tpu.memory_space<semaphore_mem>> -> memref<1x!tpu.dma_semaphore, #tpu.memory_space<semaphore_mem>>
    %dma_start3A_64 = tpu.memref_squeeze %dma_start3A_63 : memref<1x!tpu.dma_semaphore, #tpu.memory_space<semaphore_mem>> -> memref<!tpu.dma_semaphore, #tpu.memory_space<semaphore_mem>>
    %dma_start3A_65 = arith.constant 0 : i32
    %dma_start3A_66 = arith.constant 0 : i32
    %dma_start3A_67 = tpu.memref_slice %arg5[%rem3A_53, %dma_start3A_65, %dma_start3A_66] : memref<6x2x72xi32, #tpu.memory_space<vmem>> -> memref<1x2x72xi32, #tpu.memory_space<vmem>>
    %dma_start3A_68 = tpu.memref_squeeze %dma_start3A_67 : memref<1x2x72xi32, #tpu.memory_space<vmem>> -> memref<2x72xi32, #tpu.memory_space<vmem>>
    %dma_start3A_69 = arith.constant 0 : i32
    %dma_start3A_70 = arith.constant 0 : i32
    %dma_start3A_71 = tpu.memref_slice %arg3[%add3A, %dma_start3A_54, %dma_start3A_69, %dma_start3A_70] : memref<32x139x2x72xi32, #tpu.memory_space<hbm>> -> memref<1x1x2x72xi32, #tpu.memory_space<hbm>>
    %dma_start3A_72 = tpu.memref_squeeze %dma_start3A_71 : memref<1x1x2x72xi32, #tpu.memory_space<hbm>> -> memref<2x72xi32, #tpu.memory_space<hbm>>
    tpu.enqueue_dma source(%dma_start3A_72 : memref<2x72xi32, #tpu.memory_space<hbm>>) target(%dma_start3A_68 : memref<2x72xi32, #tpu.memory_space<vmem>>) target_semaphore(%dma_start3A_64 : memref<!tpu.dma_semaphore, #tpu.memory_space<semaphore_mem>>)
    %rem3A_73 = arith.constant 3 : i32
    %rem3A_74 = arith.constant 6 : i32
    %rem3A_75 = arith.remsi %rem3A_73, %rem3A_74 : i32
    %dma_start3A_76 = arith.constant 3 : i32
    %dma_start3A_77 = arith.constant 0 : i32
    %dma_start3A_78 = arith.constant 0 : i32
    %dma_start3A_79 = tpu.memref_slice %arg5[%rem3A_75, %dma_start3A_77, %dma_start3A_78] : memref<6x2x72xi32, #tpu.memory_space<vmem>> -> memref<1x2x72xi32, #tpu.memory_space<vmem>>
    %dma_start3A_80 = tpu.memref_squeeze %dma_start3A_79 : memref<1x2x72xi32, #tpu.memory_space<vmem>> -> memref<2x72xi32, #tpu.memory_space<vmem>>
    %dma_start3A_81 = arith.constant 0 : i32
    %dma_start3A_82 = arith.constant 0 : i32
    %dma_start3A_83 = tpu.memref_slice %arg3[%add3A, %dma_start3A_76, %dma_start3A_81, %dma_start3A_82] : memref<32x139x2x72xi32, #tpu.memory_space<hbm>> -> memref<1x1x2x72xi32, #tpu.memory_space<hbm>>
    %dma_start3A_84 = tpu.memref_squeeze %dma_start3A_83 : memref<1x1x2x72xi32, #tpu.memory_space<hbm>> -> memref<2x72xi32, #tpu.memory_space<hbm>>
    %dma_start3A_85 = tpu.memref_slice %arg8[%rem3A_75] : memref<6x!tpu.dma_semaphore, #tpu.memory_space<semaphore_mem>> -> memref<1x!tpu.dma_semaphore, #tpu.memory_space<semaphore_mem>>
    %dma_start3A_86 = tpu.memref_squeeze %dma_start3A_85 : memref<1x!tpu.dma_semaphore, #tpu.memory_space<semaphore_mem>> -> memref<!tpu.dma_semaphore, #tpu.memory_space<semaphore_mem>>
    %dma_start3A_87 = arith.constant 0 : i32
    %dma_start3A_88 = arith.constant 0 : i32
    %dma_start3A_89 = tpu.memref_slice %arg5[%rem3A_75, %dma_start3A_87, %dma_start3A_88] : memref<6x2x72xi32, #tpu.memory_space<vmem>> -> memref<1x2x72xi32, #tpu.memory_space<vmem>>
    %dma_start3A_90 = tpu.memref_squeeze %dma_start3A_89 : memref<1x2x72xi32, #tpu.memory_space<vmem>> -> memref<2x72xi32, #tpu.memory_space<vmem>>
    %dma_start3A_91 = arith.constant 0 : i32
    %dma_start3A_92 = arith.constant 0 : i32
    %dma_start3A_93 = tpu.memref_slice %arg3[%add3A, %dma_start3A_76, %dma_start3A_91, %dma_start3A_92] : memref<32x139x2x72xi32, #tpu.memory_space<hbm>> -> memref<1x1x2x72xi32, #tpu.memory_space<hbm>>
    %dma_start3A_94 = tpu.memref_squeeze %dma_start3A_93 : memref<1x1x2x72xi32, #tpu.memory_space<hbm>> -> memref<2x72xi32, #tpu.memory_space<hbm>>
    tpu.enqueue_dma source(%dma_start3A_94 : memref<2x72xi32, #tpu.memory_space<hbm>>) target(%dma_start3A_90 : memref<2x72xi32, #tpu.memory_space<vmem>>) target_semaphore(%dma_start3A_86 : memref<!tpu.dma_semaphore, #tpu.memory_space<semaphore_mem>>)
    %rem3A_95 = arith.constant 4 : i32
    %rem3A_96 = arith.constant 6 : i32
    %rem3A_97 = arith.remsi %rem3A_95, %rem3A_96 : i32
    %dma_start3A_98 = arith.constant 4 : i32
    %dma_start3A_99 = arith.constant 0 : i32
    %dma_start3A_100 = arith.constant 0 : i32
    %dma_start3A_101 = tpu.memref_slice %arg5[%rem3A_97, %dma_start3A_99, %dma_start3A_100] : memref<6x2x72xi32, #tpu.memory_space<vmem>> -> memref<1x2x72xi32, #tpu.memory_space<vmem>>
    %dma_start3A_102 = tpu.memref_squeeze %dma_start3A_101 : memref<1x2x72xi32, #tpu.memory_space<vmem>> -> memref<2x72xi32, #tpu.memory_space<vmem>>
    %dma_start3A_103 = arith.constant 0 : i32
    %dma_start3A_104 = arith.constant 0 : i32
    %dma_start3A_105 = tpu.memref_slice %arg3[%add3A, %dma_start3A_98, %dma_start3A_103, %dma_start3A_104] : memref<32x139x2x72xi32, #tpu.memory_space<hbm>> -> memref<1x1x2x72xi32, #tpu.memory_space<hbm>>
    %dma_start3A_106 = tpu.memref_squeeze %dma_start3A_105 : memref<1x1x2x72xi32, #tpu.memory_space<hbm>> -> memref<2x72xi32, #tpu.memory_space<hbm>>
    %dma_start3A_107 = tpu.memref_slice %arg8[%rem3A_97] : memref<6x!tpu.dma_semaphore, #tpu.memory_space<semaphore_mem>> -> memref<1x!tpu.dma_semaphore, #tpu.memory_space<semaphore_mem>>
    %dma_start3A_108 = tpu.memref_squeeze %dma_start3A_107 : memref<1x!tpu.dma_semaphore, #tpu.memory_space<semaphore_mem>> -> memref<!tpu.dma_semaphore, #tpu.memory_space<semaphore_mem>>
    %dma_start3A_109 = arith.constant 0 : i32
    %dma_start3A_110 = arith.constant 0 : i32
    %dma_start3A_111 = tpu.memref_slice %arg5[%rem3A_97, %dma_start3A_109, %dma_start3A_110] : memref<6x2x72xi32, #tpu.memory_space<vmem>> -> memref<1x2x72xi32, #tpu.memory_space<vmem>>
    %dma_start3A_112 = tpu.memref_squeeze %dma_start3A_111 : memref<1x2x72xi32, #tpu.memory_space<vmem>> -> memref<2x72xi32, #tpu.memory_space<vmem>>
    %dma_start3A_113 = arith.constant 0 : i32
    %dma_start3A_114 = arith.constant 0 : i32
    %dma_start3A_115 = tpu.memref_slice %arg3[%add3A, %dma_start3A_98, %dma_start3A_113, %dma_start3A_114] : memref<32x139x2x72xi32, #tpu.memory_space<hbm>> -> memref<1x1x2x72xi32, #tpu.memory_space<hbm>>
    %dma_start3A_116 = tpu.memref_squeeze %dma_start3A_115 : memref<1x1x2x72xi32, #tpu.memory_space<hbm>> -> memref<2x72xi32, #tpu.memory_space<hbm>>
    tpu.enqueue_dma source(%dma_start3A_116 : memref<2x72xi32, #tpu.memory_space<hbm>>) target(%dma_start3A_112 : memref<2x72xi32, #tpu.memory_space<vmem>>) target_semaphore(%dma_start3A_108 : memref<!tpu.dma_semaphore, #tpu.memory_space<semaphore_mem>>)
    %rem3A_117 = arith.constant 0 : i32
    %rem3A_118 = arith.constant 6 : i32
    %rem3A_119 = arith.remsi %rem3A_117, %rem3A_118 : i32
    %dma_wait3A = arith.constant 0 : i32
    %dma_wait3A_120 = arith.constant 0 : i32
    %dma_wait3A_121 = arith.constant 0 : i32
    %dma_wait3A_122 = tpu.memref_slice %arg5[%rem3A_119, %dma_wait3A_120, %dma_wait3A_121] : memref<6x2x72xi32, #tpu.memory_space<vmem>> -> memref<1x2x72xi32, #tpu.memory_space<vmem>>
    %dma_wait3A_123 = tpu.memref_squeeze %dma_wait3A_122 : memref<1x2x72xi32, #tpu.memory_space<vmem>> -> memref<2x72xi32, #tpu.memory_space<vmem>>
    %dma_wait3A_124 = arith.constant 0 : i32
    %dma_wait3A_125 = arith.constant 0 : i32
    %dma_wait3A_126 = tpu.memref_slice %arg3[%add3A, %dma_wait3A, %dma_wait3A_124, %dma_wait3A_125] : memref<32x139x2x72xi32, #tpu.memory_space<hbm>> -> memref<1x1x2x72xi32, #tpu.memory_space<hbm>>
    %dma_wait3A_127 = tpu.memref_squeeze %dma_wait3A_126 : memref<1x1x2x72xi32, #tpu.memory_space<hbm>> -> memref<2x72xi32, #tpu.memory_space<hbm>>
    %dma_wait3A_128 = tpu.memref_slice %arg8[%rem3A_119] : memref<6x!tpu.dma_semaphore, #tpu.memory_space<semaphore_mem>> -> memref<1x!tpu.dma_semaphore, #tpu.memory_space<semaphore_mem>>
    %dma_wait3A_129 = tpu.memref_squeeze %dma_wait3A_128 : memref<1x!tpu.dma_semaphore, #tpu.memory_space<semaphore_mem>> -> memref<!tpu.dma_semaphore, #tpu.memory_space<semaphore_mem>>
    %dma_wait3A_130 = arith.constant 0 : i32
    %dma_wait3A_131 = arith.constant 0 : i32
    %dma_wait3A_132 = tpu.memref_slice %arg5[%rem3A_119, %dma_wait3A_130, %dma_wait3A_131] : memref<6x2x72xi32, #tpu.memory_space<vmem>> -> memref<1x2x72xi32, #tpu.memory_space<vmem>>
    %dma_wait3A_133 = tpu.memref_squeeze %dma_wait3A_132 : memref<1x2x72xi32, #tpu.memory_space<vmem>> -> memref<2x72xi32, #tpu.memory_space<vmem>>
    %dma_wait3A_134 = arith.constant 0 : i32
    %dma_wait3A_135 = arith.constant 0 : i32
    %dma_wait3A_136 = tpu.memref_slice %arg3[%add3A, %dma_wait3A, %dma_wait3A_134, %dma_wait3A_135] : memref<32x139x2x72xi32, #tpu.memory_space<hbm>> -> memref<1x1x2x72xi32, #tpu.memory_space<hbm>>
    %dma_wait3A_137 = tpu.memref_squeeze %dma_wait3A_136 : memref<1x1x2x72xi32, #tpu.memory_space<hbm>> -> memref<2x72xi32, #tpu.memory_space<hbm>>
    tpu.wait_dma2 semaphore(%dma_wait3A_129 : memref<!tpu.dma_semaphore, #tpu.memory_space<semaphore_mem>>) src(%dma_wait3A_137 : memref<2x72xi32, #tpu.memory_space<hbm>>) dst(%dma_wait3A_133 : memref<2x72xi32, #tpu.memory_space<vmem>>)
    %rem3A_138 = arith.constant 0 : i32
    %rem3A_139 = arith.constant 6 : i32
    %rem3A_140 = arith.remsi %rem3A_138, %rem3A_139 : i32
    %rem3A_141 = arith.constant 0 : i32
    %rem3A_142 = arith.constant 5 : i32
    %rem3A_143 = arith.remsi %rem3A_141, %rem3A_142 : i32
    %dma_start3A_144 = arith.constant 0 : i32
    %dma_start3A_145 = arith.constant 0 : i32
    %dma_start3A_146 = arith.constant 0 : i32
    %dma_start3A_147 = tpu.memref_slice %arg6[%rem3A_143, %dma_start3A_145, %dma_start3A_146] : memref<5x72x128xf32, #tpu.memory_space<vmem>> -> memref<1x72x128xf32, #tpu.memory_space<vmem>>
    %dma_start3A_148 = tpu.memref_squeeze %dma_start3A_147 : memref<1x72x128xf32, #tpu.memory_space<vmem>> -> memref<72x128xf32, #tpu.memory_space<vmem>>
    %dma_start3A_149 = arith.constant 0 : i32
    %dma_start3A_150 = tpu.memref_slice %arg5[%rem3A_140, %dma_start3A_144, %dma_start3A_149] : memref<6x2x72xi32, #tpu.memory_space<vmem>> -> memref<1x1x72xi32, #tpu.memory_space<vmem>>
    %dma_start3A_151 = tpu.memref_squeeze %dma_start3A_150 : memref<1x1x72xi32, #tpu.memory_space<vmem>> -> memref<72xi32, #tpu.memory_space<vmem>>
    %dma_start3A_152 = arith.constant 0 : i32
    %dma_start3A_153 = arith.constant 0 : i32
    %dma_start3A_154 = tpu.memref_slice %arg2[%dma_start3A_152, %dma_start3A_153] : memref<10240x128xf32, #tpu.memory_space<hbm>> -> memref<10240x128xf32, #tpu.memory_space<hbm>>
    %dma_start3A_155 = tpu.memref_slice %arg9[%rem3A_143] : memref<5x!tpu.dma_semaphore, #tpu.memory_space<semaphore_mem>> -> memref<1x!tpu.dma_semaphore, #tpu.memory_space<semaphore_mem>>
    %dma_start3A_156 = tpu.memref_squeeze %dma_start3A_155 : memref<1x!tpu.dma_semaphore, #tpu.memory_space<semaphore_mem>> -> memref<!tpu.dma_semaphore, #tpu.memory_space<semaphore_mem>>
    tpu.enqueue_indirect_dma source(%dma_start3A_154 : memref<10240x128xf32, #tpu.memory_space<hbm>>) target(%dma_start3A_148 : memref<72x128xf32, #tpu.memory_space<vmem>>) offsets(%dma_start3A_151 : memref<72xi32, #tpu.memory_space<vmem>>) semaphore(%dma_start3A_156 : memref<!tpu.dma_semaphore, #tpu.memory_space<semaphore_mem>>)
    %rem3A_157 = arith.constant 1 : i32
    %rem3A_158 = arith.constant 6 : i32
    %rem3A_159 = arith.remsi %rem3A_157, %rem3A_158 : i32
    %dma_wait3A_160 = arith.constant 1 : i32
    %dma_wait3A_161 = arith.constant 0 : i32
    %dma_wait3A_162 = arith.constant 0 : i32
    %dma_wait3A_163 = tpu.memref_slice %arg5[%rem3A_159, %dma_wait3A_161, %dma_wait3A_162] : memref<6x2x72xi32, #tpu.memory_space<vmem>> -> memref<1x2x72xi32, #tpu.memory_space<vmem>>
    %dma_wait3A_164 = tpu.memref_squeeze %dma_wait3A_163 : memref<1x2x72xi32, #tpu.memory_space<vmem>> -> memref<2x72xi32, #tpu.memory_space<vmem>>
    %dma_wait3A_165 = arith.constant 0 : i32
    %dma_wait3A_166 = arith.constant 0 : i32
    %dma_wait3A_167 = tpu.memref_slice %arg3[%add3A, %dma_wait3A_160, %dma_wait3A_165, %dma_wait3A_166] : memref<32x139x2x72xi32, #tpu.memory_space<hbm>> -> memref<1x1x2x72xi32, #tpu.memory_space<hbm>>
    %dma_wait3A_168 = tpu.memref_squeeze %dma_wait3A_167 : memref<1x1x2x72xi32, #tpu.memory_space<hbm>> -> memref<2x72xi32, #tpu.memory_space<hbm>>
    %dma_wait3A_169 = tpu.memref_slice %arg8[%rem3A_159] : memref<6x!tpu.dma_semaphore, #tpu.memory_space<semaphore_mem>> -> memref<1x!tpu.dma_semaphore, #tpu.memory_space<semaphore_mem>>
    %dma_wait3A_170 = tpu.memref_squeeze %dma_wait3A_169 : memref<1x!tpu.dma_semaphore, #tpu.memory_space<semaphore_mem>> -> memref<!tpu.dma_semaphore, #tpu.memory_space<semaphore_mem>>
    %dma_wait3A_171 = arith.constant 0 : i32
    %dma_wait3A_172 = arith.constant 0 : i32
    %dma_wait3A_173 = tpu.memref_slice %arg5[%rem3A_159, %dma_wait3A_171, %dma_wait3A_172] : memref<6x2x72xi32, #tpu.memory_space<vmem>> -> memref<1x2x72xi32, #tpu.memory_space<vmem>>
    %dma_wait3A_174 = tpu.memref_squeeze %dma_wait3A_173 : memref<1x2x72xi32, #tpu.memory_space<vmem>> -> memref<2x72xi32, #tpu.memory_space<vmem>>
    %dma_wait3A_175 = arith.constant 0 : i32
    %dma_wait3A_176 = arith.constant 0 : i32
    %dma_wait3A_177 = tpu.memref_slice %arg3[%add3A, %dma_wait3A_160, %dma_wait3A_175, %dma_wait3A_176] : memref<32x139x2x72xi32, #tpu.memory_space<hbm>> -> memref<1x1x2x72xi32, #tpu.memory_space<hbm>>
    %dma_wait3A_178 = tpu.memref_squeeze %dma_wait3A_177 : memref<1x1x2x72xi32, #tpu.memory_space<hbm>> -> memref<2x72xi32, #tpu.memory_space<hbm>>
    tpu.wait_dma2 semaphore(%dma_wait3A_170 : memref<!tpu.dma_semaphore, #tpu.memory_space<semaphore_mem>>) src(%dma_wait3A_178 : memref<2x72xi32, #tpu.memory_space<hbm>>) dst(%dma_wait3A_174 : memref<2x72xi32, #tpu.memory_space<vmem>>)
    %rem3A_179 = arith.constant 1 : i32
    %rem3A_180 = arith.constant 6 : i32
    %rem3A_181 = arith.remsi %rem3A_179, %rem3A_180 : i32
    %rem3A_182 = arith.constant 1 : i32
    %rem3A_183 = arith.constant 5 : i32
    %rem3A_184 = arith.remsi %rem3A_182, %rem3A_183 : i32
    %dma_start3A_185 = arith.constant 0 : i32
    %dma_start3A_186 = arith.constant 0 : i32
    %dma_start3A_187 = arith.constant 0 : i32
    %dma_start3A_188 = tpu.memref_slice %arg6[%rem3A_184, %dma_start3A_186, %dma_start3A_187] : memref<5x72x128xf32, #tpu.memory_space<vmem>> -> memref<1x72x128xf32, #tpu.memory_space<vmem>>
    %dma_start3A_189 = tpu.memref_squeeze %dma_start3A_188 : memref<1x72x128xf32, #tpu.memory_space<vmem>> -> memref<72x128xf32, #tpu.memory_space<vmem>>
    %dma_start3A_190 = arith.constant 0 : i32
    %dma_start3A_191 = tpu.memref_slice %arg5[%rem3A_181, %dma_start3A_185, %dma_start3A_190] : memref<6x2x72xi32, #tpu.memory_space<vmem>> -> memref<1x1x72xi32, #tpu.memory_space<vmem>>
    %dma_start3A_192 = tpu.memref_squeeze %dma_start3A_191 : memref<1x1x72xi32, #tpu.memory_space<vmem>> -> memref<72xi32, #tpu.memory_space<vmem>>
    %dma_start3A_193 = arith.constant 0 : i32
    %dma_start3A_194 = arith.constant 0 : i32
    %dma_start3A_195 = tpu.memref_slice %arg2[%dma_start3A_193, %dma_start3A_194] : memref<10240x128xf32, #tpu.memory_space<hbm>> -> memref<10240x128xf32, #tpu.memory_space<hbm>>
    %dma_start3A_196 = tpu.memref_slice %arg9[%rem3A_184] : memref<5x!tpu.dma_semaphore, #tpu.memory_space<semaphore_mem>> -> memref<1x!tpu.dma_semaphore, #tpu.memory_space<semaphore_mem>>
    %dma_start3A_197 = tpu.memref_squeeze %dma_start3A_196 : memref<1x!tpu.dma_semaphore, #tpu.memory_space<semaphore_mem>> -> memref<!tpu.dma_semaphore, #tpu.memory_space<semaphore_mem>>
    tpu.enqueue_indirect_dma source(%dma_start3A_195 : memref<10240x128xf32, #tpu.memory_space<hbm>>) target(%dma_start3A_189 : memref<72x128xf32, #tpu.memory_space<vmem>>) offsets(%dma_start3A_192 : memref<72xi32, #tpu.memory_space<vmem>>) semaphore(%dma_start3A_197 : memref<!tpu.dma_semaphore, #tpu.memory_space<semaphore_mem>>)
    %rem3A_198 = arith.constant 2 : i32
    %rem3A_199 = arith.constant 6 : i32
    %rem3A_200 = arith.remsi %rem3A_198, %rem3A_199 : i32
    %dma_wait3A_201 = arith.constant 2 : i32
    %dma_wait3A_202 = arith.constant 0 : i32
    %dma_wait3A_203 = arith.constant 0 : i32
    %dma_wait3A_204 = tpu.memref_slice %arg5[%rem3A_200, %dma_wait3A_202, %dma_wait3A_203] : memref<6x2x72xi32, #tpu.memory_space<vmem>> -> memref<1x2x72xi32, #tpu.memory_space<vmem>>
    %dma_wait3A_205 = tpu.memref_squeeze %dma_wait3A_204 : memref<1x2x72xi32, #tpu.memory_space<vmem>> -> memref<2x72xi32, #tpu.memory_space<vmem>>
    %dma_wait3A_206 = arith.constant 0 : i32
    %dma_wait3A_207 = arith.constant 0 : i32
    %dma_wait3A_208 = tpu.memref_slice %arg3[%add3A, %dma_wait3A_201, %dma_wait3A_206, %dma_wait3A_207] : memref<32x139x2x72xi32, #tpu.memory_space<hbm>> -> memref<1x1x2x72xi32, #tpu.memory_space<hbm>>
    %dma_wait3A_209 = tpu.memref_squeeze %dma_wait3A_208 : memref<1x1x2x72xi32, #tpu.memory_space<hbm>> -> memref<2x72xi32, #tpu.memory_space<hbm>>
    %dma_wait3A_210 = tpu.memref_slice %arg8[%rem3A_200] : memref<6x!tpu.dma_semaphore, #tpu.memory_space<semaphore_mem>> -> memref<1x!tpu.dma_semaphore, #tpu.memory_space<semaphore_mem>>
    %dma_wait3A_211 = tpu.memref_squeeze %dma_wait3A_210 : memref<1x!tpu.dma_semaphore, #tpu.memory_space<semaphore_mem>> -> memref<!tpu.dma_semaphore, #tpu.memory_space<semaphore_mem>>
    %dma_wait3A_212 = arith.constant 0 : i32
    %dma_wait3A_213 = arith.constant 0 : i32
    %dma_wait3A_214 = tpu.memref_slice %arg5[%rem3A_200, %dma_wait3A_212, %dma_wait3A_213] : memref<6x2x72xi32, #tpu.memory_space<vmem>> -> memref<1x2x72xi32, #tpu.memory_space<vmem>>
    %dma_wait3A_215 = tpu.memref_squeeze %dma_wait3A_214 : memref<1x2x72xi32, #tpu.memory_space<vmem>> -> memref<2x72xi32, #tpu.memory_space<vmem>>
    %dma_wait3A_216 = arith.constant 0 : i32
    %dma_wait3A_217 = arith.constant 0 : i32
    %dma_wait3A_218 = tpu.memref_slice %arg3[%add3A, %dma_wait3A_201, %dma_wait3A_216, %dma_wait3A_217] : memref<32x139x2x72xi32, #tpu.memory_space<hbm>> -> memref<1x1x2x72xi32, #tpu.memory_space<hbm>>
    %dma_wait3A_219 = tpu.memref_squeeze %dma_wait3A_218 : memref<1x1x2x72xi32, #tpu.memory_space<hbm>> -> memref<2x72xi32, #tpu.memory_space<hbm>>
    tpu.wait_dma2 semaphore(%dma_wait3A_211 : memref<!tpu.dma_semaphore, #tpu.memory_space<semaphore_mem>>) src(%dma_wait3A_219 : memref<2x72xi32, #tpu.memory_space<hbm>>) dst(%dma_wait3A_215 : memref<2x72xi32, #tpu.memory_space<vmem>>)
    %rem3A_220 = arith.constant 2 : i32
    %rem3A_221 = arith.constant 6 : i32
    %rem3A_222 = arith.remsi %rem3A_220, %rem3A_221 : i32
    %rem3A_223 = arith.constant 2 : i32
    %rem3A_224 = arith.constant 5 : i32
    %rem3A_225 = arith.remsi %rem3A_223, %rem3A_224 : i32
    %dma_start3A_226 = arith.constant 0 : i32
    %dma_start3A_227 = arith.constant 0 : i32
    %dma_start3A_228 = arith.constant 0 : i32
    %dma_start3A_229 = tpu.memref_slice %arg6[%rem3A_225, %dma_start3A_227, %dma_start3A_228] : memref<5x72x128xf32, #tpu.memory_space<vmem>> -> memref<1x72x128xf32, #tpu.memory_space<vmem>>
    %dma_start3A_230 = tpu.memref_squeeze %dma_start3A_229 : memref<1x72x128xf32, #tpu.memory_space<vmem>> -> memref<72x128xf32, #tpu.memory_space<vmem>>
    %dma_start3A_231 = arith.constant 0 : i32
    %dma_start3A_232 = tpu.memref_slice %arg5[%rem3A_222, %dma_start3A_226, %dma_start3A_231] : memref<6x2x72xi32, #tpu.memory_space<vmem>> -> memref<1x1x72xi32, #tpu.memory_space<vmem>>
    %dma_start3A_233 = tpu.memref_squeeze %dma_start3A_232 : memref<1x1x72xi32, #tpu.memory_space<vmem>> -> memref<72xi32, #tpu.memory_space<vmem>>
    %dma_start3A_234 = arith.constant 0 : i32
    %dma_start3A_235 = arith.constant 0 : i32
    %dma_start3A_236 = tpu.memref_slice %arg2[%dma_start3A_234, %dma_start3A_235] : memref<10240x128xf32, #tpu.memory_space<hbm>> -> memref<10240x128xf32, #tpu.memory_space<hbm>>
    %dma_start3A_237 = tpu.memref_slice %arg9[%rem3A_225] : memref<5x!tpu.dma_semaphore, #tpu.memory_space<semaphore_mem>> -> memref<1x!tpu.dma_semaphore, #tpu.memory_space<semaphore_mem>>
    %dma_start3A_238 = tpu.memref_squeeze %dma_start3A_237 : memref<1x!tpu.dma_semaphore, #tpu.memory_space<semaphore_mem>> -> memref<!tpu.dma_semaphore, #tpu.memory_space<semaphore_mem>>
    tpu.enqueue_indirect_dma source(%dma_start3A_236 : memref<10240x128xf32, #tpu.memory_space<hbm>>) target(%dma_start3A_230 : memref<72x128xf32, #tpu.memory_space<vmem>>) offsets(%dma_start3A_233 : memref<72xi32, #tpu.memory_space<vmem>>) semaphore(%dma_start3A_238 : memref<!tpu.dma_semaphore, #tpu.memory_space<semaphore_mem>>)
    %rem3A_239 = arith.constant 3 : i32
    %rem3A_240 = arith.constant 6 : i32
    %rem3A_241 = arith.remsi %rem3A_239, %rem3A_240 : i32
    %dma_wait3A_242 = arith.constant 3 : i32
    %dma_wait3A_243 = arith.constant 0 : i32
    %dma_wait3A_244 = arith.constant 0 : i32
    %dma_wait3A_245 = tpu.memref_slice %arg5[%rem3A_241, %dma_wait3A_243, %dma_wait3A_244] : memref<6x2x72xi32, #tpu.memory_space<vmem>> -> memref<1x2x72xi32, #tpu.memory_space<vmem>>
    %dma_wait3A_246 = tpu.memref_squeeze %dma_wait3A_245 : memref<1x2x72xi32, #tpu.memory_space<vmem>> -> memref<2x72xi32, #tpu.memory_space<vmem>>
    %dma_wait3A_247 = arith.constant 0 : i32
    %dma_wait3A_248 = arith.constant 0 : i32
    %dma_wait3A_249 = tpu.memref_slice %arg3[%add3A, %dma_wait3A_242, %dma_wait3A_247, %dma_wait3A_248] : memref<32x139x2x72xi32, #tpu.memory_space<hbm>> -> memref<1x1x2x72xi32, #tpu.memory_space<hbm>>
    %dma_wait3A_250 = tpu.memref_squeeze %dma_wait3A_249 : memref<1x1x2x72xi32, #tpu.memory_space<hbm>> -> memref<2x72xi32, #tpu.memory_space<hbm>>
    %dma_wait3A_251 = tpu.memref_slice %arg8[%rem3A_241] : memref<6x!tpu.dma_semaphore, #tpu.memory_space<semaphore_mem>> -> memref<1x!tpu.dma_semaphore, #tpu.memory_space<semaphore_mem>>
    %dma_wait3A_252 = tpu.memref_squeeze %dma_wait3A_251 : memref<1x!tpu.dma_semaphore, #tpu.memory_space<semaphore_mem>> -> memref<!tpu.dma_semaphore, #tpu.memory_space<semaphore_mem>>
    %dma_wait3A_253 = arith.constant 0 : i32
    %dma_wait3A_254 = arith.constant 0 : i32
    %dma_wait3A_255 = tpu.memref_slice %arg5[%rem3A_241, %dma_wait3A_253, %dma_wait3A_254] : memref<6x2x72xi32, #tpu.memory_space<vmem>> -> memref<1x2x72xi32, #tpu.memory_space<vmem>>
    %dma_wait3A_256 = tpu.memref_squeeze %dma_wait3A_255 : memref<1x2x72xi32, #tpu.memory_space<vmem>> -> memref<2x72xi32, #tpu.memory_space<vmem>>
    %dma_wait3A_257 = arith.constant 0 : i32
    %dma_wait3A_258 = arith.constant 0 : i32
    %dma_wait3A_259 = tpu.memref_slice %arg3[%add3A, %dma_wait3A_242, %dma_wait3A_257, %dma_wait3A_258] : memref<32x139x2x72xi32, #tpu.memory_space<hbm>> -> memref<1x1x2x72xi32, #tpu.memory_space<hbm>>
    %dma_wait3A_260 = tpu.memref_squeeze %dma_wait3A_259 : memref<1x1x2x72xi32, #tpu.memory_space<hbm>> -> memref<2x72xi32, #tpu.memory_space<hbm>>
    tpu.wait_dma2 semaphore(%dma_wait3A_252 : memref<!tpu.dma_semaphore, #tpu.memory_space<semaphore_mem>>) src(%dma_wait3A_260 : memref<2x72xi32, #tpu.memory_space<hbm>>) dst(%dma_wait3A_256 : memref<2x72xi32, #tpu.memory_space<vmem>>)
    %rem3A_261 = arith.constant 3 : i32
    %rem3A_262 = arith.constant 6 : i32
    %rem3A_263 = arith.remsi %rem3A_261, %rem3A_262 : i32
    %rem3A_264 = arith.constant 3 : i32
    %rem3A_265 = arith.constant 5 : i32
    %rem3A_266 = arith.remsi %rem3A_264, %rem3A_265 : i32
    %dma_start3A_267 = arith.constant 0 : i32
    %dma_start3A_268 = arith.constant 0 : i32
    %dma_start3A_269 = arith.constant 0 : i32
    %dma_start3A_270 = tpu.memref_slice %arg6[%rem3A_266, %dma_start3A_268, %dma_start3A_269] : memref<5x72x128xf32, #tpu.memory_space<vmem>> -> memref<1x72x128xf32, #tpu.memory_space<vmem>>
    %dma_start3A_271 = tpu.memref_squeeze %dma_start3A_270 : memref<1x72x128xf32, #tpu.memory_space<vmem>> -> memref<72x128xf32, #tpu.memory_space<vmem>>
    %dma_start3A_272 = arith.constant 0 : i32
    %dma_start3A_273 = tpu.memref_slice %arg5[%rem3A_263, %dma_start3A_267, %dma_start3A_272] : memref<6x2x72xi32, #tpu.memory_space<vmem>> -> memref<1x1x72xi32, #tpu.memory_space<vmem>>
    %dma_start3A_274 = tpu.memref_squeeze %dma_start3A_273 : memref<1x1x72xi32, #tpu.memory_space<vmem>> -> memref<72xi32, #tpu.memory_space<vmem>>
    %dma_start3A_275 = arith.constant 0 : i32
    %dma_start3A_276 = arith.constant 0 : i32
    %dma_start3A_277 = tpu.memref_slice %arg2[%dma_start3A_275, %dma_start3A_276] : memref<10240x128xf32, #tpu.memory_space<hbm>> -> memref<10240x128xf32, #tpu.memory_space<hbm>>
    %dma_start3A_278 = tpu.memref_slice %arg9[%rem3A_266] : memref<5x!tpu.dma_semaphore, #tpu.memory_space<semaphore_mem>> -> memref<1x!tpu.dma_semaphore, #tpu.memory_space<semaphore_mem>>
    %dma_start3A_279 = tpu.memref_squeeze %dma_start3A_278 : memref<1x!tpu.dma_semaphore, #tpu.memory_space<semaphore_mem>> -> memref<!tpu.dma_semaphore, #tpu.memory_space<semaphore_mem>>
    tpu.enqueue_indirect_dma source(%dma_start3A_277 : memref<10240x128xf32, #tpu.memory_space<hbm>>) target(%dma_start3A_271 : memref<72x128xf32, #tpu.memory_space<vmem>>) offsets(%dma_start3A_274 : memref<72xi32, #tpu.memory_space<vmem>>) semaphore(%dma_start3A_279 : memref<!tpu.dma_semaphore, #tpu.memory_space<semaphore_mem>>)
    %scan3A = arith.constant 0 : i32
    %scan3A_280 = arith.constant 0 : i32
    %scan3A_281 = arith.constant 139 : i32
    %scan3A_282 = arith.addi %scan3A_280, %scan3A_281 : i32
    %scan3A_283 = arith.constant 1 : i32
    %scan3A_284 = scf.for %scan3A_382 = %scan3A_280 to %scan3A_282 step %scan3A_283 iter_args(%scan3A_383 = %scan3A) -> (i32)  : i32 {
      %add3A_384 = arith.constant 5 : i32
      %add3A_385 = arith.addi %scan3A_382, %add3A_384 : i32
      %sub3A = arith.constant 1 : i32
      %sub3A_386 = arith.subi %add3A_385, %sub3A : i32
      %lt3A = arith.constant 139 : i32
      %lt3A_387 = arith.cmpi slt, %sub3A_386, %lt3A : i32
      %convert_element_type3A_388 = arith.extui %lt3A_387 : i1 to i32
      %cond3A_389 = arith.constant 0 : i32
      %cond3A_390 = arith.cmpi ne, %convert_element_type3A_388, %cond3A_389 : i32
      scf.if %cond3A_390 {
        %ge3A = arith.constant 1 : i32
        %ge3A_426 = arith.cmpi sge, %scan3A_382, %ge3A : i32
        %convert_element_type3A_427 = arith.extui %ge3A_426 : i1 to i32
        %cond3A_428 = arith.constant 0 : i32
        %cond3A_429 = arith.cmpi ne, %convert_element_type3A_427, %cond3A_428 : i32
        scf.if %cond3A_429 {
          %sub3A_482 = arith.constant 1 : i32
          %sub3A_483 = arith.subi %scan3A_382, %sub3A_482 : i32
          %rem3A_484 = arith.constant 6 : i32
          %rem3A_485 = arith.remsi %sub3A_483, %rem3A_484 : i32
          %rem3A_486 = arith.constant 5 : i32
          %rem3A_487 = arith.remsi %sub3A_483, %rem3A_486 : i32
          %dma_wait3A_488 = arith.constant 1 : i32
          %dma_wait3A_489 = arith.constant 0 : i32
          %dma_wait3A_490 = arith.constant 0 : i32
          %dma_wait3A_491 = tpu.memref_slice %arg6[%rem3A_487, %dma_wait3A_489, %dma_wait3A_490] : memref<5x72x128xf32, #tpu.memory_space<vmem>> -> memref<1x72x128xf32, #tpu.memory_space<vmem>>
          %dma_wait3A_492 = tpu.memref_squeeze %dma_wait3A_491 : memref<1x72x128xf32, #tpu.memory_space<vmem>> -> memref<72x128xf32, #tpu.memory_space<vmem>>
          %dma_wait3A_493 = arith.constant 0 : i32
          %dma_wait3A_494 = tpu.memref_slice %arg5[%rem3A_485, %dma_wait3A_488, %dma_wait3A_493] : memref<6x2x72xi32, #tpu.memory_space<vmem>> -> memref<1x1x72xi32, #tpu.memory_space<vmem>>
          %dma_wait3A_495 = tpu.memref_squeeze %dma_wait3A_494 : memref<1x1x72xi32, #tpu.memory_space<vmem>> -> memref<72xi32, #tpu.memory_space<vmem>>
          %dma_wait3A_496 = arith.constant 0 : i32
          %dma_wait3A_497 = arith.constant 0 : i32
          %dma_wait3A_498 = tpu.memref_slice %arg7[%dma_wait3A_496, %dma_wait3A_497] : memref<10240x128xf32, #tpu.memory_space<vmem_shared>> -> memref<10240x128xf32, #tpu.memory_space<vmem_shared>>
          %dma_wait3A_499 = tpu.memref_slice %arg10[%rem3A_487] : memref<5x!tpu.dma_semaphore, #tpu.memory_space<semaphore_mem>> -> memref<1x!tpu.dma_semaphore, #tpu.memory_space<semaphore_mem>>
          %dma_wait3A_500 = tpu.memref_squeeze %dma_wait3A_499 : memref<1x!tpu.dma_semaphore, #tpu.memory_space<semaphore_mem>> -> memref<!tpu.dma_semaphore, #tpu.memory_space<semaphore_mem>>
          tpu.wait_indirect_dma semaphore(%dma_wait3A_500 : memref<!tpu.dma_semaphore, #tpu.memory_space<semaphore_mem>>) src(%dma_wait3A_492 : memref<72x128xf32, #tpu.memory_space<vmem>>) dst(%dma_wait3A_498 : memref<10240x128xf32, #tpu.memory_space<vmem_shared>>)
        } else {
        }
        %add3A_430 = arith.constant 5 : i32
        %add3A_431 = arith.addi %scan3A_382, %add3A_430 : i32
        %lt3A_432 = arith.constant 139 : i32
        %lt3A_433 = arith.cmpi slt, %add3A_431, %lt3A_432 : i32
        %convert_element_type3A_434 = arith.extui %lt3A_433 : i1 to i32
        %cond3A_435 = arith.constant 0 : i32
        %cond3A_436 = arith.cmpi ne, %convert_element_type3A_434, %cond3A_435 : i32
        scf.if %cond3A_436 {
          %add3A_482 = arith.constant 5 : i32
          %add3A_483 = arith.addi %scan3A_382, %add3A_482 : i32
          %rem3A_484 = arith.constant 6 : i32
          %rem3A_485 = arith.remsi %add3A_483, %rem3A_484 : i32
          %dma_start3A_486 = arith.constant 0 : i32
          %dma_start3A_487 = arith.constant 0 : i32
          %dma_start3A_488 = tpu.memref_slice %arg5[%rem3A_485, %dma_start3A_486, %dma_start3A_487] : memref<6x2x72xi32, #tpu.memory_space<vmem>> -> memref<1x2x72xi32, #tpu.memory_space<vmem>>
          %dma_start3A_489 = tpu.memref_squeeze %dma_start3A_488 : memref<1x2x72xi32, #tpu.memory_space<vmem>> -> memref<2x72xi32, #tpu.memory_space<vmem>>
          %dma_start3A_490 = arith.constant 0 : i32
          %dma_start3A_491 = arith.constant 0 : i32
          %dma_start3A_492 = tpu.memref_slice %arg3[%add3A, %add3A_483, %dma_start3A_490, %dma_start3A_491] : memref<32x139x2x72xi32, #tpu.memory_space<hbm>> -> memref<1x1x2x72xi32, #tpu.memory_space<hbm>>
          %dma_start3A_493 = tpu.memref_squeeze %dma_start3A_492 : memref<1x1x2x72xi32, #tpu.memory_space<hbm>> -> memref<2x72xi32, #tpu.memory_space<hbm>>
          %dma_start3A_494 = tpu.memref_slice %arg8[%rem3A_485] : memref<6x!tpu.dma_semaphore, #tpu.memory_space<semaphore_mem>> -> memref<1x!tpu.dma_semaphore, #tpu.memory_space<semaphore_mem>>
          %dma_start3A_495 = tpu.memref_squeeze %dma_start3A_494 : memref<1x!tpu.dma_semaphore, #tpu.memory_space<semaphore_mem>> -> memref<!tpu.dma_semaphore, #tpu.memory_space<semaphore_mem>>
          %dma_start3A_496 = arith.constant 0 : i32
          %dma_start3A_497 = arith.constant 0 : i32
          %dma_start3A_498 = tpu.memref_slice %arg5[%rem3A_485, %dma_start3A_496, %dma_start3A_497] : memref<6x2x72xi32, #tpu.memory_space<vmem>> -> memref<1x2x72xi32, #tpu.memory_space<vmem>>
          %dma_start3A_499 = tpu.memref_squeeze %dma_start3A_498 : memref<1x2x72xi32, #tpu.memory_space<vmem>> -> memref<2x72xi32, #tpu.memory_space<vmem>>
          %dma_start3A_500 = arith.constant 0 : i32
          %dma_start3A_501 = arith.constant 0 : i32
          %dma_start3A_502 = tpu.memref_slice %arg3[%add3A, %add3A_483, %dma_start3A_500, %dma_start3A_501] : memref<32x139x2x72xi32, #tpu.memory_space<hbm>> -> memref<1x1x2x72xi32, #tpu.memory_space<hbm>>
          %dma_start3A_503 = tpu.memref_squeeze %dma_start3A_502 : memref<1x1x2x72xi32, #tpu.memory_space<hbm>> -> memref<2x72xi32, #tpu.memory_space<hbm>>
          tpu.enqueue_dma source(%dma_start3A_503 : memref<2x72xi32, #tpu.memory_space<hbm>>) target(%dma_start3A_499 : memref<2x72xi32, #tpu.memory_space<vmem>>) target_semaphore(%dma_start3A_495 : memref<!tpu.dma_semaphore, #tpu.memory_space<semaphore_mem>>)
        } else {
        }
        %add3A_437 = arith.constant 5 : i32
        %add3A_438 = arith.addi %scan3A_382, %add3A_437 : i32
        %sub3A_439 = arith.constant 1 : i32
        %sub3A_440 = arith.subi %add3A_438, %sub3A_439 : i32
        %rem3A_441 = arith.constant 6 : i32
        %rem3A_442 = arith.remsi %sub3A_440, %rem3A_441 : i32
        %dma_wait3A_443 = arith.constant 0 : i32
        %dma_wait3A_444 = arith.constant 0 : i32
        %dma_wait3A_445 = tpu.memref_slice %arg5[%rem3A_442, %dma_wait3A_443, %dma_wait3A_444] : memref<6x2x72xi32, #tpu.memory_space<vmem>> -> memref<1x2x72xi32, #tpu.memory_space<vmem>>
        %dma_wait3A_446 = tpu.memref_squeeze %dma_wait3A_445 : memref<1x2x72xi32, #tpu.memory_space<vmem>> -> memref<2x72xi32, #tpu.memory_space<vmem>>
        %dma_wait3A_447 = arith.constant 0 : i32
        %dma_wait3A_448 = arith.constant 0 : i32
        %dma_wait3A_449 = tpu.memref_slice %arg3[%add3A, %sub3A_440, %dma_wait3A_447, %dma_wait3A_448] : memref<32x139x2x72xi32, #tpu.memory_space<hbm>> -> memref<1x1x2x72xi32, #tpu.memory_space<hbm>>
        %dma_wait3A_450 = tpu.memref_squeeze %dma_wait3A_449 : memref<1x1x2x72xi32, #tpu.memory_space<hbm>> -> memref<2x72xi32, #tpu.memory_space<hbm>>
        %dma_wait3A_451 = tpu.memref_slice %arg8[%rem3A_442] : memref<6x!tpu.dma_semaphore, #tpu.memory_space<semaphore_mem>> -> memref<1x!tpu.dma_semaphore, #tpu.memory_space<semaphore_mem>>
        %dma_wait3A_452 = tpu.memref_squeeze %dma_wait3A_451 : memref<1x!tpu.dma_semaphore, #tpu.memory_space<semaphore_mem>> -> memref<!tpu.dma_semaphore, #tpu.memory_space<semaphore_mem>>
        %dma_wait3A_453 = arith.constant 0 : i32
        %dma_wait3A_454 = arith.constant 0 : i32
        %dma_wait3A_455 = tpu.memref_slice %arg5[%rem3A_442, %dma_wait3A_453, %dma_wait3A_454] : memref<6x2x72xi32, #tpu.memory_space<vmem>> -> memref<1x2x72xi32, #tpu.memory_space<vmem>>
        %dma_wait3A_456 = tpu.memref_squeeze %dma_wait3A_455 : memref<1x2x72xi32, #tpu.memory_space<vmem>> -> memref<2x72xi32, #tpu.memory_space<vmem>>
        %dma_wait3A_457 = arith.constant 0 : i32
        %dma_wait3A_458 = arith.constant 0 : i32
        %dma_wait3A_459 = tpu.memref_slice %arg3[%add3A, %sub3A_440, %dma_wait3A_457, %dma_wait3A_458] : memref<32x139x2x72xi32, #tpu.memory_space<hbm>> -> memref<1x1x2x72xi32, #tpu.memory_space<hbm>>
        %dma_wait3A_460 = tpu.memref_squeeze %dma_wait3A_459 : memref<1x1x2x72xi32, #tpu.memory_space<hbm>> -> memref<2x72xi32, #tpu.memory_space<hbm>>
        tpu.wait_dma2 semaphore(%dma_wait3A_452 : memref<!tpu.dma_semaphore, #tpu.memory_space<semaphore_mem>>) src(%dma_wait3A_460 : memref<2x72xi32, #tpu.memory_space<hbm>>) dst(%dma_wait3A_456 : memref<2x72xi32, #tpu.memory_space<vmem>>)
        %add3A_461 = arith.constant 5 : i32
        %add3A_462 = arith.addi %scan3A_382, %add3A_461 : i32
        %sub3A_463 = arith.constant 1 : i32
        %sub3A_464 = arith.subi %add3A_462, %sub3A_463 : i32
        %rem3A_465 = arith.constant 6 : i32
        %rem3A_466 = arith.remsi %sub3A_464, %rem3A_465 : i32
        %rem3A_467 = arith.constant 5 : i32
        %rem3A_468 = arith.remsi %sub3A_464, %rem3A_467 : i32
        %dma_start3A_469 = arith.constant 0 : i32
        %dma_start3A_470 = arith.constant 0 : i32
        %dma_start3A_471 = arith.constant 0 : i32
        %dma_start3A_472 = tpu.memref_slice %arg6[%rem3A_468, %dma_start3A_470, %dma_start3A_471] : memref<5x72x128xf32, #tpu.memory_space<vmem>> -> memref<1x72x128xf32, #tpu.memory_space<vmem>>
        %dma_start3A_473 = tpu.memref_squeeze %dma_start3A_472 : memref<1x72x128xf32, #tpu.memory_space<vmem>> -> memref<72x128xf32, #tpu.memory_space<vmem>>
        %dma_start3A_474 = arith.constant 0 : i32
        %dma_start3A_475 = tpu.memref_slice %arg5[%rem3A_466, %dma_start3A_469, %dma_start3A_474] : memref<6x2x72xi32, #tpu.memory_space<vmem>> -> memref<1x1x72xi32, #tpu.memory_space<vmem>>
        %dma_start3A_476 = tpu.memref_squeeze %dma_start3A_475 : memref<1x1x72xi32, #tpu.memory_space<vmem>> -> memref<72xi32, #tpu.memory_space<vmem>>
        %dma_start3A_477 = arith.constant 0 : i32
        %dma_start3A_478 = arith.constant 0 : i32
        %dma_start3A_479 = tpu.memref_slice %arg2[%dma_start3A_477, %dma_start3A_478] : memref<10240x128xf32, #tpu.memory_space<hbm>> -> memref<10240x128xf32, #tpu.memory_space<hbm>>
        %dma_start3A_480 = tpu.memref_slice %arg9[%rem3A_468] : memref<5x!tpu.dma_semaphore, #tpu.memory_space<semaphore_mem>> -> memref<1x!tpu.dma_semaphore, #tpu.memory_space<semaphore_mem>>
        %dma_start3A_481 = tpu.memref_squeeze %dma_start3A_480 : memref<1x!tpu.dma_semaphore, #tpu.memory_space<semaphore_mem>> -> memref<!tpu.dma_semaphore, #tpu.memory_space<semaphore_mem>>
        tpu.enqueue_indirect_dma source(%dma_start3A_479 : memref<10240x128xf32, #tpu.memory_space<hbm>>) target(%dma_start3A_473 : memref<72x128xf32, #tpu.memory_space<vmem>>) offsets(%dma_start3A_476 : memref<72xi32, #tpu.memory_space<vmem>>) semaphore(%dma_start3A_481 : memref<!tpu.dma_semaphore, #tpu.memory_space<semaphore_mem>>)
      } else {
      }
      %rem3A_391 = arith.constant 6 : i32
      %rem3A_392 = arith.remsi %scan3A_382, %rem3A_391 : i32
      %rem3A_393 = arith.constant 5 : i32
      %rem3A_394 = arith.remsi %scan3A_382, %rem3A_393 : i32
      %dma_wait3A_395 = arith.constant 0 : i32
      %dma_wait3A_396 = arith.constant 0 : i32
      %dma_wait3A_397 = arith.constant 0 : i32
      %dma_wait3A_398 = tpu.memref_slice %arg6[%rem3A_394, %dma_wait3A_396, %dma_wait3A_397] : memref<5x72x128xf32, #tpu.memory_space<vmem>> -> memref<1x72x128xf32, #tpu.memory_space<vmem>>
      %dma_wait3A_399 = tpu.memref_squeeze %dma_wait3A_398 : memref<1x72x128xf32, #tpu.memory_space<vmem>> -> memref<72x128xf32, #tpu.memory_space<vmem>>
      %dma_wait3A_400 = arith.constant 0 : i32
      %dma_wait3A_401 = tpu.memref_slice %arg5[%rem3A_392, %dma_wait3A_395, %dma_wait3A_400] : memref<6x2x72xi32, #tpu.memory_space<vmem>> -> memref<1x1x72xi32, #tpu.memory_space<vmem>>
      %dma_wait3A_402 = tpu.memref_squeeze %dma_wait3A_401 : memref<1x1x72xi32, #tpu.memory_space<vmem>> -> memref<72xi32, #tpu.memory_space<vmem>>
      %dma_wait3A_403 = arith.constant 0 : i32
      %dma_wait3A_404 = arith.constant 0 : i32
      %dma_wait3A_405 = tpu.memref_slice %arg2[%dma_wait3A_403, %dma_wait3A_404] : memref<10240x128xf32, #tpu.memory_space<hbm>> -> memref<10240x128xf32, #tpu.memory_space<hbm>>
      %dma_wait3A_406 = tpu.memref_slice %arg9[%rem3A_394] : memref<5x!tpu.dma_semaphore, #tpu.memory_space<semaphore_mem>> -> memref<1x!tpu.dma_semaphore, #tpu.memory_space<semaphore_mem>>
      %dma_wait3A_407 = tpu.memref_squeeze %dma_wait3A_406 : memref<1x!tpu.dma_semaphore, #tpu.memory_space<semaphore_mem>> -> memref<!tpu.dma_semaphore, #tpu.memory_space<semaphore_mem>>
      tpu.wait_indirect_dma semaphore(%dma_wait3A_407 : memref<!tpu.dma_semaphore, #tpu.memory_space<semaphore_mem>>) src(%dma_wait3A_405 : memref<10240x128xf32, #tpu.memory_space<hbm>>) dst(%dma_wait3A_399 : memref<72x128xf32, #tpu.memory_space<vmem>>)
      %rem3A_408 = arith.constant 6 : i32
      %rem3A_409 = arith.remsi %scan3A_382, %rem3A_408 : i32
      %rem3A_410 = arith.constant 5 : i32
      %rem3A_411 = arith.remsi %scan3A_382, %rem3A_410 : i32
      %dma_start3A_412 = arith.constant 1 : i32
      %dma_start3A_413 = arith.constant 0 : i32
      %dma_start3A_414 = arith.constant 0 : i32
      %dma_start3A_415 = tpu.memref_slice %arg6[%rem3A_411, %dma_start3A_413, %dma_start3A_414] : memref<5x72x128xf32, #tpu.memory_space<vmem>> -> memref<1x72x128xf32, #tpu.memory_space<vmem>>
      %dma_start3A_416 = tpu.memref_squeeze %dma_start3A_415 : memref<1x72x128xf32, #tpu.memory_space<vmem>> -> memref<72x128xf32, #tpu.memory_space<vmem>>
      %dma_start3A_417 = arith.constant 0 : i32
      %dma_start3A_418 = tpu.memref_slice %arg5[%rem3A_409, %dma_start3A_412, %dma_start3A_417] : memref<6x2x72xi32, #tpu.memory_space<vmem>> -> memref<1x1x72xi32, #tpu.memory_space<vmem>>
      %dma_start3A_419 = tpu.memref_squeeze %dma_start3A_418 : memref<1x1x72xi32, #tpu.memory_space<vmem>> -> memref<72xi32, #tpu.memory_space<vmem>>
      %dma_start3A_420 = arith.constant 0 : i32
      %dma_start3A_421 = arith.constant 0 : i32
      %dma_start3A_422 = tpu.memref_slice %arg7[%dma_start3A_420, %dma_start3A_421] : memref<10240x128xf32, #tpu.memory_space<vmem_shared>> -> memref<10240x128xf32, #tpu.memory_space<vmem_shared>>
      %dma_start3A_423 = tpu.memref_slice %arg10[%rem3A_411] : memref<5x!tpu.dma_semaphore, #tpu.memory_space<semaphore_mem>> -> memref<1x!tpu.dma_semaphore, #tpu.memory_space<semaphore_mem>>
      %dma_start3A_424 = tpu.memref_squeeze %dma_start3A_423 : memref<1x!tpu.dma_semaphore, #tpu.memory_space<semaphore_mem>> -> memref<!tpu.dma_semaphore, #tpu.memory_space<semaphore_mem>>
      tpu.enqueue_indirect_dma source(%dma_start3A_416 : memref<72x128xf32, #tpu.memory_space<vmem>>) target(%dma_start3A_422 : memref<10240x128xf32, #tpu.memory_space<vmem_shared>>) offsets(%dma_start3A_419 : memref<72xi32, #tpu.memory_space<vmem>>) semaphore(%dma_start3A_424 : memref<!tpu.dma_semaphore, #tpu.memory_space<semaphore_mem>>) {add = true}
      %scan3A_425 = arith.constant 0 : i32
      scf.yield %scan3A_425 : i32
    }
    %scan3A_285 = arith.constant 139 : i32
    %rem3A_286 = arith.constant 134 : i32
    %rem3A_287 = arith.constant 6 : i32
    %rem3A_288 = arith.remsi %rem3A_286, %rem3A_287 : i32
    %rem3A_289 = arith.constant 134 : i32
    %rem3A_290 = arith.constant 5 : i32
    %rem3A_291 = arith.remsi %rem3A_289, %rem3A_290 : i32
    %dma_wait3A_292 = arith.constant 1 : i32
    %dma_wait3A_293 = arith.constant 0 : i32
    %dma_wait3A_294 = arith.constant 0 : i32
    %dma_wait3A_295 = tpu.memref_slice %arg6[%rem3A_291, %dma_wait3A_293, %dma_wait3A_294] : memref<5x72x128xf32, #tpu.memory_space<vmem>> -> memref<1x72x128xf32, #tpu.memory_space<vmem>>
    %dma_wait3A_296 = tpu.memref_squeeze %dma_wait3A_295 : memref<1x72x128xf32, #tpu.memory_space<vmem>> -> memref<72x128xf32, #tpu.memory_space<vmem>>
    %dma_wait3A_297 = arith.constant 0 : i32
    %dma_wait3A_298 = tpu.memref_slice %arg5[%rem3A_288, %dma_wait3A_292, %dma_wait3A_297] : memref<6x2x72xi32, #tpu.memory_space<vmem>> -> memref<1x1x72xi32, #tpu.memory_space<vmem>>
    %dma_wait3A_299 = tpu.memref_squeeze %dma_wait3A_298 : memref<1x1x72xi32, #tpu.memory_space<vmem>> -> memref<72xi32, #tpu.memory_space<vmem>>
    %dma_wait3A_300 = arith.constant 0 : i32
    %dma_wait3A_301 = arith.constant 0 : i32
    %dma_wait3A_302 = tpu.memref_slice %arg7[%dma_wait3A_300, %dma_wait3A_301] : memref<10240x128xf32, #tpu.memory_space<vmem_shared>> -> memref<10240x128xf32, #tpu.memory_space<vmem_shared>>
    %dma_wait3A_303 = tpu.memref_slice %arg10[%rem3A_291] : memref<5x!tpu.dma_semaphore, #tpu.memory_space<semaphore_mem>> -> memref<1x!tpu.dma_semaphore, #tpu.memory_space<semaphore_mem>>
    %dma_wait3A_304 = tpu.memref_squeeze %dma_wait3A_303 : memref<1x!tpu.dma_semaphore, #tpu.memory_space<semaphore_mem>> -> memref<!tpu.dma_semaphore, #tpu.memory_space<semaphore_mem>>
    tpu.wait_indirect_dma semaphore(%dma_wait3A_304 : memref<!tpu.dma_semaphore, #tpu.memory_space<semaphore_mem>>) src(%dma_wait3A_296 : memref<72x128xf32, #tpu.memory_space<vmem>>) dst(%dma_wait3A_302 : memref<10240x128xf32, #tpu.memory_space<vmem_shared>>)
    %rem3A_305 = arith.constant 135 : i32
    %rem3A_306 = arith.constant 6 : i32
    %rem3A_307 = arith.remsi %rem3A_305, %rem3A_306 : i32
    %rem3A_308 = arith.constant 135 : i32
    %rem3A_309 = arith.constant 5 : i32
    %rem3A_310 = arith.remsi %rem3A_308, %rem3A_309 : i32
    %dma_wait3A_311 = arith.constant 1 : i32
    %dma_wait3A_312 = arith.constant 0 : i32
    %dma_wait3A_313 = arith.constant 0 : i32
    %dma_wait3A_314 = tpu.memref_slice %arg6[%rem3A_310, %dma_wait3A_312, %dma_wait3A_313] : memref<5x72x128xf32, #tpu.memory_space<vmem>> -> memref<1x72x128xf32, #tpu.memory_space<vmem>>
    %dma_wait3A_315 = tpu.memref_squeeze %dma_wait3A_314 : memref<1x72x128xf32, #tpu.memory_space<vmem>> -> memref<72x128xf32, #tpu.memory_space<vmem>>
    %dma_wait3A_316 = arith.constant 0 : i32
    %dma_wait3A_317 = tpu.memref_slice %arg5[%rem3A_307, %dma_wait3A_311, %dma_wait3A_316] : memref<6x2x72xi32, #tpu.memory_space<vmem>> -> memref<1x1x72xi32, #tpu.memory_space<vmem>>
    %dma_wait3A_318 = tpu.memref_squeeze %dma_wait3A_317 : memref<1x1x72xi32, #tpu.memory_space<vmem>> -> memref<72xi32, #tpu.memory_space<vmem>>
    %dma_wait3A_319 = arith.constant 0 : i32
    %dma_wait3A_320 = arith.constant 0 : i32
    %dma_wait3A_321 = tpu.memref_slice %arg7[%dma_wait3A_319, %dma_wait3A_320] : memref<10240x128xf32, #tpu.memory_space<vmem_shared>> -> memref<10240x128xf32, #tpu.memory_space<vmem_shared>>
    %dma_wait3A_322 = tpu.memref_slice %arg10[%rem3A_310] : memref<5x!tpu.dma_semaphore, #tpu.memory_space<semaphore_mem>> -> memref<1x!tpu.dma_semaphore, #tpu.memory_space<semaphore_mem>>
    %dma_wait3A_323 = tpu.memref_squeeze %dma_wait3A_322 : memref<1x!tpu.dma_semaphore, #tpu.memory_space<semaphore_mem>> -> memref<!tpu.dma_semaphore, #tpu.memory_space<semaphore_mem>>
    tpu.wait_indirect_dma semaphore(%dma_wait3A_323 : memref<!tpu.dma_semaphore, #tpu.memory_space<semaphore_mem>>) src(%dma_wait3A_315 : memref<72x128xf32, #tpu.memory_space<vmem>>) dst(%dma_wait3A_321 : memref<10240x128xf32, #tpu.memory_space<vmem_shared>>)
    %rem3A_324 = arith.constant 136 : i32
    %rem3A_325 = arith.constant 6 : i32
    %rem3A_326 = arith.remsi %rem3A_324, %rem3A_325 : i32
    %rem3A_327 = arith.constant 136 : i32
    %rem3A_328 = arith.constant 5 : i32
    %rem3A_329 = arith.remsi %rem3A_327, %rem3A_328 : i32
    %dma_wait3A_330 = arith.constant 1 : i32
    %dma_wait3A_331 = arith.constant 0 : i32
    %dma_wait3A_332 = arith.constant 0 : i32
    %dma_wait3A_333 = tpu.memref_slice %arg6[%rem3A_329, %dma_wait3A_331, %dma_wait3A_332] : memref<5x72x128xf32, #tpu.memory_space<vmem>> -> memref<1x72x128xf32, #tpu.memory_space<vmem>>
    %dma_wait3A_334 = tpu.memref_squeeze %dma_wait3A_333 : memref<1x72x128xf32, #tpu.memory_space<vmem>> -> memref<72x128xf32, #tpu.memory_space<vmem>>
    %dma_wait3A_335 = arith.constant 0 : i32
    %dma_wait3A_336 = tpu.memref_slice %arg5[%rem3A_326, %dma_wait3A_330, %dma_wait3A_335] : memref<6x2x72xi32, #tpu.memory_space<vmem>> -> memref<1x1x72xi32, #tpu.memory_space<vmem>>
    %dma_wait3A_337 = tpu.memref_squeeze %dma_wait3A_336 : memref<1x1x72xi32, #tpu.memory_space<vmem>> -> memref<72xi32, #tpu.memory_space<vmem>>
    %dma_wait3A_338 = arith.constant 0 : i32
    %dma_wait3A_339 = arith.constant 0 : i32
    %dma_wait3A_340 = tpu.memref_slice %arg7[%dma_wait3A_338, %dma_wait3A_339] : memref<10240x128xf32, #tpu.memory_space<vmem_shared>> -> memref<10240x128xf32, #tpu.memory_space<vmem_shared>>
    %dma_wait3A_341 = tpu.memref_slice %arg10[%rem3A_329] : memref<5x!tpu.dma_semaphore, #tpu.memory_space<semaphore_mem>> -> memref<1x!tpu.dma_semaphore, #tpu.memory_space<semaphore_mem>>
    %dma_wait3A_342 = tpu.memref_squeeze %dma_wait3A_341 : memref<1x!tpu.dma_semaphore, #tpu.memory_space<semaphore_mem>> -> memref<!tpu.dma_semaphore, #tpu.memory_space<semaphore_mem>>
    tpu.wait_indirect_dma semaphore(%dma_wait3A_342 : memref<!tpu.dma_semaphore, #tpu.memory_space<semaphore_mem>>) src(%dma_wait3A_334 : memref<72x128xf32, #tpu.memory_space<vmem>>) dst(%dma_wait3A_340 : memref<10240x128xf32, #tpu.memory_space<vmem_shared>>)
    %rem3A_343 = arith.constant 137 : i32
    %rem3A_344 = arith.constant 6 : i32
    %rem3A_345 = arith.remsi %rem3A_343, %rem3A_344 : i32
    %rem3A_346 = arith.constant 137 : i32
    %rem3A_347 = arith.constant 5 : i32
    %rem3A_348 = arith.remsi %rem3A_346, %rem3A_347 : i32
    %dma_wait3A_349 = arith.constant 1 : i32
    %dma_wait3A_350 = arith.constant 0 : i32
    %dma_wait3A_351 = arith.constant 0 : i32
    %dma_wait3A_352 = tpu.memref_slice %arg6[%rem3A_348, %dma_wait3A_350, %dma_wait3A_351] : memref<5x72x128xf32, #tpu.memory_space<vmem>> -> memref<1x72x128xf32, #tpu.memory_space<vmem>>
    %dma_wait3A_353 = tpu.memref_squeeze %dma_wait3A_352 : memref<1x72x128xf32, #tpu.memory_space<vmem>> -> memref<72x128xf32, #tpu.memory_space<vmem>>
    %dma_wait3A_354 = arith.constant 0 : i32
    %dma_wait3A_355 = tpu.memref_slice %arg5[%rem3A_345, %dma_wait3A_349, %dma_wait3A_354] : memref<6x2x72xi32, #tpu.memory_space<vmem>> -> memref<1x1x72xi32, #tpu.memory_space<vmem>>
    %dma_wait3A_356 = tpu.memref_squeeze %dma_wait3A_355 : memref<1x1x72xi32, #tpu.memory_space<vmem>> -> memref<72xi32, #tpu.memory_space<vmem>>
    %dma_wait3A_357 = arith.constant 0 : i32
    %dma_wait3A_358 = arith.constant 0 : i32
    %dma_wait3A_359 = tpu.memref_slice %arg7[%dma_wait3A_357, %dma_wait3A_358] : memref<10240x128xf32, #tpu.memory_space<vmem_shared>> -> memref<10240x128xf32, #tpu.memory_space<vmem_shared>>
    %dma_wait3A_360 = tpu.memref_slice %arg10[%rem3A_348] : memref<5x!tpu.dma_semaphore, #tpu.memory_space<semaphore_mem>> -> memref<1x!tpu.dma_semaphore, #tpu.memory_space<semaphore_mem>>
    %dma_wait3A_361 = tpu.memref_squeeze %dma_wait3A_360 : memref<1x!tpu.dma_semaphore, #tpu.memory_space<semaphore_mem>> -> memref<!tpu.dma_semaphore, #tpu.memory_space<semaphore_mem>>
    tpu.wait_indirect_dma semaphore(%dma_wait3A_361 : memref<!tpu.dma_semaphore, #tpu.memory_space<semaphore_mem>>) src(%dma_wait3A_353 : memref<72x128xf32, #tpu.memory_space<vmem>>) dst(%dma_wait3A_359 : memref<10240x128xf32, #tpu.memory_space<vmem_shared>>)
    %rem3A_362 = arith.constant 138 : i32
    %rem3A_363 = arith.constant 6 : i32
    %rem3A_364 = arith.remsi %rem3A_362, %rem3A_363 : i32
    %rem3A_365 = arith.constant 138 : i32
    %rem3A_366 = arith.constant 5 : i32
    %rem3A_367 = arith.remsi %rem3A_365, %rem3A_366 : i32
    %dma_wait3A_368 = arith.constant 1 : i32
    %dma_wait3A_369 = arith.constant 0 : i32
    %dma_wait3A_370 = arith.constant 0 : i32
    %dma_wait3A_371 = tpu.memref_slice %arg6[%rem3A_367, %dma_wait3A_369, %dma_wait3A_370] : memref<5x72x128xf32, #tpu.memory_space<vmem>> -> memref<1x72x128xf32, #tpu.memory_space<vmem>>
    %dma_wait3A_372 = tpu.memref_squeeze %dma_wait3A_371 : memref<1x72x128xf32, #tpu.memory_space<vmem>> -> memref<72x128xf32, #tpu.memory_space<vmem>>
    %dma_wait3A_373 = arith.constant 0 : i32
    %dma_wait3A_374 = tpu.memref_slice %arg5[%rem3A_364, %dma_wait3A_368, %dma_wait3A_373] : memref<6x2x72xi32, #tpu.memory_space<vmem>> -> memref<1x1x72xi32, #tpu.memory_space<vmem>>
    %dma_wait3A_375 = tpu.memref_squeeze %dma_wait3A_374 : memref<1x1x72xi32, #tpu.memory_space<vmem>> -> memref<72xi32, #tpu.memory_space<vmem>>
    %dma_wait3A_376 = arith.constant 0 : i32
    %dma_wait3A_377 = arith.constant 0 : i32
    %dma_wait3A_378 = tpu.memref_slice %arg7[%dma_wait3A_376, %dma_wait3A_377] : memref<10240x128xf32, #tpu.memory_space<vmem_shared>> -> memref<10240x128xf32, #tpu.memory_space<vmem_shared>>
    %dma_wait3A_379 = tpu.memref_slice %arg10[%rem3A_367] : memref<5x!tpu.dma_semaphore, #tpu.memory_space<semaphore_mem>> -> memref<1x!tpu.dma_semaphore, #tpu.memory_space<semaphore_mem>>
    %dma_wait3A_380 = tpu.memref_squeeze %dma_wait3A_379 : memref<1x!tpu.dma_semaphore, #tpu.memory_space<semaphore_mem>> -> memref<!tpu.dma_semaphore, #tpu.memory_space<semaphore_mem>>
    tpu.wait_indirect_dma semaphore(%dma_wait3A_380 : memref<!tpu.dma_semaphore, #tpu.memory_space<semaphore_mem>>) src(%dma_wait3A_372 : memref<72x128xf32, #tpu.memory_space<vmem>>) dst(%dma_wait3A_378 : memref<10240x128xf32, #tpu.memory_space<vmem_shared>>)
    %barrier3A_381 = arith.constant 0 : index
    tpu.barrier barrier_id(%barrier3A_381)
    "tpu.region"() ({
      %run_scoped3A = tpu.sem_alloc : memref<!tpu.dma_semaphore, #tpu.memory_space<semaphore_mem>>
      %dma_start3A_382 = arith.constant 0 : i32
      %dma_start3A_383 = tpu.memref_slice %arg4[%arg0, %mul3A_2, %dma_start3A_382] : memref<2x10240x128xf32, #tpu.memory_space<hbm>> -> memref<1x640x128xf32, #tpu.memory_space<hbm>>
      %dma_start3A_384 = tpu.memref_squeeze %dma_start3A_383 : memref<1x640x128xf32, #tpu.memory_space<hbm>> -> memref<640x128xf32, #tpu.memory_space<hbm>>
      %dma_start3A_385 = arith.constant 0 : i32
      %dma_start3A_386 = tpu.memref_slice %arg7[%mul3A_2, %dma_start3A_385] : memref<10240x128xf32, #tpu.memory_space<vmem_shared>> -> memref<640x128xf32, #tpu.memory_space<vmem_shared>>
      tpu.enqueue_dma source(%dma_start3A_386 : memref<640x128xf32, #tpu.memory_space<vmem_shared>>) target(%dma_start3A_384 : memref<640x128xf32, #tpu.memory_space<hbm>>) target_semaphore(%run_scoped3A : memref<!tpu.dma_semaphore, #tpu.memory_space<semaphore_mem>>)
      %dma_wait3A_387 = arith.constant 0 : i32
      %dma_wait3A_388 = tpu.memref_slice %arg4[%arg0, %mul3A_2, %dma_wait3A_387] : memref<2x10240x128xf32, #tpu.memory_space<hbm>> -> memref<1x640x128xf32, #tpu.memory_space<hbm>>
      %dma_wait3A_389 = tpu.memref_squeeze %dma_wait3A_388 : memref<1x640x128xf32, #tpu.memory_space<hbm>> -> memref<640x128xf32, #tpu.memory_space<hbm>>
      %dma_wait3A_390 = arith.constant 0 : i32
      %dma_wait3A_391 = tpu.memref_slice %arg7[%mul3A_2, %dma_wait3A_390] : memref<10240x128xf32, #tpu.memory_space<vmem_shared>> -> memref<640x128xf32, #tpu.memory_space<vmem_shared>>
      tpu.wait_dma2 semaphore(%run_scoped3A : memref<!tpu.dma_semaphore, #tpu.memory_space<semaphore_mem>>) src(%dma_wait3A_391 : memref<640x128xf32, #tpu.memory_space<vmem_shared>>) dst(%dma_wait3A_389 : memref<640x128xf32, #tpu.memory_space<hbm>>)
      tpu.yield
    }) : () -> ()
    return
  }
}

#map = affine_map<(d0, d1) -> (0, 0)>
#map1 = affine_map<(d0, d1) -> (0, 0, 0, 0)>
#map2 = affine_map<(d0, d1) -> (0, 0, 0)>
module attributes {stable_mosaic.version = 14 : i64} {
  func.func @_agg_kernel(%arg0: i32, %arg1: i32, %arg2: memref<10240x128xf32, #tpu.memory_space<hbm>>, %arg3: memref<32x139x2x72xi32, #tpu.memory_space<hbm>>, %arg4: memref<2x10240x128xf32, #tpu.memory_space<hbm>>, %arg5: memref<6x2x72xi32, #tpu.memory_space<vmem>>, %arg6: memref<5x72x128xf32, #tpu.memory_space<vmem>>, %arg7: memref<10240x128xf32, #tpu.memory_space<vmem_shared>>, %arg8: memref<6x!tpu.dma_semaphore, #tpu.memory_space<semaphore_mem>>, %arg9: memref<5x!tpu.dma_semaphore, #tpu.memory_space<semaphore_mem>>, %arg10: memref<5x!tpu.dma_semaphore, #tpu.memory_space<semaphore_mem>>) attributes {dimension_semantics = [#tpu.dimension_semantics<core_parallel>, #tpu.dimension_semantics<subcore_parallel>], iteration_bounds = array<i64: 2, 16>, scalar_prefetch = 0 : i64, scratch_operands = 6 : i64, tpu.core_type = #tpu.core_type<sc_vector_subcore>, window_params = [{transform_indices = #map}, {transform_indices = #map1}, {transform_indices = #map2}]} {
    %mul3A = arith.constant 2 : i32
    %mul3A_0 = arith.muli %arg1, %mul3A : i32
    %add3A = arith.addi %mul3A_0, %arg0 : i32
    %mul3A_1 = arith.constant 640 : i32
    %mul3A_2 = arith.muli %arg1, %mul3A_1 : i32
    %eq3A = arith.constant 0 : i32
    %eq3A_3 = arith.cmpi eq, %arg0, %eq3A : i32
    %convert_element_type3A = arith.extui %eq3A_3 : i1 to i32
    %cond3A = arith.constant 0 : i32
    %cond3A_4 = arith.cmpi ne, %convert_element_type3A, %cond3A : i32
    scf.if %cond3A_4 {
      %scan3A_382 = arith.constant 0 : i32
      %scan3A_383 = arith.constant 0 : i32
      %scan3A_384 = arith.constant 10 : i32
      %scan3A_385 = arith.addi %scan3A_383, %scan3A_384 : i32
      %scan3A_386 = arith.constant 1 : i32
      %scan3A_387 = scf.for %scan3A_396 = %scan3A_383 to %scan3A_385 step %scan3A_386 iter_args(%scan3A_397 = %scan3A_382) -> (i32)  : i32 {
        %mul3A_398 = arith.constant 64 : i32
        %mul3A_399 = arith.muli %scan3A_396, %mul3A_398 : i32
        %add3A_400 = arith.addi %mul3A_2, %mul3A_399 : i32
        %dma_start3A_401 = arith.constant 0 : i32
        %dma_start3A_402 = tpu.memref_slice %arg8[%dma_start3A_401] : memref<6x!tpu.dma_semaphore, #tpu.memory_space<semaphore_mem>> -> memref<1x!tpu.dma_semaphore, #tpu.memory_space<semaphore_mem>>
        %dma_start3A_403 = tpu.memref_squeeze %dma_start3A_402 : memref<1x!tpu.dma_semaphore, #tpu.memory_space<semaphore_mem>> -> memref<!tpu.dma_semaphore, #tpu.memory_space<semaphore_mem>>
        %dma_start3A_404 = arith.constant 0 : i32
        %dma_start3A_405 = tpu.memref_slice %arg7[%add3A_400, %dma_start3A_404] : memref<10240x128xf32, #tpu.memory_space<vmem_shared>> -> memref<64x128xf32, #tpu.memory_space<vmem_shared>>
        %dma_start3A_406 = arith.constant 0 : i32
        %dma_start3A_407 = tpu.memref_slice %arg2[%add3A_400, %dma_start3A_406] : memref<10240x128xf32, #tpu.memory_space<hbm>> -> memref<64x128xf32, #tpu.memory_space<hbm>>
        tpu.enqueue_dma source(%dma_start3A_407 : memref<64x128xf32, #tpu.memory_space<hbm>>) target(%dma_start3A_405 : memref<64x128xf32, #tpu.memory_space<vmem_shared>>) target_semaphore(%dma_start3A_403 : memref<!tpu.dma_semaphore, #tpu.memory_space<semaphore_mem>>)
        %scan3A_408 = arith.constant 0 : i32
        scf.yield %scan3A_408 : i32
      }
      %scan3A_388 = arith.constant 10 : i32
      %scan3A_389 = arith.constant 0 : i32
      %scan3A_390 = arith.constant 0 : i32
      %scan3A_391 = arith.constant 10 : i32
      %scan3A_392 = arith.addi %scan3A_390, %scan3A_391 : i32
      %scan3A_393 = arith.constant 1 : i32
      %scan3A_394 = scf.for %scan3A_396 = %scan3A_390 to %scan3A_392 step %scan3A_393 iter_args(%scan3A_397 = %scan3A_389) -> (i32)  : i32 {
        %mul3A_398 = arith.constant 64 : i32
        %mul3A_399 = arith.muli %scan3A_396, %mul3A_398 : i32
        %add3A_400 = arith.addi %mul3A_2, %mul3A_399 : i32
        %dma_wait3A_401 = arith.constant 0 : i32
        %dma_wait3A_402 = tpu.memref_slice %arg8[%dma_wait3A_401] : memref<6x!tpu.dma_semaphore, #tpu.memory_space<semaphore_mem>> -> memref<1x!tpu.dma_semaphore, #tpu.memory_space<semaphore_mem>>
        %dma_wait3A_403 = tpu.memref_squeeze %dma_wait3A_402 : memref<1x!tpu.dma_semaphore, #tpu.memory_space<semaphore_mem>> -> memref<!tpu.dma_semaphore, #tpu.memory_space<semaphore_mem>>
        %dma_wait3A_404 = arith.constant 0 : i32
        %dma_wait3A_405 = tpu.memref_slice %arg7[%add3A_400, %dma_wait3A_404] : memref<10240x128xf32, #tpu.memory_space<vmem_shared>> -> memref<64x128xf32, #tpu.memory_space<vmem_shared>>
        %dma_wait3A_406 = arith.constant 0 : i32
        %dma_wait3A_407 = tpu.memref_slice %arg2[%add3A_400, %dma_wait3A_406] : memref<10240x128xf32, #tpu.memory_space<hbm>> -> memref<64x128xf32, #tpu.memory_space<hbm>>
        tpu.wait_dma2 semaphore(%dma_wait3A_403 : memref<!tpu.dma_semaphore, #tpu.memory_space<semaphore_mem>>) src(%dma_wait3A_407 : memref<64x128xf32, #tpu.memory_space<hbm>>) dst(%dma_wait3A_405 : memref<64x128xf32, #tpu.memory_space<vmem_shared>>)
        %scan3A_408 = arith.constant 0 : i32
        scf.yield %scan3A_408 : i32
      }
      %scan3A_395 = arith.constant 10 : i32
    } else {
    }
    %ne3A = arith.constant 0 : i32
    %ne3A_5 = arith.cmpi ne, %arg0, %ne3A : i32
    %convert_element_type3A_6 = arith.extui %ne3A_5 : i1 to i32
    %cond3A_7 = arith.constant 0 : i32
    %cond3A_8 = arith.cmpi ne, %convert_element_type3A_6, %cond3A_7 : i32
    scf.if %cond3A_8 {
      %scan3A_382 = arith.constant 0 : i32
      %scan3A_383 = arith.constant 0 : i32
      %scan3A_384 = arith.constant 64 : i32
      %scan3A_385 = arith.addi %scan3A_383, %scan3A_384 : i32
      %scan3A_386 = arith.constant 1 : i32
      %scan3A_387 = scf.for %scan3A_403 = %scan3A_383 to %scan3A_385 step %scan3A_386 iter_args(%scan3A_404 = %scan3A_382) -> (i32)  : i32 {
        %broadcast_in_dim3A = arith.constant 0.000000e+00 : f32
        %broadcast_in_dim3A_405 = vector.broadcast %broadcast_in_dim3A : f32 to vector<16xf32>
        %swap3A = arith.constant 0 : i32
        %swap3A_406 = arith.index_cast %swap3A : i32 to index
        %swap3A_407 = arith.index_cast %scan3A_403 : i32 to index
        %swap3A_408 = arith.constant 0 : index
        %swap3A_409 = tpu.vector_load %arg6[%swap3A_406, %swap3A_407, %swap3A_408] {strides = array<i32>} : memref<5x72x128xf32, #tpu.memory_space<vmem>>, vector<1x1x16xf32>,
        %swap3A_410 = vector.shape_cast %swap3A_409 : vector<1x1x16xf32> to vector<16xf32>
        %swap3A_411 = vector.shape_cast %broadcast_in_dim3A_405 : vector<16xf32> to vector<1x1x16xf32>
        tpu.vector_store %arg6[%swap3A_406, %swap3A_407, %swap3A_408], %swap3A_411 {strides = array<i32>} : memref<5x72x128xf32, #tpu.memory_space<vmem>>, vector<1x1x16xf32>,
        %broadcast_in_dim3A_412 = arith.constant 0.000000e+00 : f32
        %broadcast_in_dim3A_413 = vector.broadcast %broadcast_in_dim3A_412 : f32 to vector<16xf32>
        %swap3A_414 = arith.constant 0 : i32
        %swap3A_415 = arith.index_cast %swap3A_414 : i32 to index
        %swap3A_416 = arith.index_cast %scan3A_403 : i32 to index
        %swap3A_417 = arith.constant 16 : index
        %swap3A_418 = tpu.vector_load %arg6[%swap3A_415, %swap3A_416, %swap3A_417] {strides = array<i32>} : memref<5x72x128xf32, #tpu.memory_space<vmem>>, vector<1x1x16xf32>,
        %swap3A_419 = vector.shape_cast %swap3A_418 : vector<1x1x16xf32> to vector<16xf32>
        %swap3A_420 = vector.shape_cast %broadcast_in_dim3A_413 : vector<16xf32> to vector<1x1x16xf32>
        tpu.vector_store %arg6[%swap3A_415, %swap3A_416, %swap3A_417], %swap3A_420 {strides = array<i32>} : memref<5x72x128xf32, #tpu.memory_space<vmem>>, vector<1x1x16xf32>,
        %broadcast_in_dim3A_421 = arith.constant 0.000000e+00 : f32
        %broadcast_in_dim3A_422 = vector.broadcast %broadcast_in_dim3A_421 : f32 to vector<16xf32>
        %swap3A_423 = arith.constant 0 : i32
        %swap3A_424 = arith.index_cast %swap3A_423 : i32 to index
        %swap3A_425 = arith.index_cast %scan3A_403 : i32 to index
        %swap3A_426 = arith.constant 32 : index
        %swap3A_427 = tpu.vector_load %arg6[%swap3A_424, %swap3A_425, %swap3A_426] {strides = array<i32>} : memref<5x72x128xf32, #tpu.memory_space<vmem>>, vector<1x1x16xf32>,
        %swap3A_428 = vector.shape_cast %swap3A_427 : vector<1x1x16xf32> to vector<16xf32>
        %swap3A_429 = vector.shape_cast %broadcast_in_dim3A_422 : vector<16xf32> to vector<1x1x16xf32>
        tpu.vector_store %arg6[%swap3A_424, %swap3A_425, %swap3A_426], %swap3A_429 {strides = array<i32>} : memref<5x72x128xf32, #tpu.memory_space<vmem>>, vector<1x1x16xf32>,
        %broadcast_in_dim3A_430 = arith.constant 0.000000e+00 : f32
        %broadcast_in_dim3A_431 = vector.broadcast %broadcast_in_dim3A_430 : f32 to vector<16xf32>
        %swap3A_432 = arith.constant 0 : i32
        %swap3A_433 = arith.index_cast %swap3A_432 : i32 to index
        %swap3A_434 = arith.index_cast %scan3A_403 : i32 to index
        %swap3A_435 = arith.constant 48 : index
        %swap3A_436 = tpu.vector_load %arg6[%swap3A_433, %swap3A_434, %swap3A_435] {strides = array<i32>} : memref<5x72x128xf32, #tpu.memory_space<vmem>>, vector<1x1x16xf32>,
        %swap3A_437 = vector.shape_cast %swap3A_436 : vector<1x1x16xf32> to vector<16xf32>
        %swap3A_438 = vector.shape_cast %broadcast_in_dim3A_431 : vector<16xf32> to vector<1x1x16xf32>
        tpu.vector_store %arg6[%swap3A_433, %swap3A_434, %swap3A_435], %swap3A_438 {strides = array<i32>} : memref<5x72x128xf32, #tpu.memory_space<vmem>>, vector<1x1x16xf32>,
        %broadcast_in_dim3A_439 = arith.constant 0.000000e+00 : f32
        %broadcast_in_dim3A_440 = vector.broadcast %broadcast_in_dim3A_439 : f32 to vector<16xf32>
        %swap3A_441 = arith.constant 0 : i32
        %swap3A_442 = arith.index_cast %swap3A_441 : i32 to index
        %swap3A_443 = arith.index_cast %scan3A_403 : i32 to index
        %swap3A_444 = arith.constant 64 : index
        %swap3A_445 = tpu.vector_load %arg6[%swap3A_442, %swap3A_443, %swap3A_444] {strides = array<i32>} : memref<5x72x128xf32, #tpu.memory_space<vmem>>, vector<1x1x16xf32>,
        %swap3A_446 = vector.shape_cast %swap3A_445 : vector<1x1x16xf32> to vector<16xf32>
        %swap3A_447 = vector.shape_cast %broadcast_in_dim3A_440 : vector<16xf32> to vector<1x1x16xf32>
        tpu.vector_store %arg6[%swap3A_442, %swap3A_443, %swap3A_444], %swap3A_447 {strides = array<i32>} : memref<5x72x128xf32, #tpu.memory_space<vmem>>, vector<1x1x16xf32>,
        %broadcast_in_dim3A_448 = arith.constant 0.000000e+00 : f32
        %broadcast_in_dim3A_449 = vector.broadcast %broadcast_in_dim3A_448 : f32 to vector<16xf32>
        %swap3A_450 = arith.constant 0 : i32
        %swap3A_451 = arith.index_cast %swap3A_450 : i32 to index
        %swap3A_452 = arith.index_cast %scan3A_403 : i32 to index
        %swap3A_453 = arith.constant 80 : index
        %swap3A_454 = tpu.vector_load %arg6[%swap3A_451, %swap3A_452, %swap3A_453] {strides = array<i32>} : memref<5x72x128xf32, #tpu.memory_space<vmem>>, vector<1x1x16xf32>,
        %swap3A_455 = vector.shape_cast %swap3A_454 : vector<1x1x16xf32> to vector<16xf32>
        %swap3A_456 = vector.shape_cast %broadcast_in_dim3A_449 : vector<16xf32> to vector<1x1x16xf32>
        tpu.vector_store %arg6[%swap3A_451, %swap3A_452, %swap3A_453], %swap3A_456 {strides = array<i32>} : memref<5x72x128xf32, #tpu.memory_space<vmem>>, vector<1x1x16xf32>,
        %broadcast_in_dim3A_457 = arith.constant 0.000000e+00 : f32
        %broadcast_in_dim3A_458 = vector.broadcast %broadcast_in_dim3A_457 : f32 to vector<16xf32>
        %swap3A_459 = arith.constant 0 : i32
        %swap3A_460 = arith.index_cast %swap3A_459 : i32 to index
        %swap3A_461 = arith.index_cast %scan3A_403 : i32 to index
        %swap3A_462 = arith.constant 96 : index
        %swap3A_463 = tpu.vector_load %arg6[%swap3A_460, %swap3A_461, %swap3A_462] {strides = array<i32>} : memref<5x72x128xf32, #tpu.memory_space<vmem>>, vector<1x1x16xf32>,
        %swap3A_464 = vector.shape_cast %swap3A_463 : vector<1x1x16xf32> to vector<16xf32>
        %swap3A_465 = vector.shape_cast %broadcast_in_dim3A_458 : vector<16xf32> to vector<1x1x16xf32>
        tpu.vector_store %arg6[%swap3A_460, %swap3A_461, %swap3A_462], %swap3A_465 {strides = array<i32>} : memref<5x72x128xf32, #tpu.memory_space<vmem>>, vector<1x1x16xf32>,
        %broadcast_in_dim3A_466 = arith.constant 0.000000e+00 : f32
        %broadcast_in_dim3A_467 = vector.broadcast %broadcast_in_dim3A_466 : f32 to vector<16xf32>
        %swap3A_468 = arith.constant 0 : i32
        %swap3A_469 = arith.index_cast %swap3A_468 : i32 to index
        %swap3A_470 = arith.index_cast %scan3A_403 : i32 to index
        %swap3A_471 = arith.constant 112 : index
        %swap3A_472 = tpu.vector_load %arg6[%swap3A_469, %swap3A_470, %swap3A_471] {strides = array<i32>} : memref<5x72x128xf32, #tpu.memory_space<vmem>>, vector<1x1x16xf32>,
        %swap3A_473 = vector.shape_cast %swap3A_472 : vector<1x1x16xf32> to vector<16xf32>
        %swap3A_474 = vector.shape_cast %broadcast_in_dim3A_467 : vector<16xf32> to vector<1x1x16xf32>
        tpu.vector_store %arg6[%swap3A_469, %swap3A_470, %swap3A_471], %swap3A_474 {strides = array<i32>} : memref<5x72x128xf32, #tpu.memory_space<vmem>>, vector<1x1x16xf32>,
        %scan3A_475 = arith.constant 0 : i32
        scf.yield %scan3A_475 : i32
      }
      %scan3A_388 = arith.constant 64 : i32
      %scan3A_389 = arith.constant 0 : i32
      %scan3A_390 = arith.constant 0 : i32
      %scan3A_391 = arith.constant 10 : i32
      %scan3A_392 = arith.addi %scan3A_390, %scan3A_391 : i32
      %scan3A_393 = arith.constant 1 : i32
      %scan3A_394 = scf.for %scan3A_403 = %scan3A_390 to %scan3A_392 step %scan3A_393 iter_args(%scan3A_404 = %scan3A_389) -> (i32)  : i32 {
        %mul3A_405 = arith.constant 64 : i32
        %mul3A_406 = arith.muli %scan3A_403, %mul3A_405 : i32
        %add3A_407 = arith.addi %mul3A_2, %mul3A_406 : i32
        %dma_start3A_408 = arith.constant 0 : i32
        %dma_start3A_409 = arith.constant 0 : i32
        %dma_start3A_410 = arith.constant 0 : i32
        %dma_start3A_411 = arith.constant 0 : i32
        %dma_start3A_412 = tpu.memref_slice %arg6[%dma_start3A_408, %dma_start3A_410, %dma_start3A_411] : memref<5x72x128xf32, #tpu.memory_space<vmem>> -> memref<1x64x128xf32, #tpu.memory_space<vmem>>
        %dma_start3A_413 = tpu.memref_squeeze %dma_start3A_412 : memref<1x64x128xf32, #tpu.memory_space<vmem>> -> memref<64x128xf32, #tpu.memory_space<vmem>>
        %dma_start3A_414 = arith.constant 0 : i32
        %dma_start3A_415 = tpu.memref_slice %arg7[%add3A_407, %dma_start3A_414] : memref<10240x128xf32, #tpu.memory_space<vmem_shared>> -> memref<64x128xf32, #tpu.memory_space<vmem_shared>>
        %dma_start3A_416 = tpu.memref_slice %arg8[%dma_start3A_409] : memref<6x!tpu.dma_semaphore, #tpu.memory_space<semaphore_mem>> -> memref<1x!tpu.dma_semaphore, #tpu.memory_space<semaphore_mem>>
        %dma_start3A_417 = tpu.memref_squeeze %dma_start3A_416 : memref<1x!tpu.dma_semaphore, #tpu.memory_space<semaphore_mem>> -> memref<!tpu.dma_semaphore, #tpu.memory_space<semaphore_mem>>
        %dma_start3A_418 = arith.constant 0 : i32
        %dma_start3A_419 = tpu.memref_slice %arg7[%add3A_407, %dma_start3A_418] : memref<10240x128xf32, #tpu.memory_space<vmem_shared>> -> memref<64x128xf32, #tpu.memory_space<vmem_shared>>
        %dma_start3A_420 = arith.constant 0 : i32
        %dma_start3A_421 = arith.constant 0 : i32
        %dma_start3A_422 = tpu.memref_slice %arg6[%dma_start3A_408, %dma_start3A_420, %dma_start3A_421] : memref<5x72x128xf32, #tpu.memory_space<vmem>> -> memref<1x64x128xf32, #tpu.memory_space<vmem>>
        %dma_start3A_423 = tpu.memref_squeeze %dma_start3A_422 : memref<1x64x128xf32, #tpu.memory_space<vmem>> -> memref<64x128xf32, #tpu.memory_space<vmem>>
        tpu.enqueue_dma source(%dma_start3A_423 : memref<64x128xf32, #tpu.memory_space<vmem>>) target(%dma_start3A_419 : memref<64x128xf32, #tpu.memory_space<vmem_shared>>) target_semaphore(%dma_start3A_417 : memref<!tpu.dma_semaphore, #tpu.memory_space<semaphore_mem>>)
        %scan3A_424 = arith.constant 0 : i32
        scf.yield %scan3A_424 : i32
      }
      %scan3A_395 = arith.constant 10 : i32
      %scan3A_396 = arith.constant 0 : i32
      %scan3A_397 = arith.constant 0 : i32
      %scan3A_398 = arith.constant 10 : i32
      %scan3A_399 = arith.addi %scan3A_397, %scan3A_398 : i32
      %scan3A_400 = arith.constant 1 : i32
      %scan3A_401 = scf.for %scan3A_403 = %scan3A_397 to %scan3A_399 step %scan3A_400 iter_args(%scan3A_404 = %scan3A_396) -> (i32)  : i32 {
        %mul3A_405 = arith.constant 64 : i32
        %mul3A_406 = arith.muli %scan3A_403, %mul3A_405 : i32
        %add3A_407 = arith.addi %mul3A_2, %mul3A_406 : i32
        %dma_wait3A_408 = arith.constant 0 : i32
        %dma_wait3A_409 = arith.constant 0 : i32
        %dma_wait3A_410 = arith.constant 0 : i32
        %dma_wait3A_411 = arith.constant 0 : i32
        %dma_wait3A_412 = tpu.memref_slice %arg6[%dma_wait3A_408, %dma_wait3A_410, %dma_wait3A_411] : memref<5x72x128xf32, #tpu.memory_space<vmem>> -> memref<1x64x128xf32, #tpu.memory_space<vmem>>
        %dma_wait3A_413 = tpu.memref_squeeze %dma_wait3A_412 : memref<1x64x128xf32, #tpu.memory_space<vmem>> -> memref<64x128xf32, #tpu.memory_space<vmem>>
        %dma_wait3A_414 = arith.constant 0 : i32
        %dma_wait3A_415 = tpu.memref_slice %arg7[%add3A_407, %dma_wait3A_414] : memref<10240x128xf32, #tpu.memory_space<vmem_shared>> -> memref<64x128xf32, #tpu.memory_space<vmem_shared>>
        %dma_wait3A_416 = tpu.memref_slice %arg8[%dma_wait3A_409] : memref<6x!tpu.dma_semaphore, #tpu.memory_space<semaphore_mem>> -> memref<1x!tpu.dma_semaphore, #tpu.memory_space<semaphore_mem>>
        %dma_wait3A_417 = tpu.memref_squeeze %dma_wait3A_416 : memref<1x!tpu.dma_semaphore, #tpu.memory_space<semaphore_mem>> -> memref<!tpu.dma_semaphore, #tpu.memory_space<semaphore_mem>>
        %dma_wait3A_418 = arith.constant 0 : i32
        %dma_wait3A_419 = tpu.memref_slice %arg7[%add3A_407, %dma_wait3A_418] : memref<10240x128xf32, #tpu.memory_space<vmem_shared>> -> memref<64x128xf32, #tpu.memory_space<vmem_shared>>
        %dma_wait3A_420 = arith.constant 0 : i32
        %dma_wait3A_421 = arith.constant 0 : i32
        %dma_wait3A_422 = tpu.memref_slice %arg6[%dma_wait3A_408, %dma_wait3A_420, %dma_wait3A_421] : memref<5x72x128xf32, #tpu.memory_space<vmem>> -> memref<1x64x128xf32, #tpu.memory_space<vmem>>
        %dma_wait3A_423 = tpu.memref_squeeze %dma_wait3A_422 : memref<1x64x128xf32, #tpu.memory_space<vmem>> -> memref<64x128xf32, #tpu.memory_space<vmem>>
        tpu.wait_dma2 semaphore(%dma_wait3A_417 : memref<!tpu.dma_semaphore, #tpu.memory_space<semaphore_mem>>) src(%dma_wait3A_423 : memref<64x128xf32, #tpu.memory_space<vmem>>) dst(%dma_wait3A_419 : memref<64x128xf32, #tpu.memory_space<vmem_shared>>)
        %scan3A_424 = arith.constant 0 : i32
        scf.yield %scan3A_424 : i32
      }
      %scan3A_402 = arith.constant 10 : i32
    } else {
    }
    %barrier3A = arith.constant 0 : index
    tpu.barrier barrier_id(%barrier3A)
    %rem3A = arith.constant 0 : i32
    %rem3A_9 = arith.constant 6 : i32
    %rem3A_10 = arith.remsi %rem3A, %rem3A_9 : i32
    %dma_start3A = arith.constant 0 : i32
    %dma_start3A_11 = arith.constant 0 : i32
    %dma_start3A_12 = arith.constant 0 : i32
    %dma_start3A_13 = tpu.memref_slice %arg5[%rem3A_10, %dma_start3A_11, %dma_start3A_12] : memref<6x2x72xi32, #tpu.memory_space<vmem>> -> memref<1x2x72xi32, #tpu.memory_space<vmem>>
    %dma_start3A_14 = tpu.memref_squeeze %dma_start3A_13 : memref<1x2x72xi32, #tpu.memory_space<vmem>> -> memref<2x72xi32, #tpu.memory_space<vmem>>
    %dma_start3A_15 = arith.constant 0 : i32
    %dma_start3A_16 = arith.constant 0 : i32
    %dma_start3A_17 = tpu.memref_slice %arg3[%add3A, %dma_start3A, %dma_start3A_15, %dma_start3A_16] : memref<32x139x2x72xi32, #tpu.memory_space<hbm>> -> memref<1x1x2x72xi32, #tpu.memory_space<hbm>>
    %dma_start3A_18 = tpu.memref_squeeze %dma_start3A_17 : memref<1x1x2x72xi32, #tpu.memory_space<hbm>> -> memref<2x72xi32, #tpu.memory_space<hbm>>
    %dma_start3A_19 = tpu.memref_slice %arg8[%rem3A_10] : memref<6x!tpu.dma_semaphore, #tpu.memory_space<semaphore_mem>> -> memref<1x!tpu.dma_semaphore, #tpu.memory_space<semaphore_mem>>
    %dma_start3A_20 = tpu.memref_squeeze %dma_start3A_19 : memref<1x!tpu.dma_semaphore, #tpu.memory_space<semaphore_mem>> -> memref<!tpu.dma_semaphore, #tpu.memory_space<semaphore_mem>>
    %dma_start3A_21 = arith.constant 0 : i32
    %dma_start3A_22 = arith.constant 0 : i32
    %dma_start3A_23 = tpu.memref_slice %arg5[%rem3A_10, %dma_start3A_21, %dma_start3A_22] : memref<6x2x72xi32, #tpu.memory_space<vmem>> -> memref<1x2x72xi32, #tpu.memory_space<vmem>>
    %dma_start3A_24 = tpu.memref_squeeze %dma_start3A_23 : memref<1x2x72xi32, #tpu.memory_space<vmem>> -> memref<2x72xi32, #tpu.memory_space<vmem>>
    %dma_start3A_25 = arith.constant 0 : i32
    %dma_start3A_26 = arith.constant 0 : i32
    %dma_start3A_27 = tpu.memref_slice %arg3[%add3A, %dma_start3A, %dma_start3A_25, %dma_start3A_26] : memref<32x139x2x72xi32, #tpu.memory_space<hbm>> -> memref<1x1x2x72xi32, #tpu.memory_space<hbm>>
    %dma_start3A_28 = tpu.memref_squeeze %dma_start3A_27 : memref<1x1x2x72xi32, #tpu.memory_space<hbm>> -> memref<2x72xi32, #tpu.memory_space<hbm>>
    tpu.enqueue_dma source(%dma_start3A_28 : memref<2x72xi32, #tpu.memory_space<hbm>>) target(%dma_start3A_24 : memref<2x72xi32, #tpu.memory_space<vmem>>) target_semaphore(%dma_start3A_20 : memref<!tpu.dma_semaphore, #tpu.memory_space<semaphore_mem>>)
    %rem3A_29 = arith.constant 1 : i32
    %rem3A_30 = arith.constant 6 : i32
    %rem3A_31 = arith.remsi %rem3A_29, %rem3A_30 : i32
    %dma_start3A_32 = arith.constant 1 : i32
    %dma_start3A_33 = arith.constant 0 : i32
    %dma_start3A_34 = arith.constant 0 : i32
    %dma_start3A_35 = tpu.memref_slice %arg5[%rem3A_31, %dma_start3A_33, %dma_start3A_34] : memref<6x2x72xi32, #tpu.memory_space<vmem>> -> memref<1x2x72xi32, #tpu.memory_space<vmem>>
    %dma_start3A_36 = tpu.memref_squeeze %dma_start3A_35 : memref<1x2x72xi32, #tpu.memory_space<vmem>> -> memref<2x72xi32, #tpu.memory_space<vmem>>
    %dma_start3A_37 = arith.constant 0 : i32
    %dma_start3A_38 = arith.constant 0 : i32
    %dma_start3A_39 = tpu.memref_slice %arg3[%add3A, %dma_start3A_32, %dma_start3A_37, %dma_start3A_38] : memref<32x139x2x72xi32, #tpu.memory_space<hbm>> -> memref<1x1x2x72xi32, #tpu.memory_space<hbm>>
    %dma_start3A_40 = tpu.memref_squeeze %dma_start3A_39 : memref<1x1x2x72xi32, #tpu.memory_space<hbm>> -> memref<2x72xi32, #tpu.memory_space<hbm>>
    %dma_start3A_41 = tpu.memref_slice %arg8[%rem3A_31] : memref<6x!tpu.dma_semaphore, #tpu.memory_space<semaphore_mem>> -> memref<1x!tpu.dma_semaphore, #tpu.memory_space<semaphore_mem>>
    %dma_start3A_42 = tpu.memref_squeeze %dma_start3A_41 : memref<1x!tpu.dma_semaphore, #tpu.memory_space<semaphore_mem>> -> memref<!tpu.dma_semaphore, #tpu.memory_space<semaphore_mem>>
    %dma_start3A_43 = arith.constant 0 : i32
    %dma_start3A_44 = arith.constant 0 : i32
    %dma_start3A_45 = tpu.memref_slice %arg5[%rem3A_31, %dma_start3A_43, %dma_start3A_44] : memref<6x2x72xi32, #tpu.memory_space<vmem>> -> memref<1x2x72xi32, #tpu.memory_space<vmem>>
    %dma_start3A_46 = tpu.memref_squeeze %dma_start3A_45 : memref<1x2x72xi32, #tpu.memory_space<vmem>> -> memref<2x72xi32, #tpu.memory_space<vmem>>
    %dma_start3A_47 = arith.constant 0 : i32
    %dma_start3A_48 = arith.constant 0 : i32
    %dma_start3A_49 = tpu.memref_slice %arg3[%add3A, %dma_start3A_32, %dma_start3A_47, %dma_start3A_48] : memref<32x139x2x72xi32, #tpu.memory_space<hbm>> -> memref<1x1x2x72xi32, #tpu.memory_space<hbm>>
    %dma_start3A_50 = tpu.memref_squeeze %dma_start3A_49 : memref<1x1x2x72xi32, #tpu.memory_space<hbm>> -> memref<2x72xi32, #tpu.memory_space<hbm>>
    tpu.enqueue_dma source(%dma_start3A_50 : memref<2x72xi32, #tpu.memory_space<hbm>>) target(%dma_start3A_46 : memref<2x72xi32, #tpu.memory_space<vmem>>) target_semaphore(%dma_start3A_42 : memref<!tpu.dma_semaphore, #tpu.memory_space<semaphore_mem>>)
    %rem3A_51 = arith.constant 2 : i32
    %rem3A_52 = arith.constant 6 : i32
    %rem3A_53 = arith.remsi %rem3A_51, %rem3A_52 : i32
    %dma_start3A_54 = arith.constant 2 : i32
    %dma_start3A_55 = arith.constant 0 : i32
    %dma_start3A_56 = arith.constant 0 : i32
    %dma_start3A_57 = tpu.memref_slice %arg5[%rem3A_53, %dma_start3A_55, %dma_start3A_56] : memref<6x2x72xi32, #tpu.memory_space<vmem>> -> memref<1x2x72xi32, #tpu.memory_space<vmem>>
    %dma_start3A_58 = tpu.memref_squeeze %dma_start3A_57 : memref<1x2x72xi32, #tpu.memory_space<vmem>> -> memref<2x72xi32, #tpu.memory_space<vmem>>
    %dma_start3A_59 = arith.constant 0 : i32
    %dma_start3A_60 = arith.constant 0 : i32
    %dma_start3A_61 = tpu.memref_slice %arg3[%add3A, %dma_start3A_54, %dma_start3A_59, %dma_start3A_60] : memref<32x139x2x72xi32, #tpu.memory_space<hbm>> -> memref<1x1x2x72xi32, #tpu.memory_space<hbm>>
    %dma_start3A_62 = tpu.memref_squeeze %dma_start3A_61 : memref<1x1x2x72xi32, #tpu.memory_space<hbm>> -> memref<2x72xi32, #tpu.memory_space<hbm>>
    %dma_start3A_63 = tpu.memref_slice %arg8[%rem3A_53] : memref<6x!tpu.dma_semaphore, #tpu.memory_space<semaphore_mem>> -> memref<1x!tpu.dma_semaphore, #tpu.memory_space<semaphore_mem>>
    %dma_start3A_64 = tpu.memref_squeeze %dma_start3A_63 : memref<1x!tpu.dma_semaphore, #tpu.memory_space<semaphore_mem>> -> memref<!tpu.dma_semaphore, #tpu.memory_space<semaphore_mem>>
    %dma_start3A_65 = arith.constant 0 : i32
    %dma_start3A_66 = arith.constant 0 : i32
    %dma_start3A_67 = tpu.memref_slice %arg5[%rem3A_53, %dma_start3A_65, %dma_start3A_66] : memref<6x2x72xi32, #tpu.memory_space<vmem>> -> memref<1x2x72xi32, #tpu.memory_space<vmem>>
    %dma_start3A_68 = tpu.memref_squeeze %dma_start3A_67 : memref<1x2x72xi32, #tpu.memory_space<vmem>> -> memref<2x72xi32, #tpu.memory_space<vmem>>
    %dma_start3A_69 = arith.constant 0 : i32
    %dma_start3A_70 = arith.constant 0 : i32
    %dma_start3A_71 = tpu.memref_slice %arg3[%add3A, %dma_start3A_54, %dma_start3A_69, %dma_start3A_70] : memref<32x139x2x72xi32, #tpu.memory_space<hbm>> -> memref<1x1x2x72xi32, #tpu.memory_space<hbm>>
    %dma_start3A_72 = tpu.memref_squeeze %dma_start3A_71 : memref<1x1x2x72xi32, #tpu.memory_space<hbm>> -> memref<2x72xi32, #tpu.memory_space<hbm>>
    tpu.enqueue_dma source(%dma_start3A_72 : memref<2x72xi32, #tpu.memory_space<hbm>>) target(%dma_start3A_68 : memref<2x72xi32, #tpu.memory_space<vmem>>) target_semaphore(%dma_start3A_64 : memref<!tpu.dma_semaphore, #tpu.memory_space<semaphore_mem>>)
    %rem3A_73 = arith.constant 3 : i32
    %rem3A_74 = arith.constant 6 : i32
    %rem3A_75 = arith.remsi %rem3A_73, %rem3A_74 : i32
    %dma_start3A_76 = arith.constant 3 : i32
    %dma_start3A_77 = arith.constant 0 : i32
    %dma_start3A_78 = arith.constant 0 : i32
    %dma_start3A_79 = tpu.memref_slice %arg5[%rem3A_75, %dma_start3A_77, %dma_start3A_78] : memref<6x2x72xi32, #tpu.memory_space<vmem>> -> memref<1x2x72xi32, #tpu.memory_space<vmem>>
    %dma_start3A_80 = tpu.memref_squeeze %dma_start3A_79 : memref<1x2x72xi32, #tpu.memory_space<vmem>> -> memref<2x72xi32, #tpu.memory_space<vmem>>
    %dma_start3A_81 = arith.constant 0 : i32
    %dma_start3A_82 = arith.constant 0 : i32
    %dma_start3A_83 = tpu.memref_slice %arg3[%add3A, %dma_start3A_76, %dma_start3A_81, %dma_start3A_82] : memref<32x139x2x72xi32, #tpu.memory_space<hbm>> -> memref<1x1x2x72xi32, #tpu.memory_space<hbm>>
    %dma_start3A_84 = tpu.memref_squeeze %dma_start3A_83 : memref<1x1x2x72xi32, #tpu.memory_space<hbm>> -> memref<2x72xi32, #tpu.memory_space<hbm>>
    %dma_start3A_85 = tpu.memref_slice %arg8[%rem3A_75] : memref<6x!tpu.dma_semaphore, #tpu.memory_space<semaphore_mem>> -> memref<1x!tpu.dma_semaphore, #tpu.memory_space<semaphore_mem>>
    %dma_start3A_86 = tpu.memref_squeeze %dma_start3A_85 : memref<1x!tpu.dma_semaphore, #tpu.memory_space<semaphore_mem>> -> memref<!tpu.dma_semaphore, #tpu.memory_space<semaphore_mem>>
    %dma_start3A_87 = arith.constant 0 : i32
    %dma_start3A_88 = arith.constant 0 : i32
    %dma_start3A_89 = tpu.memref_slice %arg5[%rem3A_75, %dma_start3A_87, %dma_start3A_88] : memref<6x2x72xi32, #tpu.memory_space<vmem>> -> memref<1x2x72xi32, #tpu.memory_space<vmem>>
    %dma_start3A_90 = tpu.memref_squeeze %dma_start3A_89 : memref<1x2x72xi32, #tpu.memory_space<vmem>> -> memref<2x72xi32, #tpu.memory_space<vmem>>
    %dma_start3A_91 = arith.constant 0 : i32
    %dma_start3A_92 = arith.constant 0 : i32
    %dma_start3A_93 = tpu.memref_slice %arg3[%add3A, %dma_start3A_76, %dma_start3A_91, %dma_start3A_92] : memref<32x139x2x72xi32, #tpu.memory_space<hbm>> -> memref<1x1x2x72xi32, #tpu.memory_space<hbm>>
    %dma_start3A_94 = tpu.memref_squeeze %dma_start3A_93 : memref<1x1x2x72xi32, #tpu.memory_space<hbm>> -> memref<2x72xi32, #tpu.memory_space<hbm>>
    tpu.enqueue_dma source(%dma_start3A_94 : memref<2x72xi32, #tpu.memory_space<hbm>>) target(%dma_start3A_90 : memref<2x72xi32, #tpu.memory_space<vmem>>) target_semaphore(%dma_start3A_86 : memref<!tpu.dma_semaphore, #tpu.memory_space<semaphore_mem>>)
    %rem3A_95 = arith.constant 4 : i32
    %rem3A_96 = arith.constant 6 : i32
    %rem3A_97 = arith.remsi %rem3A_95, %rem3A_96 : i32
    %dma_start3A_98 = arith.constant 4 : i32
    %dma_start3A_99 = arith.constant 0 : i32
    %dma_start3A_100 = arith.constant 0 : i32
    %dma_start3A_101 = tpu.memref_slice %arg5[%rem3A_97, %dma_start3A_99, %dma_start3A_100] : memref<6x2x72xi32, #tpu.memory_space<vmem>> -> memref<1x2x72xi32, #tpu.memory_space<vmem>>
    %dma_start3A_102 = tpu.memref_squeeze %dma_start3A_101 : memref<1x2x72xi32, #tpu.memory_space<vmem>> -> memref<2x72xi32, #tpu.memory_space<vmem>>
    %dma_start3A_103 = arith.constant 0 : i32
    %dma_start3A_104 = arith.constant 0 : i32
    %dma_start3A_105 = tpu.memref_slice %arg3[%add3A, %dma_start3A_98, %dma_start3A_103, %dma_start3A_104] : memref<32x139x2x72xi32, #tpu.memory_space<hbm>> -> memref<1x1x2x72xi32, #tpu.memory_space<hbm>>
    %dma_start3A_106 = tpu.memref_squeeze %dma_start3A_105 : memref<1x1x2x72xi32, #tpu.memory_space<hbm>> -> memref<2x72xi32, #tpu.memory_space<hbm>>
    %dma_start3A_107 = tpu.memref_slice %arg8[%rem3A_97] : memref<6x!tpu.dma_semaphore, #tpu.memory_space<semaphore_mem>> -> memref<1x!tpu.dma_semaphore, #tpu.memory_space<semaphore_mem>>
    %dma_start3A_108 = tpu.memref_squeeze %dma_start3A_107 : memref<1x!tpu.dma_semaphore, #tpu.memory_space<semaphore_mem>> -> memref<!tpu.dma_semaphore, #tpu.memory_space<semaphore_mem>>
    %dma_start3A_109 = arith.constant 0 : i32
    %dma_start3A_110 = arith.constant 0 : i32
    %dma_start3A_111 = tpu.memref_slice %arg5[%rem3A_97, %dma_start3A_109, %dma_start3A_110] : memref<6x2x72xi32, #tpu.memory_space<vmem>> -> memref<1x2x72xi32, #tpu.memory_space<vmem>>
    %dma_start3A_112 = tpu.memref_squeeze %dma_start3A_111 : memref<1x2x72xi32, #tpu.memory_space<vmem>> -> memref<2x72xi32, #tpu.memory_space<vmem>>
    %dma_start3A_113 = arith.constant 0 : i32
    %dma_start3A_114 = arith.constant 0 : i32
    %dma_start3A_115 = tpu.memref_slice %arg3[%add3A, %dma_start3A_98, %dma_start3A_113, %dma_start3A_114] : memref<32x139x2x72xi32, #tpu.memory_space<hbm>> -> memref<1x1x2x72xi32, #tpu.memory_space<hbm>>
    %dma_start3A_116 = tpu.memref_squeeze %dma_start3A_115 : memref<1x1x2x72xi32, #tpu.memory_space<hbm>> -> memref<2x72xi32, #tpu.memory_space<hbm>>
    tpu.enqueue_dma source(%dma_start3A_116 : memref<2x72xi32, #tpu.memory_space<hbm>>) target(%dma_start3A_112 : memref<2x72xi32, #tpu.memory_space<vmem>>) target_semaphore(%dma_start3A_108 : memref<!tpu.dma_semaphore, #tpu.memory_space<semaphore_mem>>)
    %rem3A_117 = arith.constant 0 : i32
    %rem3A_118 = arith.constant 6 : i32
    %rem3A_119 = arith.remsi %rem3A_117, %rem3A_118 : i32
    %dma_wait3A = arith.constant 0 : i32
    %dma_wait3A_120 = arith.constant 0 : i32
    %dma_wait3A_121 = arith.constant 0 : i32
    %dma_wait3A_122 = tpu.memref_slice %arg5[%rem3A_119, %dma_wait3A_120, %dma_wait3A_121] : memref<6x2x72xi32, #tpu.memory_space<vmem>> -> memref<1x2x72xi32, #tpu.memory_space<vmem>>
    %dma_wait3A_123 = tpu.memref_squeeze %dma_wait3A_122 : memref<1x2x72xi32, #tpu.memory_space<vmem>> -> memref<2x72xi32, #tpu.memory_space<vmem>>
    %dma_wait3A_124 = arith.constant 0 : i32
    %dma_wait3A_125 = arith.constant 0 : i32
    %dma_wait3A_126 = tpu.memref_slice %arg3[%add3A, %dma_wait3A, %dma_wait3A_124, %dma_wait3A_125] : memref<32x139x2x72xi32, #tpu.memory_space<hbm>> -> memref<1x1x2x72xi32, #tpu.memory_space<hbm>>
    %dma_wait3A_127 = tpu.memref_squeeze %dma_wait3A_126 : memref<1x1x2x72xi32, #tpu.memory_space<hbm>> -> memref<2x72xi32, #tpu.memory_space<hbm>>
    %dma_wait3A_128 = tpu.memref_slice %arg8[%rem3A_119] : memref<6x!tpu.dma_semaphore, #tpu.memory_space<semaphore_mem>> -> memref<1x!tpu.dma_semaphore, #tpu.memory_space<semaphore_mem>>
    %dma_wait3A_129 = tpu.memref_squeeze %dma_wait3A_128 : memref<1x!tpu.dma_semaphore, #tpu.memory_space<semaphore_mem>> -> memref<!tpu.dma_semaphore, #tpu.memory_space<semaphore_mem>>
    %dma_wait3A_130 = arith.constant 0 : i32
    %dma_wait3A_131 = arith.constant 0 : i32
    %dma_wait3A_132 = tpu.memref_slice %arg5[%rem3A_119, %dma_wait3A_130, %dma_wait3A_131] : memref<6x2x72xi32, #tpu.memory_space<vmem>> -> memref<1x2x72xi32, #tpu.memory_space<vmem>>
    %dma_wait3A_133 = tpu.memref_squeeze %dma_wait3A_132 : memref<1x2x72xi32, #tpu.memory_space<vmem>> -> memref<2x72xi32, #tpu.memory_space<vmem>>
    %dma_wait3A_134 = arith.constant 0 : i32
    %dma_wait3A_135 = arith.constant 0 : i32
    %dma_wait3A_136 = tpu.memref_slice %arg3[%add3A, %dma_wait3A, %dma_wait3A_134, %dma_wait3A_135] : memref<32x139x2x72xi32, #tpu.memory_space<hbm>> -> memref<1x1x2x72xi32, #tpu.memory_space<hbm>>
    %dma_wait3A_137 = tpu.memref_squeeze %dma_wait3A_136 : memref<1x1x2x72xi32, #tpu.memory_space<hbm>> -> memref<2x72xi32, #tpu.memory_space<hbm>>
    tpu.wait_dma2 semaphore(%dma_wait3A_129 : memref<!tpu.dma_semaphore, #tpu.memory_space<semaphore_mem>>) src(%dma_wait3A_137 : memref<2x72xi32, #tpu.memory_space<hbm>>) dst(%dma_wait3A_133 : memref<2x72xi32, #tpu.memory_space<vmem>>)
    %rem3A_138 = arith.constant 0 : i32
    %rem3A_139 = arith.constant 6 : i32
    %rem3A_140 = arith.remsi %rem3A_138, %rem3A_139 : i32
    %rem3A_141 = arith.constant 0 : i32
    %rem3A_142 = arith.constant 5 : i32
    %rem3A_143 = arith.remsi %rem3A_141, %rem3A_142 : i32
    %dma_start3A_144 = arith.constant 0 : i32
    %dma_start3A_145 = arith.constant 0 : i32
    %dma_start3A_146 = arith.constant 0 : i32
    %dma_start3A_147 = tpu.memref_slice %arg6[%rem3A_143, %dma_start3A_145, %dma_start3A_146] : memref<5x72x128xf32, #tpu.memory_space<vmem>> -> memref<1x72x128xf32, #tpu.memory_space<vmem>>
    %dma_start3A_148 = tpu.memref_squeeze %dma_start3A_147 : memref<1x72x128xf32, #tpu.memory_space<vmem>> -> memref<72x128xf32, #tpu.memory_space<vmem>>
    %dma_start3A_149 = arith.constant 0 : i32
    %dma_start3A_150 = tpu.memref_slice %arg5[%rem3A_140, %dma_start3A_144, %dma_start3A_149] : memref<6x2x72xi32, #tpu.memory_space<vmem>> -> memref<1x1x72xi32, #tpu.memory_space<vmem>>
    %dma_start3A_151 = tpu.memref_squeeze %dma_start3A_150 : memref<1x1x72xi32, #tpu.memory_space<vmem>> -> memref<72xi32, #tpu.memory_space<vmem>>
    %dma_start3A_152 = arith.constant 0 : i32
    %dma_start3A_153 = arith.constant 0 : i32
    %dma_start3A_154 = tpu.memref_slice %arg2[%dma_start3A_152, %dma_start3A_153] : memref<10240x128xf32, #tpu.memory_space<hbm>> -> memref<10240x128xf32, #tpu.memory_space<hbm>>
    %dma_start3A_155 = tpu.memref_slice %arg9[%rem3A_143] : memref<5x!tpu.dma_semaphore, #tpu.memory_space<semaphore_mem>> -> memref<1x!tpu.dma_semaphore, #tpu.memory_space<semaphore_mem>>
    %dma_start3A_156 = tpu.memref_squeeze %dma_start3A_155 : memref<1x!tpu.dma_semaphore, #tpu.memory_space<semaphore_mem>> -> memref<!tpu.dma_semaphore, #tpu.memory_space<semaphore_mem>>
    tpu.enqueue_indirect_dma source(%dma_start3A_154 : memref<10240x128xf32, #tpu.memory_space<hbm>>) target(%dma_start3A_148 : memref<72x128xf32, #tpu.memory_space<vmem>>) offsets(%dma_start3A_151 : memref<72xi32, #tpu.memory_space<vmem>>) semaphore(%dma_start3A_156 : memref<!tpu.dma_semaphore, #tpu.memory_space<semaphore_mem>>)
    %rem3A_157 = arith.constant 1 : i32
    %rem3A_158 = arith.constant 6 : i32
    %rem3A_159 = arith.remsi %rem3A_157, %rem3A_158 : i32
    %dma_wait3A_160 = arith.constant 1 : i32
    %dma_wait3A_161 = arith.constant 0 : i32
    %dma_wait3A_162 = arith.constant 0 : i32
    %dma_wait3A_163 = tpu.memref_slice %arg5[%rem3A_159, %dma_wait3A_161, %dma_wait3A_162] : memref<6x2x72xi32, #tpu.memory_space<vmem>> -> memref<1x2x72xi32, #tpu.memory_space<vmem>>
    %dma_wait3A_164 = tpu.memref_squeeze %dma_wait3A_163 : memref<1x2x72xi32, #tpu.memory_space<vmem>> -> memref<2x72xi32, #tpu.memory_space<vmem>>
    %dma_wait3A_165 = arith.constant 0 : i32
    %dma_wait3A_166 = arith.constant 0 : i32
    %dma_wait3A_167 = tpu.memref_slice %arg3[%add3A, %dma_wait3A_160, %dma_wait3A_165, %dma_wait3A_166] : memref<32x139x2x72xi32, #tpu.memory_space<hbm>> -> memref<1x1x2x72xi32, #tpu.memory_space<hbm>>
    %dma_wait3A_168 = tpu.memref_squeeze %dma_wait3A_167 : memref<1x1x2x72xi32, #tpu.memory_space<hbm>> -> memref<2x72xi32, #tpu.memory_space<hbm>>
    %dma_wait3A_169 = tpu.memref_slice %arg8[%rem3A_159] : memref<6x!tpu.dma_semaphore, #tpu.memory_space<semaphore_mem>> -> memref<1x!tpu.dma_semaphore, #tpu.memory_space<semaphore_mem>>
    %dma_wait3A_170 = tpu.memref_squeeze %dma_wait3A_169 : memref<1x!tpu.dma_semaphore, #tpu.memory_space<semaphore_mem>> -> memref<!tpu.dma_semaphore, #tpu.memory_space<semaphore_mem>>
    %dma_wait3A_171 = arith.constant 0 : i32
    %dma_wait3A_172 = arith.constant 0 : i32
    %dma_wait3A_173 = tpu.memref_slice %arg5[%rem3A_159, %dma_wait3A_171, %dma_wait3A_172] : memref<6x2x72xi32, #tpu.memory_space<vmem>> -> memref<1x2x72xi32, #tpu.memory_space<vmem>>
    %dma_wait3A_174 = tpu.memref_squeeze %dma_wait3A_173 : memref<1x2x72xi32, #tpu.memory_space<vmem>> -> memref<2x72xi32, #tpu.memory_space<vmem>>
    %dma_wait3A_175 = arith.constant 0 : i32
    %dma_wait3A_176 = arith.constant 0 : i32
    %dma_wait3A_177 = tpu.memref_slice %arg3[%add3A, %dma_wait3A_160, %dma_wait3A_175, %dma_wait3A_176] : memref<32x139x2x72xi32, #tpu.memory_space<hbm>> -> memref<1x1x2x72xi32, #tpu.memory_space<hbm>>
    %dma_wait3A_178 = tpu.memref_squeeze %dma_wait3A_177 : memref<1x1x2x72xi32, #tpu.memory_space<hbm>> -> memref<2x72xi32, #tpu.memory_space<hbm>>
    tpu.wait_dma2 semaphore(%dma_wait3A_170 : memref<!tpu.dma_semaphore, #tpu.memory_space<semaphore_mem>>) src(%dma_wait3A_178 : memref<2x72xi32, #tpu.memory_space<hbm>>) dst(%dma_wait3A_174 : memref<2x72xi32, #tpu.memory_space<vmem>>)
    %rem3A_179 = arith.constant 1 : i32
    %rem3A_180 = arith.constant 6 : i32
    %rem3A_181 = arith.remsi %rem3A_179, %rem3A_180 : i32
    %rem3A_182 = arith.constant 1 : i32
    %rem3A_183 = arith.constant 5 : i32
    %rem3A_184 = arith.remsi %rem3A_182, %rem3A_183 : i32
    %dma_start3A_185 = arith.constant 0 : i32
    %dma_start3A_186 = arith.constant 0 : i32
    %dma_start3A_187 = arith.constant 0 : i32
    %dma_start3A_188 = tpu.memref_slice %arg6[%rem3A_184, %dma_start3A_186, %dma_start3A_187] : memref<5x72x128xf32, #tpu.memory_space<vmem>> -> memref<1x72x128xf32, #tpu.memory_space<vmem>>
    %dma_start3A_189 = tpu.memref_squeeze %dma_start3A_188 : memref<1x72x128xf32, #tpu.memory_space<vmem>> -> memref<72x128xf32, #tpu.memory_space<vmem>>
    %dma_start3A_190 = arith.constant 0 : i32
    %dma_start3A_191 = tpu.memref_slice %arg5[%rem3A_181, %dma_start3A_185, %dma_start3A_190] : memref<6x2x72xi32, #tpu.memory_space<vmem>> -> memref<1x1x72xi32, #tpu.memory_space<vmem>>
    %dma_start3A_192 = tpu.memref_squeeze %dma_start3A_191 : memref<1x1x72xi32, #tpu.memory_space<vmem>> -> memref<72xi32, #tpu.memory_space<vmem>>
    %dma_start3A_193 = arith.constant 0 : i32
    %dma_start3A_194 = arith.constant 0 : i32
    %dma_start3A_195 = tpu.memref_slice %arg2[%dma_start3A_193, %dma_start3A_194] : memref<10240x128xf32, #tpu.memory_space<hbm>> -> memref<10240x128xf32, #tpu.memory_space<hbm>>
    %dma_start3A_196 = tpu.memref_slice %arg9[%rem3A_184] : memref<5x!tpu.dma_semaphore, #tpu.memory_space<semaphore_mem>> -> memref<1x!tpu.dma_semaphore, #tpu.memory_space<semaphore_mem>>
    %dma_start3A_197 = tpu.memref_squeeze %dma_start3A_196 : memref<1x!tpu.dma_semaphore, #tpu.memory_space<semaphore_mem>> -> memref<!tpu.dma_semaphore, #tpu.memory_space<semaphore_mem>>
    tpu.enqueue_indirect_dma source(%dma_start3A_195 : memref<10240x128xf32, #tpu.memory_space<hbm>>) target(%dma_start3A_189 : memref<72x128xf32, #tpu.memory_space<vmem>>) offsets(%dma_start3A_192 : memref<72xi32, #tpu.memory_space<vmem>>) semaphore(%dma_start3A_197 : memref<!tpu.dma_semaphore, #tpu.memory_space<semaphore_mem>>)
    %rem3A_198 = arith.constant 2 : i32
    %rem3A_199 = arith.constant 6 : i32
    %rem3A_200 = arith.remsi %rem3A_198, %rem3A_199 : i32
    %dma_wait3A_201 = arith.constant 2 : i32
    %dma_wait3A_202 = arith.constant 0 : i32
    %dma_wait3A_203 = arith.constant 0 : i32
    %dma_wait3A_204 = tpu.memref_slice %arg5[%rem3A_200, %dma_wait3A_202, %dma_wait3A_203] : memref<6x2x72xi32, #tpu.memory_space<vmem>> -> memref<1x2x72xi32, #tpu.memory_space<vmem>>
    %dma_wait3A_205 = tpu.memref_squeeze %dma_wait3A_204 : memref<1x2x72xi32, #tpu.memory_space<vmem>> -> memref<2x72xi32, #tpu.memory_space<vmem>>
    %dma_wait3A_206 = arith.constant 0 : i32
    %dma_wait3A_207 = arith.constant 0 : i32
    %dma_wait3A_208 = tpu.memref_slice %arg3[%add3A, %dma_wait3A_201, %dma_wait3A_206, %dma_wait3A_207] : memref<32x139x2x72xi32, #tpu.memory_space<hbm>> -> memref<1x1x2x72xi32, #tpu.memory_space<hbm>>
    %dma_wait3A_209 = tpu.memref_squeeze %dma_wait3A_208 : memref<1x1x2x72xi32, #tpu.memory_space<hbm>> -> memref<2x72xi32, #tpu.memory_space<hbm>>
    %dma_wait3A_210 = tpu.memref_slice %arg8[%rem3A_200] : memref<6x!tpu.dma_semaphore, #tpu.memory_space<semaphore_mem>> -> memref<1x!tpu.dma_semaphore, #tpu.memory_space<semaphore_mem>>
    %dma_wait3A_211 = tpu.memref_squeeze %dma_wait3A_210 : memref<1x!tpu.dma_semaphore, #tpu.memory_space<semaphore_mem>> -> memref<!tpu.dma_semaphore, #tpu.memory_space<semaphore_mem>>
    %dma_wait3A_212 = arith.constant 0 : i32
    %dma_wait3A_213 = arith.constant 0 : i32
    %dma_wait3A_214 = tpu.memref_slice %arg5[%rem3A_200, %dma_wait3A_212, %dma_wait3A_213] : memref<6x2x72xi32, #tpu.memory_space<vmem>> -> memref<1x2x72xi32, #tpu.memory_space<vmem>>
    %dma_wait3A_215 = tpu.memref_squeeze %dma_wait3A_214 : memref<1x2x72xi32, #tpu.memory_space<vmem>> -> memref<2x72xi32, #tpu.memory_space<vmem>>
    %dma_wait3A_216 = arith.constant 0 : i32
    %dma_wait3A_217 = arith.constant 0 : i32
    %dma_wait3A_218 = tpu.memref_slice %arg3[%add3A, %dma_wait3A_201, %dma_wait3A_216, %dma_wait3A_217] : memref<32x139x2x72xi32, #tpu.memory_space<hbm>> -> memref<1x1x2x72xi32, #tpu.memory_space<hbm>>
    %dma_wait3A_219 = tpu.memref_squeeze %dma_wait3A_218 : memref<1x1x2x72xi32, #tpu.memory_space<hbm>> -> memref<2x72xi32, #tpu.memory_space<hbm>>
    tpu.wait_dma2 semaphore(%dma_wait3A_211 : memref<!tpu.dma_semaphore, #tpu.memory_space<semaphore_mem>>) src(%dma_wait3A_219 : memref<2x72xi32, #tpu.memory_space<hbm>>) dst(%dma_wait3A_215 : memref<2x72xi32, #tpu.memory_space<vmem>>)
    %rem3A_220 = arith.constant 2 : i32
    %rem3A_221 = arith.constant 6 : i32
    %rem3A_222 = arith.remsi %rem3A_220, %rem3A_221 : i32
    %rem3A_223 = arith.constant 2 : i32
    %rem3A_224 = arith.constant 5 : i32
    %rem3A_225 = arith.remsi %rem3A_223, %rem3A_224 : i32
    %dma_start3A_226 = arith.constant 0 : i32
    %dma_start3A_227 = arith.constant 0 : i32
    %dma_start3A_228 = arith.constant 0 : i32
    %dma_start3A_229 = tpu.memref_slice %arg6[%rem3A_225, %dma_start3A_227, %dma_start3A_228] : memref<5x72x128xf32, #tpu.memory_space<vmem>> -> memref<1x72x128xf32, #tpu.memory_space<vmem>>
    %dma_start3A_230 = tpu.memref_squeeze %dma_start3A_229 : memref<1x72x128xf32, #tpu.memory_space<vmem>> -> memref<72x128xf32, #tpu.memory_space<vmem>>
    %dma_start3A_231 = arith.constant 0 : i32
    %dma_start3A_232 = tpu.memref_slice %arg5[%rem3A_222, %dma_start3A_226, %dma_start3A_231] : memref<6x2x72xi32, #tpu.memory_space<vmem>> -> memref<1x1x72xi32, #tpu.memory_space<vmem>>
    %dma_start3A_233 = tpu.memref_squeeze %dma_start3A_232 : memref<1x1x72xi32, #tpu.memory_space<vmem>> -> memref<72xi32, #tpu.memory_space<vmem>>
    %dma_start3A_234 = arith.constant 0 : i32
    %dma_start3A_235 = arith.constant 0 : i32
    %dma_start3A_236 = tpu.memref_slice %arg2[%dma_start3A_234, %dma_start3A_235] : memref<10240x128xf32, #tpu.memory_space<hbm>> -> memref<10240x128xf32, #tpu.memory_space<hbm>>
    %dma_start3A_237 = tpu.memref_slice %arg9[%rem3A_225] : memref<5x!tpu.dma_semaphore, #tpu.memory_space<semaphore_mem>> -> memref<1x!tpu.dma_semaphore, #tpu.memory_space<semaphore_mem>>
    %dma_start3A_238 = tpu.memref_squeeze %dma_start3A_237 : memref<1x!tpu.dma_semaphore, #tpu.memory_space<semaphore_mem>> -> memref<!tpu.dma_semaphore, #tpu.memory_space<semaphore_mem>>
    tpu.enqueue_indirect_dma source(%dma_start3A_236 : memref<10240x128xf32, #tpu.memory_space<hbm>>) target(%dma_start3A_230 : memref<72x128xf32, #tpu.memory_space<vmem>>) offsets(%dma_start3A_233 : memref<72xi32, #tpu.memory_space<vmem>>) semaphore(%dma_start3A_238 : memref<!tpu.dma_semaphore, #tpu.memory_space<semaphore_mem>>)
    %rem3A_239 = arith.constant 3 : i32
    %rem3A_240 = arith.constant 6 : i32
    %rem3A_241 = arith.remsi %rem3A_239, %rem3A_240 : i32
    %dma_wait3A_242 = arith.constant 3 : i32
    %dma_wait3A_243 = arith.constant 0 : i32
    %dma_wait3A_244 = arith.constant 0 : i32
    %dma_wait3A_245 = tpu.memref_slice %arg5[%rem3A_241, %dma_wait3A_243, %dma_wait3A_244] : memref<6x2x72xi32, #tpu.memory_space<vmem>> -> memref<1x2x72xi32, #tpu.memory_space<vmem>>
    %dma_wait3A_246 = tpu.memref_squeeze %dma_wait3A_245 : memref<1x2x72xi32, #tpu.memory_space<vmem>> -> memref<2x72xi32, #tpu.memory_space<vmem>>
    %dma_wait3A_247 = arith.constant 0 : i32
    %dma_wait3A_248 = arith.constant 0 : i32
    %dma_wait3A_249 = tpu.memref_slice %arg3[%add3A, %dma_wait3A_242, %dma_wait3A_247, %dma_wait3A_248] : memref<32x139x2x72xi32, #tpu.memory_space<hbm>> -> memref<1x1x2x72xi32, #tpu.memory_space<hbm>>
    %dma_wait3A_250 = tpu.memref_squeeze %dma_wait3A_249 : memref<1x1x2x72xi32, #tpu.memory_space<hbm>> -> memref<2x72xi32, #tpu.memory_space<hbm>>
    %dma_wait3A_251 = tpu.memref_slice %arg8[%rem3A_241] : memref<6x!tpu.dma_semaphore, #tpu.memory_space<semaphore_mem>> -> memref<1x!tpu.dma_semaphore, #tpu.memory_space<semaphore_mem>>
    %dma_wait3A_252 = tpu.memref_squeeze %dma_wait3A_251 : memref<1x!tpu.dma_semaphore, #tpu.memory_space<semaphore_mem>> -> memref<!tpu.dma_semaphore, #tpu.memory_space<semaphore_mem>>
    %dma_wait3A_253 = arith.constant 0 : i32
    %dma_wait3A_254 = arith.constant 0 : i32
    %dma_wait3A_255 = tpu.memref_slice %arg5[%rem3A_241, %dma_wait3A_253, %dma_wait3A_254] : memref<6x2x72xi32, #tpu.memory_space<vmem>> -> memref<1x2x72xi32, #tpu.memory_space<vmem>>
    %dma_wait3A_256 = tpu.memref_squeeze %dma_wait3A_255 : memref<1x2x72xi32, #tpu.memory_space<vmem>> -> memref<2x72xi32, #tpu.memory_space<vmem>>
    %dma_wait3A_257 = arith.constant 0 : i32
    %dma_wait3A_258 = arith.constant 0 : i32
    %dma_wait3A_259 = tpu.memref_slice %arg3[%add3A, %dma_wait3A_242, %dma_wait3A_257, %dma_wait3A_258] : memref<32x139x2x72xi32, #tpu.memory_space<hbm>> -> memref<1x1x2x72xi32, #tpu.memory_space<hbm>>
    %dma_wait3A_260 = tpu.memref_squeeze %dma_wait3A_259 : memref<1x1x2x72xi32, #tpu.memory_space<hbm>> -> memref<2x72xi32, #tpu.memory_space<hbm>>
    tpu.wait_dma2 semaphore(%dma_wait3A_252 : memref<!tpu.dma_semaphore, #tpu.memory_space<semaphore_mem>>) src(%dma_wait3A_260 : memref<2x72xi32, #tpu.memory_space<hbm>>) dst(%dma_wait3A_256 : memref<2x72xi32, #tpu.memory_space<vmem>>)
    %rem3A_261 = arith.constant 3 : i32
    %rem3A_262 = arith.constant 6 : i32
    %rem3A_263 = arith.remsi %rem3A_261, %rem3A_262 : i32
    %rem3A_264 = arith.constant 3 : i32
    %rem3A_265 = arith.constant 5 : i32
    %rem3A_266 = arith.remsi %rem3A_264, %rem3A_265 : i32
    %dma_start3A_267 = arith.constant 0 : i32
    %dma_start3A_268 = arith.constant 0 : i32
    %dma_start3A_269 = arith.constant 0 : i32
    %dma_start3A_270 = tpu.memref_slice %arg6[%rem3A_266, %dma_start3A_268, %dma_start3A_269] : memref<5x72x128xf32, #tpu.memory_space<vmem>> -> memref<1x72x128xf32, #tpu.memory_space<vmem>>
    %dma_start3A_271 = tpu.memref_squeeze %dma_start3A_270 : memref<1x72x128xf32, #tpu.memory_space<vmem>> -> memref<72x128xf32, #tpu.memory_space<vmem>>
    %dma_start3A_272 = arith.constant 0 : i32
    %dma_start3A_273 = tpu.memref_slice %arg5[%rem3A_263, %dma_start3A_267, %dma_start3A_272] : memref<6x2x72xi32, #tpu.memory_space<vmem>> -> memref<1x1x72xi32, #tpu.memory_space<vmem>>
    %dma_start3A_274 = tpu.memref_squeeze %dma_start3A_273 : memref<1x1x72xi32, #tpu.memory_space<vmem>> -> memref<72xi32, #tpu.memory_space<vmem>>
    %dma_start3A_275 = arith.constant 0 : i32
    %dma_start3A_276 = arith.constant 0 : i32
    %dma_start3A_277 = tpu.memref_slice %arg2[%dma_start3A_275, %dma_start3A_276] : memref<10240x128xf32, #tpu.memory_space<hbm>> -> memref<10240x128xf32, #tpu.memory_space<hbm>>
    %dma_start3A_278 = tpu.memref_slice %arg9[%rem3A_266] : memref<5x!tpu.dma_semaphore, #tpu.memory_space<semaphore_mem>> -> memref<1x!tpu.dma_semaphore, #tpu.memory_space<semaphore_mem>>
    %dma_start3A_279 = tpu.memref_squeeze %dma_start3A_278 : memref<1x!tpu.dma_semaphore, #tpu.memory_space<semaphore_mem>> -> memref<!tpu.dma_semaphore, #tpu.memory_space<semaphore_mem>>
    tpu.enqueue_indirect_dma source(%dma_start3A_277 : memref<10240x128xf32, #tpu.memory_space<hbm>>) target(%dma_start3A_271 : memref<72x128xf32, #tpu.memory_space<vmem>>) offsets(%dma_start3A_274 : memref<72xi32, #tpu.memory_space<vmem>>) semaphore(%dma_start3A_279 : memref<!tpu.dma_semaphore, #tpu.memory_space<semaphore_mem>>)
    %scan3A = arith.constant 0 : i32
    %scan3A_280 = arith.constant 0 : i32
    %scan3A_281 = arith.constant 139 : i32
    %scan3A_282 = arith.addi %scan3A_280, %scan3A_281 : i32
    %scan3A_283 = arith.constant 1 : i32
    %scan3A_284 = scf.for %scan3A_382 = %scan3A_280 to %scan3A_282 step %scan3A_283 iter_args(%scan3A_383 = %scan3A) -> (i32)  : i32 {
      %add3A_384 = arith.constant 5 : i32
      %add3A_385 = arith.addi %scan3A_382, %add3A_384 : i32
      %sub3A = arith.constant 1 : i32
      %sub3A_386 = arith.subi %add3A_385, %sub3A : i32
      %lt3A = arith.constant 139 : i32
      %lt3A_387 = arith.cmpi slt, %sub3A_386, %lt3A : i32
      %convert_element_type3A_388 = arith.extui %lt3A_387 : i1 to i32
      %cond3A_389 = arith.constant 0 : i32
      %cond3A_390 = arith.cmpi ne, %convert_element_type3A_388, %cond3A_389 : i32
      scf.if %cond3A_390 {
        %ge3A = arith.constant 1 : i32
        %ge3A_426 = arith.cmpi sge, %scan3A_382, %ge3A : i32
        %convert_element_type3A_427 = arith.extui %ge3A_426 : i1 to i32
        %cond3A_428 = arith.constant 0 : i32
        %cond3A_429 = arith.cmpi ne, %convert_element_type3A_427, %cond3A_428 : i32
        scf.if %cond3A_429 {
          %sub3A_482 = arith.constant 1 : i32
          %sub3A_483 = arith.subi %scan3A_382, %sub3A_482 : i32
          %rem3A_484 = arith.constant 6 : i32
          %rem3A_485 = arith.remsi %sub3A_483, %rem3A_484 : i32
          %rem3A_486 = arith.constant 5 : i32
          %rem3A_487 = arith.remsi %sub3A_483, %rem3A_486 : i32
          %dma_wait3A_488 = arith.constant 1 : i32
          %dma_wait3A_489 = arith.constant 0 : i32
          %dma_wait3A_490 = arith.constant 0 : i32
          %dma_wait3A_491 = tpu.memref_slice %arg6[%rem3A_487, %dma_wait3A_489, %dma_wait3A_490] : memref<5x72x128xf32, #tpu.memory_space<vmem>> -> memref<1x72x128xf32, #tpu.memory_space<vmem>>
          %dma_wait3A_492 = tpu.memref_squeeze %dma_wait3A_491 : memref<1x72x128xf32, #tpu.memory_space<vmem>> -> memref<72x128xf32, #tpu.memory_space<vmem>>
          %dma_wait3A_493 = arith.constant 0 : i32
          %dma_wait3A_494 = tpu.memref_slice %arg5[%rem3A_485, %dma_wait3A_488, %dma_wait3A_493] : memref<6x2x72xi32, #tpu.memory_space<vmem>> -> memref<1x1x72xi32, #tpu.memory_space<vmem>>
          %dma_wait3A_495 = tpu.memref_squeeze %dma_wait3A_494 : memref<1x1x72xi32, #tpu.memory_space<vmem>> -> memref<72xi32, #tpu.memory_space<vmem>>
          %dma_wait3A_496 = arith.constant 0 : i32
          %dma_wait3A_497 = arith.constant 0 : i32
          %dma_wait3A_498 = tpu.memref_slice %arg7[%dma_wait3A_496, %dma_wait3A_497] : memref<10240x128xf32, #tpu.memory_space<vmem_shared>> -> memref<10240x128xf32, #tpu.memory_space<vmem_shared>>
          %dma_wait3A_499 = tpu.memref_slice %arg10[%rem3A_487] : memref<5x!tpu.dma_semaphore, #tpu.memory_space<semaphore_mem>> -> memref<1x!tpu.dma_semaphore, #tpu.memory_space<semaphore_mem>>
          %dma_wait3A_500 = tpu.memref_squeeze %dma_wait3A_499 : memref<1x!tpu.dma_semaphore, #tpu.memory_space<semaphore_mem>> -> memref<!tpu.dma_semaphore, #tpu.memory_space<semaphore_mem>>
          tpu.wait_indirect_dma semaphore(%dma_wait3A_500 : memref<!tpu.dma_semaphore, #tpu.memory_space<semaphore_mem>>) src(%dma_wait3A_492 : memref<72x128xf32, #tpu.memory_space<vmem>>) dst(%dma_wait3A_498 : memref<10240x128xf32, #tpu.memory_space<vmem_shared>>)
        } else {
        }
        %add3A_430 = arith.constant 5 : i32
        %add3A_431 = arith.addi %scan3A_382, %add3A_430 : i32
        %lt3A_432 = arith.constant 139 : i32
        %lt3A_433 = arith.cmpi slt, %add3A_431, %lt3A_432 : i32
        %convert_element_type3A_434 = arith.extui %lt3A_433 : i1 to i32
        %cond3A_435 = arith.constant 0 : i32
        %cond3A_436 = arith.cmpi ne, %convert_element_type3A_434, %cond3A_435 : i32
        scf.if %cond3A_436 {
          %add3A_482 = arith.constant 5 : i32
          %add3A_483 = arith.addi %scan3A_382, %add3A_482 : i32
          %rem3A_484 = arith.constant 6 : i32
          %rem3A_485 = arith.remsi %add3A_483, %rem3A_484 : i32
          %dma_start3A_486 = arith.constant 0 : i32
          %dma_start3A_487 = arith.constant 0 : i32
          %dma_start3A_488 = tpu.memref_slice %arg5[%rem3A_485, %dma_start3A_486, %dma_start3A_487] : memref<6x2x72xi32, #tpu.memory_space<vmem>> -> memref<1x2x72xi32, #tpu.memory_space<vmem>>
          %dma_start3A_489 = tpu.memref_squeeze %dma_start3A_488 : memref<1x2x72xi32, #tpu.memory_space<vmem>> -> memref<2x72xi32, #tpu.memory_space<vmem>>
          %dma_start3A_490 = arith.constant 0 : i32
          %dma_start3A_491 = arith.constant 0 : i32
          %dma_start3A_492 = tpu.memref_slice %arg3[%add3A, %add3A_483, %dma_start3A_490, %dma_start3A_491] : memref<32x139x2x72xi32, #tpu.memory_space<hbm>> -> memref<1x1x2x72xi32, #tpu.memory_space<hbm>>
          %dma_start3A_493 = tpu.memref_squeeze %dma_start3A_492 : memref<1x1x2x72xi32, #tpu.memory_space<hbm>> -> memref<2x72xi32, #tpu.memory_space<hbm>>
          %dma_start3A_494 = tpu.memref_slice %arg8[%rem3A_485] : memref<6x!tpu.dma_semaphore, #tpu.memory_space<semaphore_mem>> -> memref<1x!tpu.dma_semaphore, #tpu.memory_space<semaphore_mem>>
          %dma_start3A_495 = tpu.memref_squeeze %dma_start3A_494 : memref<1x!tpu.dma_semaphore, #tpu.memory_space<semaphore_mem>> -> memref<!tpu.dma_semaphore, #tpu.memory_space<semaphore_mem>>
          %dma_start3A_496 = arith.constant 0 : i32
          %dma_start3A_497 = arith.constant 0 : i32
          %dma_start3A_498 = tpu.memref_slice %arg5[%rem3A_485, %dma_start3A_496, %dma_start3A_497] : memref<6x2x72xi32, #tpu.memory_space<vmem>> -> memref<1x2x72xi32, #tpu.memory_space<vmem>>
          %dma_start3A_499 = tpu.memref_squeeze %dma_start3A_498 : memref<1x2x72xi32, #tpu.memory_space<vmem>> -> memref<2x72xi32, #tpu.memory_space<vmem>>
          %dma_start3A_500 = arith.constant 0 : i32
          %dma_start3A_501 = arith.constant 0 : i32
          %dma_start3A_502 = tpu.memref_slice %arg3[%add3A, %add3A_483, %dma_start3A_500, %dma_start3A_501] : memref<32x139x2x72xi32, #tpu.memory_space<hbm>> -> memref<1x1x2x72xi32, #tpu.memory_space<hbm>>
          %dma_start3A_503 = tpu.memref_squeeze %dma_start3A_502 : memref<1x1x2x72xi32, #tpu.memory_space<hbm>> -> memref<2x72xi32, #tpu.memory_space<hbm>>
          tpu.enqueue_dma source(%dma_start3A_503 : memref<2x72xi32, #tpu.memory_space<hbm>>) target(%dma_start3A_499 : memref<2x72xi32, #tpu.memory_space<vmem>>) target_semaphore(%dma_start3A_495 : memref<!tpu.dma_semaphore, #tpu.memory_space<semaphore_mem>>)
        } else {
        }
        %add3A_437 = arith.constant 5 : i32
        %add3A_438 = arith.addi %scan3A_382, %add3A_437 : i32
        %sub3A_439 = arith.constant 1 : i32
        %sub3A_440 = arith.subi %add3A_438, %sub3A_439 : i32
        %rem3A_441 = arith.constant 6 : i32
        %rem3A_442 = arith.remsi %sub3A_440, %rem3A_441 : i32
        %dma_wait3A_443 = arith.constant 0 : i32
        %dma_wait3A_444 = arith.constant 0 : i32
        %dma_wait3A_445 = tpu.memref_slice %arg5[%rem3A_442, %dma_wait3A_443, %dma_wait3A_444] : memref<6x2x72xi32, #tpu.memory_space<vmem>> -> memref<1x2x72xi32, #tpu.memory_space<vmem>>
        %dma_wait3A_446 = tpu.memref_squeeze %dma_wait3A_445 : memref<1x2x72xi32, #tpu.memory_space<vmem>> -> memref<2x72xi32, #tpu.memory_space<vmem>>
        %dma_wait3A_447 = arith.constant 0 : i32
        %dma_wait3A_448 = arith.constant 0 : i32
        %dma_wait3A_449 = tpu.memref_slice %arg3[%add3A, %sub3A_440, %dma_wait3A_447, %dma_wait3A_448] : memref<32x139x2x72xi32, #tpu.memory_space<hbm>> -> memref<1x1x2x72xi32, #tpu.memory_space<hbm>>
        %dma_wait3A_450 = tpu.memref_squeeze %dma_wait3A_449 : memref<1x1x2x72xi32, #tpu.memory_space<hbm>> -> memref<2x72xi32, #tpu.memory_space<hbm>>
        %dma_wait3A_451 = tpu.memref_slice %arg8[%rem3A_442] : memref<6x!tpu.dma_semaphore, #tpu.memory_space<semaphore_mem>> -> memref<1x!tpu.dma_semaphore, #tpu.memory_space<semaphore_mem>>
        %dma_wait3A_452 = tpu.memref_squeeze %dma_wait3A_451 : memref<1x!tpu.dma_semaphore, #tpu.memory_space<semaphore_mem>> -> memref<!tpu.dma_semaphore, #tpu.memory_space<semaphore_mem>>
        %dma_wait3A_453 = arith.constant 0 : i32
        %dma_wait3A_454 = arith.constant 0 : i32
        %dma_wait3A_455 = tpu.memref_slice %arg5[%rem3A_442, %dma_wait3A_453, %dma_wait3A_454] : memref<6x2x72xi32, #tpu.memory_space<vmem>> -> memref<1x2x72xi32, #tpu.memory_space<vmem>>
        %dma_wait3A_456 = tpu.memref_squeeze %dma_wait3A_455 : memref<1x2x72xi32, #tpu.memory_space<vmem>> -> memref<2x72xi32, #tpu.memory_space<vmem>>
        %dma_wait3A_457 = arith.constant 0 : i32
        %dma_wait3A_458 = arith.constant 0 : i32
        %dma_wait3A_459 = tpu.memref_slice %arg3[%add3A, %sub3A_440, %dma_wait3A_457, %dma_wait3A_458] : memref<32x139x2x72xi32, #tpu.memory_space<hbm>> -> memref<1x1x2x72xi32, #tpu.memory_space<hbm>>
        %dma_wait3A_460 = tpu.memref_squeeze %dma_wait3A_459 : memref<1x1x2x72xi32, #tpu.memory_space<hbm>> -> memref<2x72xi32, #tpu.memory_space<hbm>>
        tpu.wait_dma2 semaphore(%dma_wait3A_452 : memref<!tpu.dma_semaphore, #tpu.memory_space<semaphore_mem>>) src(%dma_wait3A_460 : memref<2x72xi32, #tpu.memory_space<hbm>>) dst(%dma_wait3A_456 : memref<2x72xi32, #tpu.memory_space<vmem>>)
        %add3A_461 = arith.constant 5 : i32
        %add3A_462 = arith.addi %scan3A_382, %add3A_461 : i32
        %sub3A_463 = arith.constant 1 : i32
        %sub3A_464 = arith.subi %add3A_462, %sub3A_463 : i32
        %rem3A_465 = arith.constant 6 : i32
        %rem3A_466 = arith.remsi %sub3A_464, %rem3A_465 : i32
        %rem3A_467 = arith.constant 5 : i32
        %rem3A_468 = arith.remsi %sub3A_464, %rem3A_467 : i32
        %dma_start3A_469 = arith.constant 0 : i32
        %dma_start3A_470 = arith.constant 0 : i32
        %dma_start3A_471 = arith.constant 0 : i32
        %dma_start3A_472 = tpu.memref_slice %arg6[%rem3A_468, %dma_start3A_470, %dma_start3A_471] : memref<5x72x128xf32, #tpu.memory_space<vmem>> -> memref<1x72x128xf32, #tpu.memory_space<vmem>>
        %dma_start3A_473 = tpu.memref_squeeze %dma_start3A_472 : memref<1x72x128xf32, #tpu.memory_space<vmem>> -> memref<72x128xf32, #tpu.memory_space<vmem>>
        %dma_start3A_474 = arith.constant 0 : i32
        %dma_start3A_475 = tpu.memref_slice %arg5[%rem3A_466, %dma_start3A_469, %dma_start3A_474] : memref<6x2x72xi32, #tpu.memory_space<vmem>> -> memref<1x1x72xi32, #tpu.memory_space<vmem>>
        %dma_start3A_476 = tpu.memref_squeeze %dma_start3A_475 : memref<1x1x72xi32, #tpu.memory_space<vmem>> -> memref<72xi32, #tpu.memory_space<vmem>>
        %dma_start3A_477 = arith.constant 0 : i32
        %dma_start3A_478 = arith.constant 0 : i32
        %dma_start3A_479 = tpu.memref_slice %arg2[%dma_start3A_477, %dma_start3A_478] : memref<10240x128xf32, #tpu.memory_space<hbm>> -> memref<10240x128xf32, #tpu.memory_space<hbm>>
        %dma_start3A_480 = tpu.memref_slice %arg9[%rem3A_468] : memref<5x!tpu.dma_semaphore, #tpu.memory_space<semaphore_mem>> -> memref<1x!tpu.dma_semaphore, #tpu.memory_space<semaphore_mem>>
        %dma_start3A_481 = tpu.memref_squeeze %dma_start3A_480 : memref<1x!tpu.dma_semaphore, #tpu.memory_space<semaphore_mem>> -> memref<!tpu.dma_semaphore, #tpu.memory_space<semaphore_mem>>
        tpu.enqueue_indirect_dma source(%dma_start3A_479 : memref<10240x128xf32, #tpu.memory_space<hbm>>) target(%dma_start3A_473 : memref<72x128xf32, #tpu.memory_space<vmem>>) offsets(%dma_start3A_476 : memref<72xi32, #tpu.memory_space<vmem>>) semaphore(%dma_start3A_481 : memref<!tpu.dma_semaphore, #tpu.memory_space<semaphore_mem>>)
      } else {
      }
      %rem3A_391 = arith.constant 6 : i32
      %rem3A_392 = arith.remsi %scan3A_382, %rem3A_391 : i32
      %rem3A_393 = arith.constant 5 : i32
      %rem3A_394 = arith.remsi %scan3A_382, %rem3A_393 : i32
      %dma_wait3A_395 = arith.constant 0 : i32
      %dma_wait3A_396 = arith.constant 0 : i32
      %dma_wait3A_397 = arith.constant 0 : i32
      %dma_wait3A_398 = tpu.memref_slice %arg6[%rem3A_394, %dma_wait3A_396, %dma_wait3A_397] : memref<5x72x128xf32, #tpu.memory_space<vmem>> -> memref<1x72x128xf32, #tpu.memory_space<vmem>>
      %dma_wait3A_399 = tpu.memref_squeeze %dma_wait3A_398 : memref<1x72x128xf32, #tpu.memory_space<vmem>> -> memref<72x128xf32, #tpu.memory_space<vmem>>
      %dma_wait3A_400 = arith.constant 0 : i32
      %dma_wait3A_401 = tpu.memref_slice %arg5[%rem3A_392, %dma_wait3A_395, %dma_wait3A_400] : memref<6x2x72xi32, #tpu.memory_space<vmem>> -> memref<1x1x72xi32, #tpu.memory_space<vmem>>
      %dma_wait3A_402 = tpu.memref_squeeze %dma_wait3A_401 : memref<1x1x72xi32, #tpu.memory_space<vmem>> -> memref<72xi32, #tpu.memory_space<vmem>>
      %dma_wait3A_403 = arith.constant 0 : i32
      %dma_wait3A_404 = arith.constant 0 : i32
      %dma_wait3A_405 = tpu.memref_slice %arg2[%dma_wait3A_403, %dma_wait3A_404] : memref<10240x128xf32, #tpu.memory_space<hbm>> -> memref<10240x128xf32, #tpu.memory_space<hbm>>
      %dma_wait3A_406 = tpu.memref_slice %arg9[%rem3A_394] : memref<5x!tpu.dma_semaphore, #tpu.memory_space<semaphore_mem>> -> memref<1x!tpu.dma_semaphore, #tpu.memory_space<semaphore_mem>>
      %dma_wait3A_407 = tpu.memref_squeeze %dma_wait3A_406 : memref<1x!tpu.dma_semaphore, #tpu.memory_space<semaphore_mem>> -> memref<!tpu.dma_semaphore, #tpu.memory_space<semaphore_mem>>
      tpu.wait_indirect_dma semaphore(%dma_wait3A_407 : memref<!tpu.dma_semaphore, #tpu.memory_space<semaphore_mem>>) src(%dma_wait3A_405 : memref<10240x128xf32, #tpu.memory_space<hbm>>) dst(%dma_wait3A_399 : memref<72x128xf32, #tpu.memory_space<vmem>>)
      %rem3A_408 = arith.constant 6 : i32
      %rem3A_409 = arith.remsi %scan3A_382, %rem3A_408 : i32
      %rem3A_410 = arith.constant 5 : i32
      %rem3A_411 = arith.remsi %scan3A_382, %rem3A_410 : i32
      %dma_start3A_412 = arith.constant 1 : i32
      %dma_start3A_413 = arith.constant 0 : i32
      %dma_start3A_414 = arith.constant 0 : i32
      %dma_start3A_415 = tpu.memref_slice %arg6[%rem3A_411, %dma_start3A_413, %dma_start3A_414] : memref<5x72x128xf32, #tpu.memory_space<vmem>> -> memref<1x72x128xf32, #tpu.memory_space<vmem>>
      %dma_start3A_416 = tpu.memref_squeeze %dma_start3A_415 : memref<1x72x128xf32, #tpu.memory_space<vmem>> -> memref<72x128xf32, #tpu.memory_space<vmem>>
      %dma_start3A_417 = arith.constant 0 : i32
      %dma_start3A_418 = tpu.memref_slice %arg5[%rem3A_409, %dma_start3A_412, %dma_start3A_417] : memref<6x2x72xi32, #tpu.memory_space<vmem>> -> memref<1x1x72xi32, #tpu.memory_space<vmem>>
      %dma_start3A_419 = tpu.memref_squeeze %dma_start3A_418 : memref<1x1x72xi32, #tpu.memory_space<vmem>> -> memref<72xi32, #tpu.memory_space<vmem>>
      %dma_start3A_420 = arith.constant 0 : i32
      %dma_start3A_421 = arith.constant 0 : i32
      %dma_start3A_422 = tpu.memref_slice %arg7[%dma_start3A_420, %dma_start3A_421] : memref<10240x128xf32, #tpu.memory_space<vmem_shared>> -> memref<10240x128xf32, #tpu.memory_space<vmem_shared>>
      %dma_start3A_423 = tpu.memref_slice %arg10[%rem3A_411] : memref<5x!tpu.dma_semaphore, #tpu.memory_space<semaphore_mem>> -> memref<1x!tpu.dma_semaphore, #tpu.memory_space<semaphore_mem>>
      %dma_start3A_424 = tpu.memref_squeeze %dma_start3A_423 : memref<1x!tpu.dma_semaphore, #tpu.memory_space<semaphore_mem>> -> memref<!tpu.dma_semaphore, #tpu.memory_space<semaphore_mem>>
      tpu.enqueue_indirect_dma source(%dma_start3A_416 : memref<72x128xf32, #tpu.memory_space<vmem>>) target(%dma_start3A_422 : memref<10240x128xf32, #tpu.memory_space<vmem_shared>>) offsets(%dma_start3A_419 : memref<72xi32, #tpu.memory_space<vmem>>) semaphore(%dma_start3A_424 : memref<!tpu.dma_semaphore, #tpu.memory_space<semaphore_mem>>) {add = true}
      %scan3A_425 = arith.constant 0 : i32
      scf.yield %scan3A_425 : i32
    }
    %scan3A_285 = arith.constant 139 : i32
    %rem3A_286 = arith.constant 134 : i32
    %rem3A_287 = arith.constant 6 : i32
    %rem3A_288 = arith.remsi %rem3A_286, %rem3A_287 : i32
    %rem3A_289 = arith.constant 134 : i32
    %rem3A_290 = arith.constant 5 : i32
    %rem3A_291 = arith.remsi %rem3A_289, %rem3A_290 : i32
    %dma_wait3A_292 = arith.constant 1 : i32
    %dma_wait3A_293 = arith.constant 0 : i32
    %dma_wait3A_294 = arith.constant 0 : i32
    %dma_wait3A_295 = tpu.memref_slice %arg6[%rem3A_291, %dma_wait3A_293, %dma_wait3A_294] : memref<5x72x128xf32, #tpu.memory_space<vmem>> -> memref<1x72x128xf32, #tpu.memory_space<vmem>>
    %dma_wait3A_296 = tpu.memref_squeeze %dma_wait3A_295 : memref<1x72x128xf32, #tpu.memory_space<vmem>> -> memref<72x128xf32, #tpu.memory_space<vmem>>
    %dma_wait3A_297 = arith.constant 0 : i32
    %dma_wait3A_298 = tpu.memref_slice %arg5[%rem3A_288, %dma_wait3A_292, %dma_wait3A_297] : memref<6x2x72xi32, #tpu.memory_space<vmem>> -> memref<1x1x72xi32, #tpu.memory_space<vmem>>
    %dma_wait3A_299 = tpu.memref_squeeze %dma_wait3A_298 : memref<1x1x72xi32, #tpu.memory_space<vmem>> -> memref<72xi32, #tpu.memory_space<vmem>>
    %dma_wait3A_300 = arith.constant 0 : i32
    %dma_wait3A_301 = arith.constant 0 : i32
    %dma_wait3A_302 = tpu.memref_slice %arg7[%dma_wait3A_300, %dma_wait3A_301] : memref<10240x128xf32, #tpu.memory_space<vmem_shared>> -> memref<10240x128xf32, #tpu.memory_space<vmem_shared>>
    %dma_wait3A_303 = tpu.memref_slice %arg10[%rem3A_291] : memref<5x!tpu.dma_semaphore, #tpu.memory_space<semaphore_mem>> -> memref<1x!tpu.dma_semaphore, #tpu.memory_space<semaphore_mem>>
    %dma_wait3A_304 = tpu.memref_squeeze %dma_wait3A_303 : memref<1x!tpu.dma_semaphore, #tpu.memory_space<semaphore_mem>> -> memref<!tpu.dma_semaphore, #tpu.memory_space<semaphore_mem>>
    tpu.wait_indirect_dma semaphore(%dma_wait3A_304 : memref<!tpu.dma_semaphore, #tpu.memory_space<semaphore_mem>>) src(%dma_wait3A_296 : memref<72x128xf32, #tpu.memory_space<vmem>>) dst(%dma_wait3A_302 : memref<10240x128xf32, #tpu.memory_space<vmem_shared>>)
    %rem3A_305 = arith.constant 135 : i32
    %rem3A_306 = arith.constant 6 : i32
    %rem3A_307 = arith.remsi %rem3A_305, %rem3A_306 : i32
    %rem3A_308 = arith.constant 135 : i32
    %rem3A_309 = arith.constant 5 : i32
    %rem3A_310 = arith.remsi %rem3A_308, %rem3A_309 : i32
    %dma_wait3A_311 = arith.constant 1 : i32
    %dma_wait3A_312 = arith.constant 0 : i32
    %dma_wait3A_313 = arith.constant 0 : i32
    %dma_wait3A_314 = tpu.memref_slice %arg6[%rem3A_310, %dma_wait3A_312, %dma_wait3A_313] : memref<5x72x128xf32, #tpu.memory_space<vmem>> -> memref<1x72x128xf32, #tpu.memory_space<vmem>>
    %dma_wait3A_315 = tpu.memref_squeeze %dma_wait3A_314 : memref<1x72x128xf32, #tpu.memory_space<vmem>> -> memref<72x128xf32, #tpu.memory_space<vmem>>
    %dma_wait3A_316 = arith.constant 0 : i32
    %dma_wait3A_317 = tpu.memref_slice %arg5[%rem3A_307, %dma_wait3A_311, %dma_wait3A_316] : memref<6x2x72xi32, #tpu.memory_space<vmem>> -> memref<1x1x72xi32, #tpu.memory_space<vmem>>
    %dma_wait3A_318 = tpu.memref_squeeze %dma_wait3A_317 : memref<1x1x72xi32, #tpu.memory_space<vmem>> -> memref<72xi32, #tpu.memory_space<vmem>>
    %dma_wait3A_319 = arith.constant 0 : i32
    %dma_wait3A_320 = arith.constant 0 : i32
    %dma_wait3A_321 = tpu.memref_slice %arg7[%dma_wait3A_319, %dma_wait3A_320] : memref<10240x128xf32, #tpu.memory_space<vmem_shared>> -> memref<10240x128xf32, #tpu.memory_space<vmem_shared>>
    %dma_wait3A_322 = tpu.memref_slice %arg10[%rem3A_310] : memref<5x!tpu.dma_semaphore, #tpu.memory_space<semaphore_mem>> -> memref<1x!tpu.dma_semaphore, #tpu.memory_space<semaphore_mem>>
    %dma_wait3A_323 = tpu.memref_squeeze %dma_wait3A_322 : memref<1x!tpu.dma_semaphore, #tpu.memory_space<semaphore_mem>> -> memref<!tpu.dma_semaphore, #tpu.memory_space<semaphore_mem>>
    tpu.wait_indirect_dma semaphore(%dma_wait3A_323 : memref<!tpu.dma_semaphore, #tpu.memory_space<semaphore_mem>>) src(%dma_wait3A_315 : memref<72x128xf32, #tpu.memory_space<vmem>>) dst(%dma_wait3A_321 : memref<10240x128xf32, #tpu.memory_space<vmem_shared>>)
    %rem3A_324 = arith.constant 136 : i32
    %rem3A_325 = arith.constant 6 : i32
    %rem3A_326 = arith.remsi %rem3A_324, %rem3A_325 : i32
    %rem3A_327 = arith.constant 136 : i32
    %rem3A_328 = arith.constant 5 : i32
    %rem3A_329 = arith.remsi %rem3A_327, %rem3A_328 : i32
    %dma_wait3A_330 = arith.constant 1 : i32
    %dma_wait3A_331 = arith.constant 0 : i32
    %dma_wait3A_332 = arith.constant 0 : i32
    %dma_wait3A_333 = tpu.memref_slice %arg6[%rem3A_329, %dma_wait3A_331, %dma_wait3A_332] : memref<5x72x128xf32, #tpu.memory_space<vmem>> -> memref<1x72x128xf32, #tpu.memory_space<vmem>>
    %dma_wait3A_334 = tpu.memref_squeeze %dma_wait3A_333 : memref<1x72x128xf32, #tpu.memory_space<vmem>> -> memref<72x128xf32, #tpu.memory_space<vmem>>
    %dma_wait3A_335 = arith.constant 0 : i32
    %dma_wait3A_336 = tpu.memref_slice %arg5[%rem3A_326, %dma_wait3A_330, %dma_wait3A_335] : memref<6x2x72xi32, #tpu.memory_space<vmem>> -> memref<1x1x72xi32, #tpu.memory_space<vmem>>
    %dma_wait3A_337 = tpu.memref_squeeze %dma_wait3A_336 : memref<1x1x72xi32, #tpu.memory_space<vmem>> -> memref<72xi32, #tpu.memory_space<vmem>>
    %dma_wait3A_338 = arith.constant 0 : i32
    %dma_wait3A_339 = arith.constant 0 : i32
    %dma_wait3A_340 = tpu.memref_slice %arg7[%dma_wait3A_338, %dma_wait3A_339] : memref<10240x128xf32, #tpu.memory_space<vmem_shared>> -> memref<10240x128xf32, #tpu.memory_space<vmem_shared>>
    %dma_wait3A_341 = tpu.memref_slice %arg10[%rem3A_329] : memref<5x!tpu.dma_semaphore, #tpu.memory_space<semaphore_mem>> -> memref<1x!tpu.dma_semaphore, #tpu.memory_space<semaphore_mem>>
    %dma_wait3A_342 = tpu.memref_squeeze %dma_wait3A_341 : memref<1x!tpu.dma_semaphore, #tpu.memory_space<semaphore_mem>> -> memref<!tpu.dma_semaphore, #tpu.memory_space<semaphore_mem>>
    tpu.wait_indirect_dma semaphore(%dma_wait3A_342 : memref<!tpu.dma_semaphore, #tpu.memory_space<semaphore_mem>>) src(%dma_wait3A_334 : memref<72x128xf32, #tpu.memory_space<vmem>>) dst(%dma_wait3A_340 : memref<10240x128xf32, #tpu.memory_space<vmem_shared>>)
    %rem3A_343 = arith.constant 137 : i32
    %rem3A_344 = arith.constant 6 : i32
    %rem3A_345 = arith.remsi %rem3A_343, %rem3A_344 : i32
    %rem3A_346 = arith.constant 137 : i32
    %rem3A_347 = arith.constant 5 : i32
    %rem3A_348 = arith.remsi %rem3A_346, %rem3A_347 : i32
    %dma_wait3A_349 = arith.constant 1 : i32
    %dma_wait3A_350 = arith.constant 0 : i32
    %dma_wait3A_351 = arith.constant 0 : i32
    %dma_wait3A_352 = tpu.memref_slice %arg6[%rem3A_348, %dma_wait3A_350, %dma_wait3A_351] : memref<5x72x128xf32, #tpu.memory_space<vmem>> -> memref<1x72x128xf32, #tpu.memory_space<vmem>>
    %dma_wait3A_353 = tpu.memref_squeeze %dma_wait3A_352 : memref<1x72x128xf32, #tpu.memory_space<vmem>> -> memref<72x128xf32, #tpu.memory_space<vmem>>
    %dma_wait3A_354 = arith.constant 0 : i32
    %dma_wait3A_355 = tpu.memref_slice %arg5[%rem3A_345, %dma_wait3A_349, %dma_wait3A_354] : memref<6x2x72xi32, #tpu.memory_space<vmem>> -> memref<1x1x72xi32, #tpu.memory_space<vmem>>
    %dma_wait3A_356 = tpu.memref_squeeze %dma_wait3A_355 : memref<1x1x72xi32, #tpu.memory_space<vmem>> -> memref<72xi32, #tpu.memory_space<vmem>>
    %dma_wait3A_357 = arith.constant 0 : i32
    %dma_wait3A_358 = arith.constant 0 : i32
    %dma_wait3A_359 = tpu.memref_slice %arg7[%dma_wait3A_357, %dma_wait3A_358] : memref<10240x128xf32, #tpu.memory_space<vmem_shared>> -> memref<10240x128xf32, #tpu.memory_space<vmem_shared>>
    %dma_wait3A_360 = tpu.memref_slice %arg10[%rem3A_348] : memref<5x!tpu.dma_semaphore, #tpu.memory_space<semaphore_mem>> -> memref<1x!tpu.dma_semaphore, #tpu.memory_space<semaphore_mem>>
    %dma_wait3A_361 = tpu.memref_squeeze %dma_wait3A_360 : memref<1x!tpu.dma_semaphore, #tpu.memory_space<semaphore_mem>> -> memref<!tpu.dma_semaphore, #tpu.memory_space<semaphore_mem>>
    tpu.wait_indirect_dma semaphore(%dma_wait3A_361 : memref<!tpu.dma_semaphore, #tpu.memory_space<semaphore_mem>>) src(%dma_wait3A_353 : memref<72x128xf32, #tpu.memory_space<vmem>>) dst(%dma_wait3A_359 : memref<10240x128xf32, #tpu.memory_space<vmem_shared>>)
    %rem3A_362 = arith.constant 138 : i32
    %rem3A_363 = arith.constant 6 : i32
    %rem3A_364 = arith.remsi %rem3A_362, %rem3A_363 : i32
    %rem3A_365 = arith.constant 138 : i32
    %rem3A_366 = arith.constant 5 : i32
    %rem3A_367 = arith.remsi %rem3A_365, %rem3A_366 : i32
    %dma_wait3A_368 = arith.constant 1 : i32
    %dma_wait3A_369 = arith.constant 0 : i32
    %dma_wait3A_370 = arith.constant 0 : i32
    %dma_wait3A_371 = tpu.memref_slice %arg6[%rem3A_367, %dma_wait3A_369, %dma_wait3A_370] : memref<5x72x128xf32, #tpu.memory_space<vmem>> -> memref<1x72x128xf32, #tpu.memory_space<vmem>>
    %dma_wait3A_372 = tpu.memref_squeeze %dma_wait3A_371 : memref<1x72x128xf32, #tpu.memory_space<vmem>> -> memref<72x128xf32, #tpu.memory_space<vmem>>
    %dma_wait3A_373 = arith.constant 0 : i32
    %dma_wait3A_374 = tpu.memref_slice %arg5[%rem3A_364, %dma_wait3A_368, %dma_wait3A_373] : memref<6x2x72xi32, #tpu.memory_space<vmem>> -> memref<1x1x72xi32, #tpu.memory_space<vmem>>
    %dma_wait3A_375 = tpu.memref_squeeze %dma_wait3A_374 : memref<1x1x72xi32, #tpu.memory_space<vmem>> -> memref<72xi32, #tpu.memory_space<vmem>>
    %dma_wait3A_376 = arith.constant 0 : i32
    %dma_wait3A_377 = arith.constant 0 : i32
    %dma_wait3A_378 = tpu.memref_slice %arg7[%dma_wait3A_376, %dma_wait3A_377] : memref<10240x128xf32, #tpu.memory_space<vmem_shared>> -> memref<10240x128xf32, #tpu.memory_space<vmem_shared>>
    %dma_wait3A_379 = tpu.memref_slice %arg10[%rem3A_367] : memref<5x!tpu.dma_semaphore, #tpu.memory_space<semaphore_mem>> -> memref<1x!tpu.dma_semaphore, #tpu.memory_space<semaphore_mem>>
    %dma_wait3A_380 = tpu.memref_squeeze %dma_wait3A_379 : memref<1x!tpu.dma_semaphore, #tpu.memory_space<semaphore_mem>> -> memref<!tpu.dma_semaphore, #tpu.memory_space<semaphore_mem>>
    tpu.wait_indirect_dma semaphore(%dma_wait3A_380 : memref<!tpu.dma_semaphore, #tpu.memory_space<semaphore_mem>>) src(%dma_wait3A_372 : memref<72x128xf32, #tpu.memory_space<vmem>>) dst(%dma_wait3A_378 : memref<10240x128xf32, #tpu.memory_space<vmem_shared>>)
    %barrier3A_381 = arith.constant 0 : index
    tpu.barrier barrier_id(%barrier3A_381)
    "tpu.region"() ({
      %run_scoped3A = tpu.sem_alloc : memref<!tpu.dma_semaphore, #tpu.memory_space<semaphore_mem>>
      %dma_start3A_382 = arith.constant 0 : i32
      %dma_start3A_383 = tpu.memref_slice %arg4[%arg0, %mul3A_2, %dma_start3A_382] : memref<2x10240x128xf32, #tpu.memory_space<hbm>> -> memref<1x640x128xf32, #tpu.memory_space<hbm>>
      %dma_start3A_384 = tpu.memref_squeeze %dma_start3A_383 : memref<1x640x128xf32, #tpu.memory_space<hbm>> -> memref<640x128xf32, #tpu.memory_space<hbm>>
      %dma_start3A_385 = arith.constant 0 : i32
      %dma_start3A_386 = tpu.memref_slice %arg7[%mul3A_2, %dma_start3A_385] : memref<10240x128xf32, #tpu.memory_space<vmem_shared>> -> memref<640x128xf32, #tpu.memory_space<vmem_shared>>
      tpu.enqueue_dma source(%dma_start3A_386 : memref<640x128xf32, #tpu.memory_space<vmem_shared>>) target(%dma_start3A_384 : memref<640x128xf32, #tpu.memory_space<hbm>>) target_semaphore(%run_scoped3A : memref<!tpu.dma_semaphore, #tpu.memory_space<semaphore_mem>>)
      %dma_wait3A_387 = arith.constant 0 : i32
      %dma_wait3A_388 = tpu.memref_slice %arg4[%arg0, %mul3A_2, %dma_wait3A_387] : memref<2x10240x128xf32, #tpu.memory_space<hbm>> -> memref<1x640x128xf32, #tpu.memory_space<hbm>>
      %dma_wait3A_389 = tpu.memref_squeeze %dma_wait3A_388 : memref<1x640x128xf32, #tpu.memory_space<hbm>> -> memref<640x128xf32, #tpu.memory_space<hbm>>
      %dma_wait3A_390 = arith.constant 0 : i32
      %dma_wait3A_391 = tpu.memref_slice %arg7[%mul3A_2, %dma_wait3A_390] : memref<10240x128xf32, #tpu.memory_space<vmem_shared>> -> memref<640x128xf32, #tpu.memory_space<vmem_shared>>
      tpu.wait_dma2 semaphore(%run_scoped3A : memref<!tpu.dma_semaphore, #tpu.memory_space<semaphore_mem>>) src(%dma_wait3A_391 : memref<640x128xf32, #tpu.memory_space<vmem_shared>>) dst(%dma_wait3A_389 : memref<640x128xf32, #tpu.memory_space<hbm>>)
      tpu.yield
    }) : () -> ()
    return
  }
}

module attributes {stable_mosaic.version = 14 : i64} {
  func.func @_mm1_body(%arg0: i32, %arg1: memref<640x2xf32, #tpu.memory_space<vmem>>, %arg2: memref<640x128xf32, #tpu.memory_space<vmem>>, %arg3: memref<128x128xf32, #tpu.memory_space<vmem>>, %arg4: memref<640x128xf32, #tpu.memory_space<vmem>>, %arg5: memref<640x1xf32, #tpu.memory_space<vmem>>) attributes {dimension_semantics = [#tpu.dimension_semantics<arbitrary>], iteration_bounds = array<i64: 16>, scalar_prefetch = 0 : i64, scratch_operands = 0 : i64, tpu.core_type = #tpu.core_type<tc>, window_params = [{transform_indices = @transform_0, window_bounds = array<i64: 640, 2>}, {transform_indices = @transform_1, window_bounds = array<i64: 640, 128>}, {pipeline_mode = #tpu.pipeline_mode<synchronous>, transform_indices = @transform_2, window_bounds = array<i64: 128, 128>}, {transform_indices = @transform_3, window_bounds = array<i64: 640, 128>}, {transform_indices = @transform_4, window_bounds = array<i64: 640, 1>}]} {
    %get3A = arith.constant 0 : index
    %get3A_0 = arith.constant 0 : index
    %get3A_1 = vector.load %arg1[%get3A, %get3A_0] : memref<640x2xf32, #tpu.memory_space<vmem>>, vector<640x1xf32>
    %get3A_2 = arith.constant 0 : index
    %get3A_3 = arith.constant 1 : index
    %get3A_4 = vector.load %arg1[%get3A_2, %get3A_3] : memref<640x2xf32, #tpu.memory_space<vmem>>, vector<640x1xf32>
    %add3A = arith.addf %get3A_1, %get3A_4 : vector<640x1xf32>
    %add3A_5 = arith.constant 1.000000e+00 : f32
    %add3A_6 = vector.broadcast %add3A_5 : f32 to vector<640x1xf32>
    %add3A_7 = arith.addf %add3A, %add3A_6 : vector<640x1xf32>
    %rsqrt3A = math.rsqrt %add3A_7 : vector<640x1xf32>
    %swap3A = arith.constant 0 : index
    %swap3A_8 = arith.constant 0 : index
    %swap3A_9 = vector.load %arg5[%swap3A, %swap3A_8] : memref<640x1xf32, #tpu.memory_space<vmem>>, vector<640x1xf32>
    tpu.vector_store %arg5[%swap3A, %swap3A_8], %rsqrt3A {strides = array<i32>} : memref<640x1xf32, #tpu.memory_space<vmem>>, vector<640x1xf32>,
    %get3A_10 = arith.constant 0 : index
    %get3A_11 = arith.constant 0 : index
    %get3A_12 = vector.load %arg2[%get3A_10, %get3A_11] : memref<640x128xf32, #tpu.memory_space<vmem>>, vector<640x128xf32>
    %get3A_13 = arith.constant 0 : index
    %get3A_14 = arith.constant 0 : index
    %get3A_15 = vector.load %arg3[%get3A_13, %get3A_14] : memref<128x128xf32, #tpu.memory_space<vmem>>, vector<128x128xf32>
    %dot_general3A = arith.constant dense<0.000000e+00> : vector<640x128xf32>
    %dot_general3A_16 = tpu.matmul %get3A_12, %get3A_15, %dot_general3A {dimension_numbers = #tpu.dot_dimension_numbers<[1], [0], [0], [1], [0, 0, 1, 1], [], []>, transpose_lhs_hint = false} : vector<640x128xf32>, vector<128x128xf32>, vector<640x128xf32> -> vector<640x128xf32>
    %mul3A = vector.broadcast %rsqrt3A : vector<640x1xf32> to vector<640x128xf32>
    %mul3A_17 = arith.mulf %dot_general3A_16, %mul3A : vector<640x128xf32>
    %swap3A_18 = arith.constant 0 : index
    %swap3A_19 = arith.constant 0 : index
    %swap3A_20 = vector.load %arg4[%swap3A_18, %swap3A_19] : memref<640x128xf32, #tpu.memory_space<vmem>>, vector<640x128xf32>
    tpu.vector_store %arg4[%swap3A_18, %swap3A_19], %mul3A_17 {strides = array<i32>} : memref<640x128xf32, #tpu.memory_space<vmem>>, vector<640x128xf32>,
    return
  }
  func.func @transform_0(%arg0: i32) -> (i32, i32) {
    %c0_i32 = arith.constant 0 : i32
    %c0_i32_0 = arith.constant 0 : i32
    return %arg0, %c0_i32 : i32, i32
  }
  func.func @transform_1(%arg0: i32) -> (i32, i32) {
    %c0_i32 = arith.constant 0 : i32
    %c0_i32_0 = arith.constant 0 : i32
    return %arg0, %c0_i32 : i32, i32
  }
  func.func @transform_2(%arg0: i32) -> (i32, i32) {
    %c0_i32 = arith.constant 0 : i32
    %c0_i32_0 = arith.constant 0 : i32
    %c0_i32_1 = arith.constant 0 : i32
    return %c0_i32, %c0_i32_0 : i32, i32
  }
  func.func @transform_3(%arg0: i32) -> (i32, i32) {
    %c0_i32 = arith.constant 0 : i32
    %c0_i32_0 = arith.constant 0 : i32
    return %arg0, %c0_i32 : i32, i32
  }
  func.func @transform_4(%arg0: i32) -> (i32, i32) {
    %c0_i32 = arith.constant 0 : i32
    %c0_i32_0 = arith.constant 0 : i32
    return %arg0, %c0_i32 : i32, i32
  }
}

module attributes {stable_mosaic.version = 14 : i64} {
  func.func @_mm2_body(%arg0: i32, %arg1: memref<640x128xf32, #tpu.memory_space<vmem>>, %arg2: memref<640x128xf32, #tpu.memory_space<vmem>>, %arg3: memref<640x1xf32, #tpu.memory_space<vmem>>, %arg4: memref<128x128xf32, #tpu.memory_space<vmem>>, %arg5: memref<1x128xf32, #tpu.memory_space<vmem>>, %arg6: memref<640x128xf32, #tpu.memory_space<vmem>>) attributes {dimension_semantics = [#tpu.dimension_semantics<arbitrary>], iteration_bounds = array<i64: 16>, scalar_prefetch = 0 : i64, scratch_operands = 0 : i64, tpu.core_type = #tpu.core_type<tc>, window_params = [{transform_indices = @transform_0, window_bounds = array<i64: 640, 128>}, {transform_indices = @transform_1, window_bounds = array<i64: 640, 128>}, {transform_indices = @transform_2, window_bounds = array<i64: 640, 1>}, {pipeline_mode = #tpu.pipeline_mode<synchronous>, transform_indices = @transform_3, window_bounds = array<i64: 128, 128>}, {pipeline_mode = #tpu.pipeline_mode<synchronous>, transform_indices = @transform_4, window_bounds = array<i64: 1, 128>}, {transform_indices = @transform_5, window_bounds = array<i64: 640, 128>}]} {
    %get3A = arith.constant 0 : index
    %get3A_0 = arith.constant 0 : index
    %get3A_1 = vector.load %arg3[%get3A, %get3A_0] : memref<640x1xf32, #tpu.memory_space<vmem>>, vector<640x1xf32>
    %get3A_2 = arith.constant 0 : index
    %get3A_3 = arith.constant 0 : index
    %get3A_4 = vector.load %arg1[%get3A_2, %get3A_3] : memref<640x128xf32, #tpu.memory_space<vmem>>, vector<640x128xf32>
    %get3A_5 = arith.constant 0 : index
    %get3A_6 = arith.constant 0 : index
    %get3A_7 = vector.load %arg2[%get3A_5, %get3A_6] : memref<640x128xf32, #tpu.memory_space<vmem>>, vector<640x128xf32>
    %add3A = arith.addf %get3A_4, %get3A_7 : vector<640x128xf32>
    %mul3A = vector.broadcast %get3A_1 : vector<640x1xf32> to vector<640x128xf32>
    %mul3A_8 = arith.mulf %add3A, %mul3A : vector<640x128xf32>
    %get3A_9 = arith.constant 0 : index
    %get3A_10 = arith.constant 0 : index
    %get3A_11 = vector.load %arg5[%get3A_9, %get3A_10] : memref<1x128xf32, #tpu.memory_space<vmem>>, vector<1x128xf32>
    %add3A_12 = vector.broadcast %get3A_11 : vector<1x128xf32> to vector<640x128xf32>
    %add3A_13 = arith.addf %mul3A_8, %add3A_12 : vector<640x128xf32>
    %max3A = arith.constant 0.000000e+00 : f32
    %max3A_14 = vector.broadcast %max3A : f32 to vector<640x128xf32>
    %max3A_15 = arith.maximumf %add3A_13, %max3A_14 : vector<640x128xf32>
    %get3A_16 = arith.constant 0 : index
    %get3A_17 = arith.constant 0 : index
    %get3A_18 = vector.load %arg4[%get3A_16, %get3A_17] : memref<128x128xf32, #tpu.memory_space<vmem>>, vector<128x128xf32>
    %dot_general3A = arith.constant dense<0.000000e+00> : vector<640x128xf32>
    %dot_general3A_19 = tpu.matmul %max3A_15, %get3A_18, %dot_general3A {dimension_numbers = #tpu.dot_dimension_numbers<[1], [0], [0], [1], [0, 0, 1, 1], [], []>, transpose_lhs_hint = false} : vector<640x128xf32>, vector<128x128xf32>, vector<640x128xf32> -> vector<640x128xf32>
    %mul3A_20 = vector.broadcast %get3A_1 : vector<640x1xf32> to vector<640x128xf32>
    %mul3A_21 = arith.mulf %dot_general3A_19, %mul3A_20 : vector<640x128xf32>
    %swap3A = arith.constant 0 : index
    %swap3A_22 = arith.constant 0 : index
    %swap3A_23 = vector.load %arg6[%swap3A, %swap3A_22] : memref<640x128xf32, #tpu.memory_space<vmem>>, vector<640x128xf32>
    tpu.vector_store %arg6[%swap3A, %swap3A_22], %mul3A_21 {strides = array<i32>} : memref<640x128xf32, #tpu.memory_space<vmem>>, vector<640x128xf32>,
    return
  }
  func.func @transform_0(%arg0: i32) -> (i32, i32) {
    %c0_i32 = arith.constant 0 : i32
    %c0_i32_0 = arith.constant 0 : i32
    return %arg0, %c0_i32 : i32, i32
  }
  func.func @transform_1(%arg0: i32) -> (i32, i32) {
    %c0_i32 = arith.constant 0 : i32
    %c0_i32_0 = arith.constant 0 : i32
    return %arg0, %c0_i32 : i32, i32
  }
  func.func @transform_2(%arg0: i32) -> (i32, i32) {
    %c0_i32 = arith.constant 0 : i32
    %c0_i32_0 = arith.constant 0 : i32
    return %arg0, %c0_i32 : i32, i32
  }
  func.func @transform_3(%arg0: i32) -> (i32, i32) {
    %c0_i32 = arith.constant 0 : i32
    %c0_i32_0 = arith.constant 0 : i32
    %c0_i32_1 = arith.constant 0 : i32
    return %c0_i32, %c0_i32_0 : i32, i32
  }
  func.func @transform_4(%arg0: i32) -> (i32, i32) {
    %c0_i32 = arith.constant 0 : i32
    %c0_i32_0 = arith.constant 0 : i32
    %c0_i32_1 = arith.constant 0 : i32
    return %c0_i32, %c0_i32_0 : i32, i32
  }
  func.func @transform_5(%arg0: i32) -> (i32, i32) {
    %c0_i32 = arith.constant 0 : i32
    %c0_i32_0 = arith.constant 0 : i32
    return %arg0, %c0_i32 : i32, i32
  }
}

module attributes {stable_mosaic.version = 14 : i64} {
  func.func @_fin_body(%arg0: i32, %arg1: memref<640x128xf32, #tpu.memory_space<vmem>>, %arg2: memref<640x128xf32, #tpu.memory_space<vmem>>, %arg3: memref<640x1xf32, #tpu.memory_space<vmem>>, %arg4: memref<1x128xf32, #tpu.memory_space<vmem>>, %arg5: memref<640x128xf32, #tpu.memory_space<vmem>>) attributes {dimension_semantics = [#tpu.dimension_semantics<arbitrary>], iteration_bounds = array<i64: 16>, scalar_prefetch = 0 : i64, scratch_operands = 0 : i64, tpu.core_type = #tpu.core_type<tc>, window_params = [{transform_indices = @transform_0, window_bounds = array<i64: 640, 128>}, {transform_indices = @transform_1, window_bounds = array<i64: 640, 128>}, {transform_indices = @transform_2, window_bounds = array<i64: 640, 1>}, {pipeline_mode = #tpu.pipeline_mode<synchronous>, transform_indices = @transform_3, window_bounds = array<i64: 1, 128>}, {transform_indices = @transform_4, window_bounds = array<i64: 640, 128>}]} {
    %get3A = arith.constant 0 : index
    %get3A_0 = arith.constant 0 : index
    %get3A_1 = vector.load %arg1[%get3A, %get3A_0] : memref<640x128xf32, #tpu.memory_space<vmem>>, vector<640x128xf32>
    %get3A_2 = arith.constant 0 : index
    %get3A_3 = arith.constant 0 : index
    %get3A_4 = vector.load %arg2[%get3A_2, %get3A_3] : memref<640x128xf32, #tpu.memory_space<vmem>>, vector<640x128xf32>
    %add3A = arith.addf %get3A_1, %get3A_4 : vector<640x128xf32>
    %get3A_5 = arith.constant 0 : index
    %get3A_6 = arith.constant 0 : index
    %get3A_7 = vector.load %arg3[%get3A_5, %get3A_6] : memref<640x1xf32, #tpu.memory_space<vmem>>, vector<640x1xf32>
    %mul3A = vector.broadcast %get3A_7 : vector<640x1xf32> to vector<640x128xf32>
    %mul3A_8 = arith.mulf %add3A, %mul3A : vector<640x128xf32>
    %get3A_9 = arith.constant 0 : index
    %get3A_10 = arith.constant 0 : index
    %get3A_11 = vector.load %arg4[%get3A_9, %get3A_10] : memref<1x128xf32, #tpu.memory_space<vmem>>, vector<1x128xf32>
    %add3A_12 = vector.broadcast %get3A_11 : vector<1x128xf32> to vector<640x128xf32>
    %add3A_13 = arith.addf %mul3A_8, %add3A_12 : vector<640x128xf32>
    %max3A = arith.constant 0.000000e+00 : f32
    %max3A_14 = vector.broadcast %max3A : f32 to vector<640x128xf32>
    %max3A_15 = arith.maximumf %add3A_13, %max3A_14 : vector<640x128xf32>
    %swap3A = arith.constant 0 : index
    %swap3A_16 = arith.constant 0 : index
    %swap3A_17 = vector.load %arg5[%swap3A, %swap3A_16] : memref<640x128xf32, #tpu.memory_space<vmem>>, vector<640x128xf32>
    tpu.vector_store %arg5[%swap3A, %swap3A_16], %max3A_15 {strides = array<i32>} : memref<640x128xf32, #tpu.memory_space<vmem>>, vector<640x128xf32>,
    return
  }
  func.func @transform_0(%arg0: i32) -> (i32, i32) {
    %c0_i32 = arith.constant 0 : i32
    %c0_i32_0 = arith.constant 0 : i32
    return %arg0, %c0_i32 : i32, i32
  }
  func.func @transform_1(%arg0: i32) -> (i32, i32) {
    %c0_i32 = arith.constant 0 : i32
    %c0_i32_0 = arith.constant 0 : i32
    return %arg0, %c0_i32 : i32, i32
  }
  func.func @transform_2(%arg0: i32) -> (i32, i32) {
    %c0_i32 = arith.constant 0 : i32
    %c0_i32_0 = arith.constant 0 : i32
    return %arg0, %c0_i32 : i32, i32
  }
  func.func @transform_3(%arg0: i32) -> (i32, i32) {
    %c0_i32 = arith.constant 0 : i32
    %c0_i32_0 = arith.constant 0 : i32
    %c0_i32_1 = arith.constant 0 : i32
    return %c0_i32, %c0_i32_0 : i32, i32
  }
  func.func @transform_4(%arg0: i32) -> (i32, i32) {
    %c0_i32 = arith.constant 0 : i32
    %c0_i32_0 = arith.constant 0 : i32
    return %arg0, %c0_i32 : i32, i32
  }
}

</mosaic_0001>

<sc_bundles>
// kernel: kernel.11.cloned.1.call-start
scs
__scs_entry_jumppad:
0x0: {  	(pc) =	sbr.rel $0x88, $3  }
0x1: {  	(tag) =	ssettag $0x0;
	lr =	simm.s32 $0x1  }
0x2: {  	[smem:$0x3F9B] =	sst lr;
	_ =	strace $0xD0000000  }
0x3: {  	_ = 	snop  }
0x4: {  	_ = 	snop  }
0x5: {  	_ = 	snop  }
0x6: {  	_ = 	snop  }
0x7: {  	_ = 	snop  }
__scs_overlays_trampoline_lowered:
0x8: {  	[smem:$0x3FAA] =	sst s0  }
0x9: {  	[smem:$0x3FAB] =	sst s1  }
0xa: {  	[smem:$0x3FAC] =	sst s2  }
0xb: {  	[smem:$0x3FAD] =	sst s3  }
0xc: {  	[smem:$0x3FAE] =	sst s4  }
0xd: {  	[smem:$0x3FAF] =	sst s5  }
0xe: {  	[smem:$0x3FB0] =	sst s6  }
0xf: {  	[smem:$0x3FB1] =	sst s7  }
0x10: {  	[smem:$0x3FB2] =	sst s8  }
0x11: {  	[smem:$0x3FB3] =	sst s9;
	s0 =	simm.s32 @!p0 $0x0  }
0x12: {  	s1 =	sld [smem:$0x3F99];
	s0 =	simm.s32 @p0 $0x1  }
0x13: {  	[smem:$0x3FB4] =	sst s0;
	s0 =	simm.s32 @!p1 $0x0  }
0x14: {  	s2 =	sld [smem:$0x3F98];
	s0 =	simm.s32 @p1 $0x1  }
0x15: {  	[smem:$0x3FB5] =	sst s0;
	s0 =	simm.s32 @!p2 $0x0  }
0x16: {  	s3 =	sld [smem:$0x3FDB];
	s0 =	simm.s32 @p2 $0x1  }
0x17: {  	s4 =	simm.s32 $0x1BF5;
	[smem:$0x3FB7] =	sst s0  }
0x18: {  	s0 =	sld [smem:$0x3F9A];
	_ =	swait.ge [sflag:s4], $0x0  }
0x19: {  	s7 =	sld [smem:$0x3F9B]  }
0x1a: {  	s8 =	sadd.s32 $0xFFFFE003, lr  }
0x1b: {  	s9 =	sadd.s32 $0xFFFFFEF7, lr;
	s5 =	simm.s32 $0xFFFFFFFF;
	p2 =	slt.u32 s8, $0xFFFFF086  }
0x1c: {  	p1 =	slt.u32 s9, $0xF7A;
	s5 =	simm.s32 @!p2 $0x0  }
0x1d: {  	s5 =	simm.s32 @p1 $0x1;
	p0 =	seq.s32 s7, s2  }
0x1e: {  	s7 =	smul.u32 @!p0 $0xF7A, s2;
	p2 =	seq.s32 @!p0 s5, $0x0  }
0x1f: {  	s9 =	smul.u32 $0xF7A, s1;
	s8 =	simm.s32 @!p0 $0x1BF5;
	p2 =	por !p2, p0  }
0x20: {  	[sflag:s8] =	ssyncset.s32 @!p0 $0xFFFFF086;
	s6 =	sadd.s32 @!p0 s3, s7;
	s7 =	simm.s32 @!p0 $0x108  }
0x21: {  	s3 =	sadd.s32 s3, s9;
	s6 =	sadd.s32 @!p0 $0x88, s6;
	s7 =	simm.s32 @p2 $0x1082  }
0x22: {  	[simem:s7], [sflag:s8] =	dma.local @!p0 [hbm:s6], $0xF7A  }
0x23: {  	s9 =	sor.u32 $0xD0000000, s2;
	s6 =	simm.s32 $0x108;
	_ =	swait.ge @!p0 [sflag:s8], $0x0  }
0x24: {  	s3 =	sadd.s32 $0x88, s3;
	s6 =	simm.s32 @!p1 $0x1082;
	[sflag:s4] =	ssyncset.s32 $0xFFFFF086  }
0x25: {  	[simem:s6], [sflag:s4] =	dma.local [hbm:s3], $0xF7A  }
0x26: {  	[smem:$0x3F9B] =	sst s1;
	(tag) =	ssettag s2;
	_ =	strace s9  }
0x27: {  	s1 =	sld [smem:$0x3FAB]  }
0x28: {  	s2 =	sld [smem:$0x3FAC]  }
0x29: {  	s4 =	sld [smem:$0x3FAE]  }
0x2a: {  	p0 =	seq.s32 s5, $0x0;
	s5 =	sld [smem:$0x3FAF]  }
0x2b: {  	s6 =	sld [smem:$0x3FB0]  }
0x2c: {  	s7 =	sld [smem:$0x3FB1]  }
0x2d: {  	s3 =	simm.s32 $0x108;
	s8 =	sld [smem:$0x3FB2]  }
0x2e: {  	s3 =	simm.s32 @!p0 $0x1082;
	s9 =	sld [smem:$0x3FB3]  }
0x2f: {  	lr =	sadd.s32 s0, s3;
	s0 =	sld [smem:$0x3FAA]  }
0x30: {  	s3 =	sld [smem:$0x3FAD]  }
0x31: {  	[smem:$0x3FB6] =	sst s10  }
0x32: {  	s10 =	sld [smem:$0x3FB4];
	_ =	sdelay $0x3  }
0x33: {  	p0 =	seq.s32 s10, $0x1;
	s10 =	sld [smem:$0x3FB6];
	_ =	sdelay $0x3  }
0x34: {  	[smem:$0x3FB6] =	sst s10  }
0x35: {  	s10 =	sld [smem:$0x3FB5];
	_ =	sdelay $0x3  }
0x36: {  	p1 =	seq.s32 s10, $0x1;
	s10 =	sld [smem:$0x3FB6];
	_ =	sdelay $0x3  }
0x37: {  	[smem:$0x3FB6] =	sst s10  }
0x38: {  	s10 =	sld [smem:$0x3FB7]  }
0x39: {  	_ = 	snop;
	(pc) =	sbr.ind lr, $3  }
0x3a: {  	_ = 	snop  }
0x3b: {  	_ = 	snop  }
0x3c: {  	p2 =	seq.s32 s10, $0x1;
	s10 =	sld [smem:$0x3FB6]  }
0x3d: {  	_ =	shalt  }
0x3e: {  	_ =	shalt  }
0x3f: {  	_ =	shalt  }
0x40: {  	_ =	shalt  }
0x41: {  	_ =	shalt  }
0x42: {  	_ =	shalt  }
0x43: {  	_ =	shalt  }
0x44: {  	_ =	shalt  }
0x45: {  	_ =	shalt  }
0x46: {  	_ =	shalt  }
0x47: {  	_ =	shalt  }
0x48: {  	_ =	shalt  }
0x49: {  	_ =	shalt  }
0x4a: {  	_ =	shalt  }
0x4b: {  	_ =	shalt  }
0x4c: {  	_ =	shalt  }
0x4d: {  	_ =	shalt  }
0x4e: {  	_ =	shalt  }
0x4f: {  	_ =	shalt  }
0x50: {  	_ =	shalt  }
0x51: {  	_ =	shalt  }
0x52: {  	_ =	shalt  }
0x53: {  	_ =	shalt  }
0x54: {  	_ =	shalt  }
0x55: {  	_ =	shalt  }
0x56: {  	_ =	shalt  }
0x57: {  	_ =	shalt  }
0x58: {  	_ =	shalt  }
0x59: {  	_ =	shalt  }
0x5a: {  	_ =	shalt  }
0x5b: {  	_ =	shalt  }
0x5c: {  	_ =	shalt  }
0x5d: {  	_ =	shalt  }
0x5e: {  	_ =	shalt  }
0x5f: {  	_ =	shalt  }
0x60: {  	_ =	shalt  }
0x61: {  	_ =	shalt  }
0x62: {  	_ =	shalt  }
0x63: {  	_ =	shalt  }
0x64: {  	_ =	shalt  }
0x65: {  	_ =	shalt  }
0x66: {  	_ =	shalt  }
0x67: {  	_ =	shalt  }
0x68: {  	_ =	shalt  }
0x69: {  	_ =	shalt  }
0x6a: {  	_ =	shalt  }
0x6b: {  	_ =	shalt  }
0x6c: {  	_ =	shalt  }
0x6d: {  	_ =	shalt  }
0x6e: {  	_ =	shalt  }
0x6f: {  	_ =	shalt  }
0x70: {  	_ =	shalt  }
0x71: {  	_ =	shalt  }
0x72: {  	_ =	shalt  }
0x73: {  	_ =	shalt  }
0x74: {  	_ =	shalt  }
0x75: {  	_ =	shalt  }
0x76: {  	_ =	shalt  }
0x77: {  	_ =	shalt  }
0x78: {  	_ =	shalt  }
0x79: {  	_ =	shalt  }
0x7a: {  	_ =	shalt  }
0x7b: {  	_ =	shalt  }
0x7c: {  	_ =	shalt  }
0x7d: {  	_ =	shalt  }
0x7e: {  	_ =	shalt  }
0x7f: {  	_ =	shalt  }
0x80: {  	_ =	shalt  }
0x81: {  	_ =	shalt  }
0x82: {  	_ =	shalt  }
0x83: {  	_ =	shalt  }
0x84: {  	_ =	shalt  }
0x85: {  	_ =	shalt  }
0x86: {  	_ =	shalt  }
0x87: {  	_ =	shalt  }
.Lfunc_end0:
.L_simem_size_0:
called_computation.1_lowered:
.L_overlay_start_0:
0x88: {  	s2 =	sld [smem:$0x3FD9]  }
0x89: {  	s3 =	sld [smem:$0x3FFE];
	_ =	sdelay $0x1  }
0x8a: {  	s1 =	srdreg.scid  }
0x8b: {  	s0 =	sand.u32 $0x1, s1  }
0x8c: {  	s17 =	sshll.u32 s0, $0xA;
	s2 =	sadd.s32 s3, s2  }
0x8d: {  	s2 =	sadd.s32 s2, s17  }
0x8e: {  	[smem:$0x3FC2] =	sst s2  }
0x8f: {  	_ = 	snop  }
0x90: {  	s2 =	sld [smem:$0x3FD0];
	(tm) =	ssettm $0x1  }
0x91: {  	s18 =	sld [smem:$0x3FFB];
	_ =	sdelay $0x3  }
0x92: {  	_ =	strace s18  }
0x93: {  	s3 =	sld [smem:$0x3FFC];
	_ =	sdelay $0x3  }
0x94: {  	_ =	strace s3  }
0x95: {  	s3 =	sld [smem:$0x3FFD];
	_ =	sdelay $0x3  }
0x96: {  	_ =	strace s3  }
0x97: {  	_ =	strace $0x8FFFFFFF  }
0x98: {  	s19 =	sld [smem:$0x3FDB];
	_ =	sdelay $0x1  }
0x99: {  	s4 =	simm.s32 $_scs_section_size  }
0x9a: {  	s5 =	simm.s32 $_size__tile_overlayer_lowered;
	s6 =	simm.s32 $_tile_overlayer_lowered  }
0x9b: {  	s22 =	simm.s32 $0x1BFF;
	s21 =	sshll.u32 s6, $0x1;
	s3 =	sadd.s32 s4, s19  }
0x9c: {  	s7 =	simm.s32 $0x0;
	s20 =	sshll.u32 s5, $0x1;
	s5 =	sadd.s32 s21, s3  }
0x9d: {  	[timem:s7], [sflag:s22] =	dma.local [hbm:s5], s20  }
0x9e: {  	_ =	swait.ge [sflag:s22], s20  }
0x9f: {  	s4 =	ssub.s32 $0x0, s20;
	[sflag:s22] =	ssyncset.done $0x0  }
0xa0: {  	[sflag:s22] =	ssyncadd.s32 s4;
	_ =	sdelay $0x1  }
0xa1: {  	s23 =	simm.s32 $0x1B8B  }
0xa2: {  	_ =	swait.ge [sflag:s23], $0x1  }
0xa3: {  	[sflag:s23] =	ssyncset.done $0x0  }
0xa4: {  	s25 =	simm.s32 $0x1B8E;
	s24 =	sld [smem:$0x3FFE];
	[sflag:s23] =	ssyncadd.s32 $0xFFFFFFFF  }
0xa5: {  	s26 =	simm.s32 $execute0_lowered;
	[smem:$0x3FD2] =	sst s25  }
0xa6: {  	s5 =	sshll.u32 s26, $0x1;
	_ =	strace $0x80000049;
	[dreg:$0x1] =	wrdreg $0xFFFFFFFF  }
0xa7: {  	s28 =	simm.s32 $_size_execute0_lowered;
	s3 =	sadd.s32 s3, s5;
	[dreg:$0x0] =	wrdreg $0x0  }
0xa8: {  	s5 =	sshll.u32 s28, $0x1;
	[dreg:$0x2] =	wrdreg s3  }
0xa9: {  	[dreg:$0x3] =	wrdreg s5  }
0xaa: {  	[dreg:$0x4] =	wrdreg $0xC0  }
0xab: {  	_ =	task [dreg:s7], $0x5FFFF  }
0xac: {  	[dreg:$0x1] =	wrdreg $0xFFFFFFFF  }
0xad: {  	[dreg:$0x0] =	wrdreg $0x60  }
0xae: {  	[dreg:$0x2] =	wrdreg s24  }
0xaf: {  	[dreg:$0x3] =	wrdreg s2  }
0xb0: {  	[dreg:$0x4] =	wrdreg $0xBA000  }
0xb1: {  	[dreg:$0x5] =	wrdreg $0x9  }
0xb2: {  	_ =	task.clear_ibuf [dreg:s7], $0x6FFFF;
	_ =	strace $0x90000049  }
0xb3: {  	s29 =	simm.s32 $0x9;
	_ =	strace $0x8000004B  }
0xb4: {  	_ =	swait.ge [sflag:s29], $0x1  }
0xb5: {  	[sflag:s29] =	ssyncadd.s32 $0xFFFFFFFF  }
0xb6: {  	_ =	strace $0x9000004B  }
0xb7: {  	_ =	sfence  }
0xb8: {  	s30 =	sld [smem:$0x0];
	_ =	sdelay $0x2  }
0xb9: {  	s31 =	sshll.u32 s1, $0xD;
	s1 =	sshrl.u32 s1, $0x2  }
0xba: {  	s3 =	sand.u32 $0x4000, s31;
	s1 =	sadd.s32 s1, s30  }
0xbb: {  	s0 =	sor.u32 s3, s0;
	s1 =	sshll.u32 s1, $0x11  }
0xbc: {  	s0 =	sor.u32 s1, s0  }
0xbd: {  	s0 =	sadd.s32 $0x8F2B, s0  }
0xbe: {  	[sflag:s0] =	ssyncadd.remote.s32 $0x1  }
0xbf: {  	_ =	sfence.sel $0xFFFF  }
0xc0: {  	[dreg:$0x0] =	wrdreg $0xFFFFFFFF;
	(pc) =	sbr.abs _section_cstart, $3  }
0xc1: {  	[dreg:$0x1] =	wrdreg $0xFFFFFFFF  }
0xc2: {  	_ =	task.clear_ibuf [dreg:s7], $0x2FFFF;
	_ =	strace $0x9FFFFFFF  }
0xc3: {  	(tm) =	ssettm $0x7FFFFFFF  }
tec
execute0_lowered:
.L_overlay_start_1:
0x0: {  	(tag) =	ssettag $0x1  }
0x1: {  	s5 =	rddreg [dreg:$0x0]  }
0x2: {  	s0 =	rddreg [dreg:$0x1]  }
0x3: {  	s1 =	rddreg [dreg:$0x2]  }
0x4: {  	s2 =	srdreg.scid;
	s3 =	simm.s32 $0x0;
	s15 =	stileid.u32  }
0x5: {  	s29 =	simm.s32 $0x3;
	s2 =	sand.u32 $0x1, s2;
	s7 =	smul.u32 $0x14000, s15  }
0x6: {  	[smem:$0x7FF] =	sst s3;
	s4 =	sadd.s32 $0x2400, s5;
	s9 =	smul.u32 $0x50000, s15  }
0x7: {  	s12 =	sshll.u32 s15, $0x1;
	s16 =	smul.u32 $0x2800, s15;
	s8 =	ssub.s32 $0x2, s2  }
0x8: {  	s6 =	smul.u32 $0x140000, s2;
	_ =	strace $0x8000004A;
	s10 =	sshrl.u32 s8, $0x1  }
0x9: {  	p0 =	sne.s32 s2, $0x0;
	s8 =	ssub.s32 s8, s10;
	s10 =	smul.u32 $0x280, s15  }
0xa: {  	s6 =	sadd.s32 s7, s6;
	s7 =	sor.u32 s2, s12;
	s15 =	smul.u32 $0x11600, s15  }
0xb: {  	s13 =	sshrl.u32 s9, $0x2;
	s6 =	sshrl.u32 s6, $0x3;
	s7 =	smul.u32 $0x8B00, s7  }
0xc: {  	s8 =	smax.u32 s8, $0x1;
	s11 =	sadd.s32 s6, s5;
	s5 =	sadd.s32 s13, s1  }
0xd: {  	[dreg:$0x5] =	wrdreg s8;
	s18 =	sor.u32 $0x40, s10;
	s20 =	sadd.s32 $0x80, s10  }
0xe: {  	s23 =	sadd.s32 $0xC0, s10;
	s26 =	sadd.s32 $0x100, s10;
	s8 =	sadd.s32 $0x180, s10  }
0xf: {  	s14 =	sshrl.u32 s7, $0x3;
	s17 =	sadd.s32 $0x2A400, s11;
	s7 =	sadd.s32 s4, s16  }
0x10: {  	s19 =	sshll.u32 s18, $0x7;
	s21 =	sshll.u32 s20, $0x7;
	s22 =	sshll.u32 s20, $0x4  }
0x11: {  	s24 =	sshll.u32 s23, $0x7;
	s11 =	sshll.u32 s23, $0x4;
	s28 =	sshll.u32 s26, $0x7  }
0x12: {  	s23 =	sadd.s32 $0x200, s10;
	s6 =	sadd.s32 s0, s14;
	[dreg:$0x4] =	wrdreg s17  }
0x13: {  	[dreg:$0x6] =	wrdreg s7;
	s7 =	sshll.u32 s18, $0x4;
	s9 =	sadd.s32 s19, s1  }
0x14: {  	s12 =	sadd.s32 s21, s1;
	s13 =	sadd.s32 s24, s1;
	s25 =	sadd.s32 s4, s11  }
0x15: {  	s14 =	sadd.s32 $0x140, s10;
	s17 =	smul.u32 $0x8B00, s2;
	s11 =	sadd.s32 s28, s1  }
0x16: {  	s19 =	sshll.u32 s8, $0x4;
	s21 =	sadd.s32 $0x1C0, s10;
	s24 =	sshll.u32 s23, $0x7  }
0x17: {  	s10 =	sadd.s32 $0x240, s10;
	s7 =	sadd.s32 s4, s7;
	[dreg:$0x9] =	wrdreg s25  }
0x18: {  	s16 =	sshll.u32 s14, $0x7;
	s30 =	sshll.u32 s14, $0x4;
	s25 =	sadd.s32 s24, s1  }
0x19: {  	s14 =	sshll.u32 s23, $0x4;
	s9 =	sshrl.u32 s9, $0x3;
	s31 =	smov.u32 s6  }
0x1a: {  	s23 =	sadd.s32 $0x8000, s5;
	s24 =	sadd.s32 $0xA000, s5;
	[dreg:$0x7] =	wrdreg s7  }
0x1b: {  	s7 =	sadd.s32 s4, s22;
	s16 =	sadd.s32 s16, s1;
	[dreg:$0x11] =	wrdreg s9  }
0x1c: {  	s15 =	sadd.s32 s17, s15;
	s17 =	sshll.u32 s8, $0x7;
	[dreg:$0x1f] =	wrdreg s23  }
0x1d: {  	s22 =	sshll.u32 s21, $0x7;
	s28 =	sadd.s32 s4, s14;
	[smem:$0x7F9] =	sst s24  }
0x1e: {  	s9 =	sadd.s32 $0x80, s6;
	[dreg:$0x8] =	wrdreg s7;
	s7 =	sshll.u32 s26, $0x4  }
0x1f: {  	s2 =	sadd.s32 s22, s1;
	[dreg:$0xf] =	wrdreg s28;
	s22 =	sadd.s32 $0x6000, s5  }
0x20: {  	s26 =	sshll.u32 s10, $0x7;
	s28 =	sadd.s32 $0x10000, s5;
	[dreg:$0x1e] =	wrdreg s22  }
0x21: {  	s10 =	sshll.u32 s10, $0x4;
	s7 =	sadd.s32 s4, s7;
	[smem:$0x7FC] =	sst s28  }
0x22: {  	s24 =	simm.s32 $0x48;
	s8 =	sadd.s32 s4, s10;
	[dreg:$0xa] =	wrdreg s7  }
0x23: {  	s23 =	simm.s32 $0xC;
	s10 =	sshrl.u32 s12, $0x3;
	[dreg:$0x10] =	wrdreg s8  }
0x24: {  	s15 =	sadd.s32 $0x500, s15;
	s12 =	sshrl.u32 s13, $0x3;
	[dreg:$0x12] =	wrdreg s10  }
0x25: {  	s18 =	sadd.s32 s17, s1;
	s13 =	sshrl.u32 s11, $0x3;
	[dreg:$0x13] =	wrdreg s12  }
0x26: {  	s20 =	sshrl.u32 s15, $0x3;
	s15 =	sshrl.u32 s16, $0x3;
	[dreg:$0x14] =	wrdreg s13  }
0x27: {  	s14 =	simm.s32 $0xD;
	s16 =	sshrl.u32 s18, $0x3;
	[dreg:$0x15] =	wrdreg s15  }
0x28: {  	s2 =	sshrl.u32 s2, $0x3;
	s18 =	sadd.s32 $0x20, s6;
	[dreg:$0x16] =	wrdreg s16  }
0x29: {  	s22 =	simm.s32 $0x300;
	s11 =	simm.s32 $0x4;
	[dreg:$0x17] =	wrdreg s2  }
0x2a: {  	s7 =	sadd.s32 s4, s30;
	s0 =	sadd.s32 s20, s0;
	[dreg:$0x1a] =	wrdreg s18  }
0x2b: {  	s30 =	sadd.s32 s26, s1;
	s20 =	sadd.s32 $0x2000, s5;
	[dreg:$0xb] =	wrdreg s7  }
0x2c: {  	s26 =	sadd.s32 $0xE000, s5;
	s13 =	simm.s32 $0x10;
	[dreg:$0xd] =	wrdreg s0  }
0x2d: {  	s2 =	simm.s32 $0xE;
	s15 =	simm.s32 $0xF;
	[dreg:$0x1c] =	wrdreg s20  }
0x2e: {  	s18 =	simm.s32 $0x0;
	s7 =	sadd.s32 s4, s19;
	[smem:$0x7FB] =	sst s26  }
0x2f: {  	s0 =	sshll.u32 s21, $0x4;
	s17 =	sshrl.u32 s30, $0x3;
	[dreg:$0xc] =	wrdreg s7  }
0x30: {  	s19 =	sadd.s32 $0x40, s6;
	s21 =	sadd.s32 $0x4000, s5;
	[dreg:$0x19] =	wrdreg s17  }
0x31: {  	s30 =	sadd.s32 $0x12000, s5;
	s20 =	simm.s32 $0x100;
	[dreg:$0x1b] =	wrdreg s19  }
.Ltmp0:
0x32: {  	s26 =	simm.s32 $0x2;
	[dreg:$0x1d] =	wrdreg s21;
	(pc) =	sbr.rel .LBB2_1-.Ltmp0, $4  }
0x33: {  	s0 =	sadd.s32 s4, s0;
	[smem:$0x7FD] =	sst s30;
	s19 =	simm.s32 $0x1  }
0x34: {  	s21 =	simm.s32 $0x200;
	[dreg:$0xe] =	wrdreg s0;
	s0 =	sshrl.u32 s25, $0x3  }
0x35: {  	s17 =	simm.s32 $0x11;
	s25 =	sadd.s32 $0xC000, s5;
	[dreg:$0x18] =	wrdreg s0  }
0x36: {  	v0 =	vimm.f32 $0.0e+00;
	s0 =	sadd.s32 $0x60, s6;
	[smem:$0x7FA] =	sst s25;
	s25 =	simm.s32 $0x600  }
.LBB2_10:
0x37: {  	_ =	swait.ge [sflag:s13], $0x2400  }
0x38: {  	[sflag:s13] =	ssyncset.done $0x0  }
0x39: {  	[sflag:s13] =	ssyncadd.s32 $0xFFFFDC00  }
0x3a: {  	_ =	swait.ge [sflag:s23], $0x2400  }
0x3b: {  	[sflag:s23] =	ssyncset.done $0x0  }
0x3c: {  	[sflag:s23] =	ssyncadd.s32 $0xFFFFDC00  }
0x3d: {  	_ =	swait.ge [sflag:s14], $0x2400  }
0x3e: {  	[sflag:s14] =	ssyncset.done $0x0  }
0x3f: {  	[sflag:s14] =	ssyncadd.s32 $0xFFFFDC00  }
0x40: {  	_ =	swait.ge [sflag:s2], $0x2400  }
0x41: {  	[sflag:s2] =	ssyncset.done $0x0  }
0x42: {  	[sflag:s2] =	ssyncadd.s32 $0xFFFFDC00  }
0x43: {  	_ =	swait.ge [sflag:s15], $0x2400  }
0x44: {  	[sflag:s15] =	ssyncset.done $0x0  }
0x45: {  	[sflag:s15] =	ssyncadd.s32 $0xFFFFDC00  }
0x46: {  	[bflag:$0x0] =	sbarrier.arrive $0xFFFF  }
0x47: {  	s6 =	sor.u32 $0x1C11, s28;
	s7 =	rddreg [dreg:$0x4]  }
0x48: {  	[hbm:s7], [sflag:s6] =	dma.local [spmem:s10], $0x2800  }
0x49: {  	_ =	swait.ge [sflag:s17], $0x2800  }
0x4a: {  	s18 =	sadd.s32 $0x1, s18;
	s30 =	rddreg [dreg:$0x5]  }
0x4b: {  	p1 =	sne.s32 s18, s30  }
.Ltmp1:
0x4c: {  	_ = 	snop;
	(pc) =	sbr.rel @!p1 .LBB2_11-.Ltmp1, $3  }
0x4d: {  	_ =	sdelay $0x1  }
0x4e: {  	[sflag:s17] =	ssyncset.done $0x0  }
0x4f: {  	[sflag:s17] =	ssyncadd.s32 $0xFFFFD800  }
.LBB2_1:
.Ltmp2:
0x50: {  	(pc) =	sbr.rel @p0 .LBB2_3-.Ltmp2, $3  }
0x51: {  	_ =	sdelay $0x1  }
0x52: {  	s6 =	stileid.u32  }
0x53: {  	s10 =	sshrl.u32 s5, $0x3;
	s28 =	sshll.u32 s6, $0x6  }
0x54: {  	s12 =	sor.u32 $0x1C01, s28;
	s6 =	rddreg [dreg:$0x6]  }
0x55: {  	[spmem:s10], [sflag:s12] =	dma.local [hbm:s6], $0x400  }
0x56: {  	s6 =	rddreg [dreg:$0x7]  }
0x57: {  	s7 =	rddreg [dreg:$0x11]  }
0x58: {  	[spmem:s7], [sflag:s12] =	dma.local [hbm:s6], $0x400  }
0x59: {  	s6 =	rddreg [dreg:$0x8]  }
0x5a: {  	s7 =	rddreg [dreg:$0x12]  }
0x5b: {  	[spmem:s7], [sflag:s12] =	dma.local [hbm:s6], $0x400  }
0x5c: {  	s6 =	rddreg [dreg:$0x9]  }
0x5d: {  	s7 =	rddreg [dreg:$0x13]  }
0x5e: {  	[spmem:s7], [sflag:s12] =	dma.local [hbm:s6], $0x400  }
0x5f: {  	s6 =	rddreg [dreg:$0xa]  }
0x60: {  	s7 =	rddreg [dreg:$0x14]  }
0x61: {  	[spmem:s7], [sflag:s12] =	dma.local [hbm:s6], $0x400  }
0x62: {  	s6 =	rddreg [dreg:$0xb]  }
0x63: {  	s7 =	rddreg [dreg:$0x15]  }
0x64: {  	[spmem:s7], [sflag:s12] =	dma.local [hbm:s6], $0x400  }
0x65: {  	s6 =	rddreg [dreg:$0xc]  }
0x66: {  	s7 =	rddreg [dreg:$0x16]  }
0x67: {  	[spmem:s7], [sflag:s12] =	dma.local [hbm:s6], $0x400  }
0x68: {  	s6 =	rddreg [dreg:$0xe]  }
0x69: {  	s7 =	rddreg [dreg:$0x17]  }
0x6a: {  	[spmem:s7], [sflag:s12] =	dma.local [hbm:s6], $0x400  }
0x6b: {  	s6 =	rddreg [dreg:$0xf]  }
0x6c: {  	s7 =	rddreg [dreg:$0x18]  }
0x6d: {  	[spmem:s7], [sflag:s12] =	dma.local [hbm:s6], $0x400  }
0x6e: {  	s6 =	rddreg [dreg:$0x10]  }
0x6f: {  	s7 =	rddreg [dreg:$0x19]  }
0x70: {  	[spmem:s7], [sflag:s12] =	dma.local [hbm:s6], $0x400  }
0x71: {  	_ =	swait.ge [sflag:s19], $0x400  }
0x72: {  	[sflag:s19] =	ssyncset.done $0x0  }
0x73: {  	[sflag:s19] =	ssyncadd.s32 $0xFFFFFC00  }
0x74: {  	_ =	swait.ge [sflag:s19], $0x400  }
0x75: {  	[sflag:s19] =	ssyncset.done $0x0  }
0x76: {  	[sflag:s19] =	ssyncadd.s32 $0xFFFFFC00  }
0x77: {  	_ =	swait.ge [sflag:s19], $0x400  }
0x78: {  	[sflag:s19] =	ssyncset.done $0x0  }
0x79: {  	[sflag:s19] =	ssyncadd.s32 $0xFFFFFC00  }
0x7a: {  	_ =	swait.ge [sflag:s19], $0x400  }
0x7b: {  	[sflag:s19] =	ssyncset.done $0x0  }
0x7c: {  	[sflag:s19] =	ssyncadd.s32 $0xFFFFFC00  }
0x7d: {  	_ =	swait.ge [sflag:s19], $0x400  }
0x7e: {  	[sflag:s19] =	ssyncset.done $0x0  }
0x7f: {  	[sflag:s19] =	ssyncadd.s32 $0xFFFFFC00  }
0x80: {  	_ =	swait.ge [sflag:s19], $0x400  }
0x81: {  	[sflag:s19] =	ssyncset.done $0x0  }
0x82: {  	[sflag:s19] =	ssyncadd.s32 $0xFFFFFC00  }
0x83: {  	_ =	swait.ge [sflag:s19], $0x400  }
0x84: {  	[sflag:s19] =	ssyncset.done $0x0  }
0x85: {  	[sflag:s19] =	ssyncadd.s32 $0xFFFFFC00  }
0x86: {  	_ =	swait.ge [sflag:s19], $0x400  }
0x87: {  	[sflag:s19] =	ssyncset.done $0x0  }
0x88: {  	[sflag:s19] =	ssyncadd.s32 $0xFFFFFC00  }
0x89: {  	_ =	swait.ge [sflag:s19], $0x400  }
.Ltmp3:
0x8a: {  	[sflag:s19] =	ssyncset.done $0x0;
	(pc) =	sbr.rel .LBB2_6-.Ltmp3, $4  }
0x8b: {  	[sflag:s19] =	ssyncadd.s32 $0xFFFFFC00  }
0x8c: {  	_ =	swait.ge [sflag:s19], $0x400  }
0x8d: {  	[sflag:s19] =	ssyncset.done $0x0  }
0x8e: {  	[sflag:s19] =	ssyncadd.s32 $0xFFFFFC00  }
.LBB2_3:
0x8f: {  	s12 =	sshra.s32 s3, $0x2;
	s16 =	sadd.s32 $0x200, s3  }
.LBB2_4:
0x90: {  	p1 =	sne.s32 s16, $0x7E00;
	[tilespmem:s12+$0x670] =	vst v0  }
0x91: {  	[tilespmem:s12+$0x600] =	vst v0  }
0x92: {  	[tilespmem:s12+$0x610] =	vst v0  }
.Ltmp4:
0x93: {  	[tilespmem:s12+$0x620] =	vst v0;
	(pc) =	sbr.rel @p1 .LBB2_4-.Ltmp4, $4  }
0x94: {  	[tilespmem:s12+$0x630] =	vst v0  }
0x95: {  	[tilespmem:s12+$0x640] =	vst v0  }
0x96: {  	[tilespmem:s12+$0x650] =	vst v0  }
0x97: {  	[tilespmem:s12+$0x660] =	vst v0;
	s12 =	sshra.s32 s16, $0x2;
	s16 =	sadd.s32 $0x200, s16  }
0x98: {  	[tilespmem:s12+$0x670] =	vst v0  }
0x99: {  	[tilespmem:s12+$0x600] =	vst v0  }
0x9a: {  	[tilespmem:s12+$0x610] =	vst v0  }
0x9b: {  	[tilespmem:s12+$0x620] =	vst v0  }
0x9c: {  	[tilespmem:s12+$0x630] =	vst v0  }
0x9d: {  	[tilespmem:s12+$0x640] =	vst v0  }
0x9e: {  	[tilespmem:s12+$0x650] =	vst v0  }
0x9f: {  	[tilespmem:s12+$0x660] =	vst v0;
	s6 =	rddreg [dreg:$0x1c]  }
0xa0: {  	[spmem:s5] =	stream.linear.scatter [tilespmem:s25], [sflag:$0x1], $0x2000, $0x38;
	[tilespmem:$0x1FA00] =	vst v63  }
0xa1: {  	s12 =	rddreg [dreg:$0x1d]  }
0xa2: {  	[spmem:s6] =	stream.linear.scatter [tilespmem:s25], [sflag:$0x1], $0x2000, $0x38;
	[tilespmem:$0x1FA00] =	vst v63  }
0xa3: {  	s16 =	rddreg [dreg:$0x1e]  }
0xa4: {  	[spmem:s12] =	stream.linear.scatter [tilespmem:s25], [sflag:$0x1], $0x2000, $0x38;
	[tilespmem:$0x1FA00] =	vst v63  }
0xa5: {  	s30 =	rddreg [dreg:$0x1f]  }
0xa6: {  	[spmem:s16] =	stream.linear.scatter [tilespmem:s25], [sflag:$0x1], $0x2000, $0x38;
	[tilespmem:$0x1FA00] =	vst v63  }
0xa7: {  	s7 =	sld [smem:$0x7F9]  }
0xa8: {  	[spmem:s30] =	stream.linear.scatter [tilespmem:s25], [sflag:$0x1], $0x2000, $0x38;
	[tilespmem:$0x1FA00] =	vst v63  }
0xa9: {  	s8 =	sld [smem:$0x7FA]  }
0xaa: {  	[spmem:s7] =	stream.linear.scatter [tilespmem:s25], [sflag:$0x1], $0x2000, $0x38;
	[tilespmem:$0x1FA00] =	vst v63  }
0xab: {  	s12 =	sld [smem:$0x7FB]  }
0xac: {  	[spmem:s8] =	stream.linear.scatter [tilespmem:s25], [sflag:$0x1], $0x2000, $0x38;
	[tilespmem:$0x1FA00] =	vst v63  }
0xad: {  	s16 =	sld [smem:$0x7FC]  }
0xae: {  	[spmem:s12] =	stream.linear.scatter [tilespmem:s25], [sflag:$0x1], $0x2000, $0x38;
	[tilespmem:$0x1FA00] =	vst v63  }
0xaf: {  	s30 =	sld [smem:$0x7FD]  }
0xb0: {  	[spmem:s16] =	stream.linear.scatter [tilespmem:s25], [sflag:$0x1], $0x2000, $0x38;
	[tilespmem:$0x1FA00] =	vst v63  }
0xb1: {  	_ = 	snop  }
0xb2: {  	[spmem:s30] =	stream.linear.scatter [tilespmem:s25], [sflag:$0x1], $0x2000, $0x38;
	[tilespmem:$0x1FA00] =	vst v63  }
0xb3: {  	_ =	swait.ge [sflag:s19], $0x2000  }
0xb4: {  	[sflag:s19] =	ssyncset.done $0x0  }
0xb5: {  	[sflag:s19] =	ssyncadd.s32 $0xFFFFE000  }
0xb6: {  	_ =	swait.ge [sflag:s19], $0x2000  }
0xb7: {  	[sflag:s19] =	ssyncset.done $0x0  }
0xb8: {  	[sflag:s19] =	ssyncadd.s32 $0xFFFFE000  }
0xb9: {  	_ =	swait.ge [sflag:s19], $0x2000  }
0xba: {  	[sflag:s19] =	ssyncset.done $0x0  }
0xbb: {  	[sflag:s19] =	ssyncadd.s32 $0xFFFFE000  }
0xbc: {  	_ =	swait.ge [sflag:s19], $0x2000  }
0xbd: {  	[sflag:s19] =	ssyncset.done $0x0  }
0xbe: {  	[sflag:s19] =	ssyncadd.s32 $0xFFFFE000  }
0xbf: {  	_ =	swait.ge [sflag:s19], $0x2000  }
0xc0: {  	[sflag:s19] =	ssyncset.done $0x0  }
0xc1: {  	[sflag:s19] =	ssyncadd.s32 $0xFFFFE000  }
0xc2: {  	_ =	swait.ge [sflag:s19], $0x2000  }
0xc3: {  	[sflag:s19] =	ssyncset.done $0x0  }
0xc4: {  	[sflag:s19] =	ssyncadd.s32 $0xFFFFE000  }
0xc5: {  	_ =	swait.ge [sflag:s19], $0x2000  }
0xc6: {  	[sflag:s19] =	ssyncset.done $0x0  }
0xc7: {  	[sflag:s19] =	ssyncadd.s32 $0xFFFFE000  }
0xc8: {  	_ =	swait.ge [sflag:s19], $0x2000  }
0xc9: {  	[sflag:s19] =	ssyncset.done $0x0  }
0xca: {  	[sflag:s19] =	ssyncadd.s32 $0xFFFFE000  }
0xcb: {  	_ =	swait.ge [sflag:s19], $0x2000  }
0xcc: {  	[sflag:s19] =	ssyncset.done $0x0  }
0xcd: {  	[sflag:s19] =	ssyncadd.s32 $0xFFFFE000  }
0xce: {  	_ =	swait.ge [sflag:s19], $0x2000  }
0xcf: {  	[sflag:s19] =	ssyncset.done $0x0  }
0xd0: {  	[sflag:s19] =	ssyncadd.s32 $0xFFFFE000  }
.LBB2_6:
0xd1: {  	[bflag:$0x0] =	sbarrier.arrive $0xFFFF;
	s12 =	simm.s32 $0x0  }
0xd2: {  	[tilespmem:s12], [sflag:$0x1] =	stream.linear.gather [hbm4b:s31+s12], $0x100, $0x38;
	[tilespmem:$0x1FA00] =	vst v63  }
0xd3: {  	s6 =	rddreg [dreg:$0x1a]  }
0xd4: {  	[tilespmem:s20], [sflag:$0x2] =	stream.linear.gather [hbm4b:s6+s12], $0x100, $0x38;
	[tilespmem:$0x1FA00] =	vst v63  }
0xd5: {  	s30 =	rddreg [dreg:$0x1b]  }
0xd6: {  	[tilespmem:s21], [sflag:$0x3] =	stream.linear.gather [hbm4b:s30+s12], $0x100, $0x38;
	[tilespmem:$0x1FA00] =	vst v63  }
0xd7: {  	_ = 	snop  }
0xd8: {  	[tilespmem:s22], [sflag:$0x4] =	stream.linear.gather [hbm4b:s0+s12], $0x100, $0x38;
	[tilespmem:$0x1FA00] =	vst v63  }
0xd9: {  	s7 =	simm.s32 $0x400  }
0xda: {  	[tilespmem:s7], [sflag:$0x5] =	stream.linear.gather [hbm4b:s9+s12], $0x100, $0x38;
	[tilespmem:$0x1FA00] =	vst v63  }
0xdb: {  	_ =	swait.ge [sflag:s19], $0x100  }
0xdc: {  	[sflag:s19] =	ssyncset.done $0x0  }
0xdd: {  	[sflag:s19] =	ssyncadd.s32 $0xFFFFFF00  }
0xde: {  	[tilespmem:s25], [sflag:$0x7] =	stream.indirect.gather [hbm4b:s4+s24], $0x80, s12, s24, $0xb8;
	[tilespmem:$0x1FA00] =	vst v63  }
0xdf: {  	_ =	swait.ge [sflag:s26], $0x100  }
0xe0: {  	[sflag:s26] =	ssyncset.done $0x0  }
0xe1: {  	s8 =	simm.s32 $0x2A00;
	[sflag:s26] =	ssyncadd.s32 $0xFFFFFF00  }
0xe2: {  	[tilespmem:s8], [sflag:$0x8] =	stream.indirect.gather [hbm4b:s4+s24], $0x80, s20, s24, $0xb8;
	[tilespmem:$0x1FA00] =	vst v63  }
0xe3: {  	_ =	swait.ge [sflag:s29], $0x100  }
0xe4: {  	[sflag:s29] =	ssyncset.done $0x0  }
0xe5: {  	s16 =	simm.s32 $0x4E00;
	[sflag:s29] =	ssyncadd.s32 $0xFFFFFF00  }
0xe6: {  	[tilespmem:s16], [sflag:$0x9] =	stream.indirect.gather [hbm4b:s4+s24], $0x80, s21, s24, $0xb8;
	[tilespmem:$0x1FA00] =	vst v63  }
.Ltmp5:
0xe7: {  	_ = 	snop;
	(pc) =	sbr.rel .LBB2_7-.Ltmp5, $4  }
0xe8: {  	_ =	swait.ge [sflag:s11], $0x100  }
0xe9: {  	[sflag:s11] =	ssyncset.done $0x0  }
0xea: {  	s30 =	simm.s32 $0x7200;
	s16 =	rddreg [dreg:$0xd];
	[sflag:s11] =	ssyncadd.s32 $0xFFFFFF00  }
0xeb: {  	[tilespmem:s30], [sflag:$0xA] =	stream.indirect.gather [hbm4b:s4+s24], $0x80, s22, s24, $0xb8;
	[tilespmem:$0x1FA00] =	vst v63  }
.LBB2_9:
0xec: {  	s6 =	smul.u32 $0xCD, s12  }
0xed: {  	s7 =	smul.u32 $0xAB, s12  }
0xee: {  	s6 =	sshrl.u32 s6, $0xA  }
0xef: {  	s7 =	sshrl.u32 s7, $0xA;
	s6 =	sand.u32 $0x3F, s6  }
0xf0: {  	s7 =	sand.u32 $0x3F, s7;
	s6 =	smul.u32 $0x5, s6  }
0xf1: {  	s7 =	smul.u32 $0x6, s7  }
0xf2: {  	s6 =	ssub.s32 s12, s6  }
0xf3: {  	s7 =	ssub.s32 s12, s7;
	s12 =	sadd.s32 $0x1, s12;
	s6 =	sand.u32 $0xFF, s6  }
0xf4: {  	p1 =	sne.s32 s12, $0x8B;
	s30 =	smul.u32 $0x9000, s6  }
.Ltmp6:
0xf5: {  	s7 =	sand.u32 $0xFF, s7;
	s8 =	sadd.s32 $0x7, s6;
	(pc) =	sbr.rel @!p1 .LBB2_10-.Ltmp6, $4  }
0xf6: {  	s16 =	sadd.s32 $0x20, s16;
	s7 =	sshll.u32 s7, $0x8;
	_ =	swait.ge [sflag:s8], $0x2400  }
0xf7: {  	s6 =	sadd.s32 $0xC, s6;
	[sflag:s8] =	ssyncset.done $0x0;
	s30 =	sshrl.u32 s30, $0x2  }
0xf8: {  	s7 =	sor.u32 $0x80, s7;
	[sflag:s8] =	ssyncadd.s32 $0xFFFFDC00;
	s8 =	sadd.s32 $0x600, s30  }
0xf9: {  	[spmem:s1] =	stream.indirect.scatter.add.f32 [tilespmem:s8], [sflag:s6], $0x80, s7, s24, $0xb8;
	[tilespmem:$0x1FA00] =	vst v63  }
.LBB2_7:
0xfa: {  	p1 =	sgt.u32 s12, $0x86  }
.Ltmp7:
0xfb: {  	_ = 	snop;
	(pc) =	sbr.rel @p1 .LBB2_9-.Ltmp7, $1  }
0xfc: {  	_ =	sdelay $0x3  }
0xfd: {  	p1 =	seq.s32 s12, $0x0  }
0xfe: {  	s8 =	sadd.s32 @!p1 $0xFFFFFFFF, s12  }
0xff: {  	s6 =	sand.u32 @!p1 $0xFF, s8  }
0x100: {  	s6 =	smul.u32 @!p1 $0xCD, s6;
	_ =	sdelay $0x1  }
0x101: {  	s6 =	sshrl.u32 @!p1 s6, $0xA  }
0x102: {  	s6 =	smul.u32 @!p1 $0x5, s6;
	_ =	sdelay $0x1  }
0x103: {  	s6 =	ssub.s32 @!p1 s8, s6  }
0x104: {  	s6 =	sand.u32 @!p1 $0xFF, s6  }
0x105: {  	s6 =	sadd.s32 @!p1 $0xC, s6  }
0x106: {  	p2 =	seq.s32 @!p1 s12, $0x86;
	_ =	swait.ge @!p1 [sflag:s6], $0x2400  }
0x107: {  	p2 =	por p1, !p2;
	[sflag:s6] =	ssyncset.done @!p1 $0x0  }
0x108: {  	[sflag:s6] =	ssyncadd.s32 @!p1 $0xFFFFDC00;
	s6 =	sadd.s32 @p2 $0x5, s12  }
0x109: {  	s8 =	smul.u32 @p2 $0xAB, s6;
	_ =	sdelay $0x1  }
0x10a: {  	s8 =	sshrl.u32 @p2 s8, $0xA  }
0x10b: {  	s8 =	sand.u32 @p2 $0x3F, s8  }
0x10c: {  	s8 =	smul.u32 @p2 $0x6, s8;
	_ =	sdelay $0x1  }
0x10d: {  	s6 =	ssub.s32 @p2 s6, s8  }
0x10e: {  	s6 =	sand.u32 @p2 $0xFF, s6  }
0x10f: {  	s8 =	sshll.u32 @p2 s6, $0x8;
	s6 =	sadd.s32 @p2 $0x1, s6  }
0x110: {  	[tilespmem:s8], [sflag:s6] =	stream.linear.gather @p2 [hbm4b:s16+s3], $0x100, $0x38;
	[tilespmem:$0x1FA00] =	vst v63  }
0x111: {  	s6 =	sadd.s32 $0x4, s12  }
0x112: {  	s30 =	sand.u32 $0xFF, s6  }
0x113: {  	s7 =	smul.u32 $0xAB, s30  }
0x114: {  	s8 =	smul.u32 $0xCD, s30  }
0x115: {  	s7 =	sshrl.u32 s7, $0xA  }
0x116: {  	s8 =	sshrl.u32 s8, $0xA;
	s7 =	smul.u32 $0x6, s7  }
0x117: {  	s8 =	smul.u32 $0x5, s8;
	_ =	sdelay $0x1  }
0x118: {  	s7 =	ssub.s32 s6, s7;
	s6 =	ssub.s32 s6, s8  }
0x119: {  	s6 =	sand.u32 $0xFF, s6  }
0x11a: {  	s7 =	sand.u32 $0xFF, s7;
	s30 =	smul.u32 $0x9000, s6  }
.Ltmp8:
0x11b: {  	s8 =	sadd.s32 $0x1, s7;
	(pc) =	sbr.rel .LBB2_9-.Ltmp8, $4  }
0x11c: {  	_ =	swait.ge [sflag:s8], $0x100  }
0x11d: {  	s7 =	sshll.u32 s7, $0x8;
	[sflag:s8] =	ssyncset.done $0x0;
	s30 =	sshrl.u32 s30, $0x2  }
0x11e: {  	s6 =	sadd.s32 $0x7, s6;
	[sflag:s8] =	ssyncadd.s32 $0xFFFFFF00;
	s8 =	sadd.s32 $0x600, s30  }
0x11f: {  	[tilespmem:s8], [sflag:s6] =	stream.indirect.gather [hbm4b:s4+s24], $0x80, s7, s24, $0xb8;
	[tilespmem:$0x1FA00] =	vst v63  }
.LBB2_11:
0x120: {  	_ =	sfence.sel $0x180000  }
0x121: {  	[bflag:$0x0] =	sbarrier.arrive $0xFFFF  }
0x122: {  	_ =	strace $0x9000004A  }
0x123: {  	s0 =	stileid.u32;
	[bflag:$0x2] =	sbarrier.arrive $0xFFFF  }
0x124: {  	p0 =	sne.s32 s0, $0x0;
	s0 =	rddreg [dreg:$0x3]  }
0x125: {  	s0 =	sadd.s32 @!p0 $0x100000, s0  }
0x126: {  	[sflag:s0] =	ssyncadd.tile.s32 @!p0 $0x1;
	_ =	shalt  }
.Lfunc_end2:
_tile_overlayer_lowered:
.L_overlay_start_2:
0x127: {  	(tag) =	ssettag $0x2  }
0x128: {  	s0 =	rddreg [dreg:$0x0];
	s2 =	stileid.u32  }
0x129: {  	s1 =	rddreg [dreg:$0x1];
	p0 =	sne.s32 s2, $0x0  }
0x12a: {  	s3 =	rddreg [dreg:$0x2];
	[bflag:$0x3] =	sbarrier.arrive $0xFFFF;
	s2 =	simm.s32 @!p0 $0x1C11  }
0x12b: {  	[timem:s3], [sflag:s2] =	dma.local @!p0 [hbm:s0], s1  }
0x12c: {  	s0 =	simm.s32 @!p0 $0x11  }
0x12d: {  	_ =	swait.ge @!p0 [sflag:s0], s1  }
0x12e: {  	s1 =	ssub.s32 @!p0 $0x0, s1;
	[sflag:s0] =	ssyncset.done @!p0 $0x0  }
0x12f: {  	[sflag:s0] =	ssyncadd.s32 @!p0 s1  }
0x130: {  	[bflag:$0x3] =	sbarrier.arrive $0xFFFF  }
0x131: {  	_ =	shalt  }

// kernel: kernel.14.cloned.1.call-start
scs
__scs_entry_jumppad:
0x0: {  	(pc) =	sbr.rel $0x88, $3  }
0x1: {  	(tag) =	ssettag $0x0;
	lr =	simm.s32 $0x1  }
0x2: {  	[smem:$0x3F9B] =	sst lr;
	_ =	strace $0xD0000000  }
0x3: {  	_ = 	snop  }
0x4: {  	_ = 	snop  }
0x5: {  	_ = 	snop  }
0x6: {  	_ = 	snop  }
0x7: {  	_ = 	snop  }
__scs_overlays_trampoline_lowered:
0x8: {  	[smem:$0x3FAA] =	sst s0  }
0x9: {  	[smem:$0x3FAB] =	sst s1  }
0xa: {  	[smem:$0x3FAC] =	sst s2  }
0xb: {  	[smem:$0x3FAD] =	sst s3  }
0xc: {  	[smem:$0x3FAE] =	sst s4  }
0xd: {  	[smem:$0x3FAF] =	sst s5  }
0xe: {  	[smem:$0x3FB0] =	sst s6  }
0xf: {  	[smem:$0x3FB1] =	sst s7  }
0x10: {  	[smem:$0x3FB2] =	sst s8  }
0x11: {  	[smem:$0x3FB3] =	sst s9;
	s0 =	simm.s32 @!p0 $0x0  }
0x12: {  	s1 =	sld [smem:$0x3F99];
	s0 =	simm.s32 @p0 $0x1  }
0x13: {  	[smem:$0x3FB4] =	sst s0;
	s0 =	simm.s32 @!p1 $0x0  }
0x14: {  	s2 =	sld [smem:$0x3F98];
	s0 =	simm.s32 @p1 $0x1  }
0x15: {  	[smem:$0x3FB5] =	sst s0;
	s0 =	simm.s32 @!p2 $0x0  }
0x16: {  	s3 =	sld [smem:$0x3FDB];
	s0 =	simm.s32 @p2 $0x1  }
0x17: {  	s4 =	simm.s32 $0x1BF5;
	[smem:$0x3FB7] =	sst s0  }
0x18: {  	s0 =	sld [smem:$0x3F9A];
	_ =	swait.ge [sflag:s4], $0x0  }
0x19: {  	s7 =	sld [smem:$0x3F9B]  }
0x1a: {  	s8 =	sadd.s32 $0xFFFFE003, lr  }
0x1b: {  	s9 =	sadd.s32 $0xFFFFFEF7, lr;
	s5 =	simm.s32 $0xFFFFFFFF;
	p2 =	slt.u32 s8, $0xFFFFF086  }
0x1c: {  	p1 =	slt.u32 s9, $0xF7A;
	s5 =	simm.s32 @!p2 $0x0  }
0x1d: {  	s5 =	simm.s32 @p1 $0x1;
	p0 =	seq.s32 s7, s2  }
0x1e: {  	s7 =	smul.u32 @!p0 $0xF7A, s2;
	p2 =	seq.s32 @!p0 s5, $0x0  }
0x1f: {  	s9 =	smul.u32 $0xF7A, s1;
	s8 =	simm.s32 @!p0 $0x1BF5;
	p2 =	por !p2, p0  }
0x20: {  	[sflag:s8] =	ssyncset.s32 @!p0 $0xFFFFF086;
	s6 =	sadd.s32 @!p0 s3, s7;
	s7 =	simm.s32 @!p0 $0x108  }
0x21: {  	s3 =	sadd.s32 s3, s9;
	s6 =	sadd.s32 @!p0 $0x88, s6;
	s7 =	simm.s32 @p2 $0x1082  }
0x22: {  	[simem:s7], [sflag:s8] =	dma.local @!p0 [hbm:s6], $0xF7A  }
0x23: {  	s9 =	sor.u32 $0xD0000000, s2;
	s6 =	simm.s32 $0x108;
	_ =	swait.ge @!p0 [sflag:s8], $0x0  }
0x24: {  	s3 =	sadd.s32 $0x88, s3;
	s6 =	simm.s32 @!p1 $0x1082;
	[sflag:s4] =	ssyncset.s32 $0xFFFFF086  }
0x25: {  	[simem:s6], [sflag:s4] =	dma.local [hbm:s3], $0xF7A  }
0x26: {  	[smem:$0x3F9B] =	sst s1;
	(tag) =	ssettag s2;
	_ =	strace s9  }
0x27: {  	s1 =	sld [smem:$0x3FAB]  }
0x28: {  	s2 =	sld [smem:$0x3FAC]  }
0x29: {  	s4 =	sld [smem:$0x3FAE]  }
0x2a: {  	p0 =	seq.s32 s5, $0x0;
	s5 =	sld [smem:$0x3FAF]  }
0x2b: {  	s6 =	sld [smem:$0x3FB0]  }
0x2c: {  	s7 =	sld [smem:$0x3FB1]  }
0x2d: {  	s3 =	simm.s32 $0x108;
	s8 =	sld [smem:$0x3FB2]  }
0x2e: {  	s3 =	simm.s32 @!p0 $0x1082;
	s9 =	sld [smem:$0x3FB3]  }
0x2f: {  	lr =	sadd.s32 s0, s3;
	s0 =	sld [smem:$0x3FAA]  }
0x30: {  	s3 =	sld [smem:$0x3FAD]  }
0x31: {  	[smem:$0x3FB6] =	sst s10  }
0x32: {  	s10 =	sld [smem:$0x3FB4];
	_ =	sdelay $0x3  }
0x33: {  	p0 =	seq.s32 s10, $0x1;
	s10 =	sld [smem:$0x3FB6];
	_ =	sdelay $0x3  }
0x34: {  	[smem:$0x3FB6] =	sst s10  }
0x35: {  	s10 =	sld [smem:$0x3FB5];
	_ =	sdelay $0x3  }
0x36: {  	p1 =	seq.s32 s10, $0x1;
	s10 =	sld [smem:$0x3FB6];
	_ =	sdelay $0x3  }
0x37: {  	[smem:$0x3FB6] =	sst s10  }
0x38: {  	s10 =	sld [smem:$0x3FB7]  }
0x39: {  	_ = 	snop;
	(pc) =	sbr.ind lr, $3  }
0x3a: {  	_ = 	snop  }
0x3b: {  	_ = 	snop  }
0x3c: {  	p2 =	seq.s32 s10, $0x1;
	s10 =	sld [smem:$0x3FB6]  }
0x3d: {  	_ =	shalt  }
0x3e: {  	_ =	shalt  }
0x3f: {  	_ =	shalt  }
0x40: {  	_ =	shalt  }
0x41: {  	_ =	shalt  }
0x42: {  	_ =	shalt  }
0x43: {  	_ =	shalt  }
0x44: {  	_ =	shalt  }
0x45: {  	_ =	shalt  }
0x46: {  	_ =	shalt  }
0x47: {  	_ =	shalt  }
0x48: {  	_ =	shalt  }
0x49: {  	_ =	shalt  }
0x4a: {  	_ =	shalt  }
0x4b: {  	_ =	shalt  }
0x4c: {  	_ =	shalt  }
0x4d: {  	_ =	shalt  }
0x4e: {  	_ =	shalt  }
0x4f: {  	_ =	shalt  }
0x50: {  	_ =	shalt  }
0x51: {  	_ =	shalt  }
0x52: {  	_ =	shalt  }
0x53: {  	_ =	shalt  }
0x54: {  	_ =	shalt  }
0x55: {  	_ =	shalt  }
0x56: {  	_ =	shalt  }
0x57: {  	_ =	shalt  }
0x58: {  	_ =	shalt  }
0x59: {  	_ =	shalt  }
0x5a: {  	_ =	shalt  }
0x5b: {  	_ =	shalt  }
0x5c: {  	_ =	shalt  }
0x5d: {  	_ =	shalt  }
0x5e: {  	_ =	shalt  }
0x5f: {  	_ =	shalt  }
0x60: {  	_ =	shalt  }
0x61: {  	_ =	shalt  }
0x62: {  	_ =	shalt  }
0x63: {  	_ =	shalt  }
0x64: {  	_ =	shalt  }
0x65: {  	_ =	shalt  }
0x66: {  	_ =	shalt  }
0x67: {  	_ =	shalt  }
0x68: {  	_ =	shalt  }
0x69: {  	_ =	shalt  }
0x6a: {  	_ =	shalt  }
0x6b: {  	_ =	shalt  }
0x6c: {  	_ =	shalt  }
0x6d: {  	_ =	shalt  }
0x6e: {  	_ =	shalt  }
0x6f: {  	_ =	shalt  }
0x70: {  	_ =	shalt  }
0x71: {  	_ =	shalt  }
0x72: {  	_ =	shalt  }
0x73: {  	_ =	shalt  }
0x74: {  	_ =	shalt  }
0x75: {  	_ =	shalt  }
0x76: {  	_ =	shalt  }
0x77: {  	_ =	shalt  }
0x78: {  	_ =	shalt  }
0x79: {  	_ =	shalt  }
0x7a: {  	_ =	shalt  }
0x7b: {  	_ =	shalt  }
0x7c: {  	_ =	shalt  }
0x7d: {  	_ =	shalt  }
0x7e: {  	_ =	shalt  }
0x7f: {  	_ =	shalt  }
0x80: {  	_ =	shalt  }
0x81: {  	_ =	shalt  }
0x82: {  	_ =	shalt  }
0x83: {  	_ =	shalt  }
0x84: {  	_ =	shalt  }
0x85: {  	_ =	shalt  }
0x86: {  	_ =	shalt  }
0x87: {  	_ =	shalt  }
.Lfunc_end0:
.L_simem_size_0:
called_computation.2_lowered:
.L_overlay_start_0:
0x88: {  	s2 =	sld [smem:$0x3FD9]  }
0x89: {  	s3 =	sld [smem:$0x3FFE];
	_ =	sdelay $0x1  }
0x8a: {  	s1 =	srdreg.scid  }
0x8b: {  	s0 =	sand.u32 $0x1, s1  }
0x8c: {  	s17 =	sshll.u32 s0, $0xA;
	s2 =	sadd.s32 s3, s2  }
0x8d: {  	s2 =	sadd.s32 s2, s17  }
0x8e: {  	[smem:$0x3FC2] =	sst s2  }
0x8f: {  	_ = 	snop  }
0x90: {  	s2 =	sld [smem:$0x3FD0];
	(tm) =	ssettm $0x1  }
0x91: {  	s18 =	sld [smem:$0x3FFB];
	_ =	sdelay $0x3  }
0x92: {  	_ =	strace s18  }
0x93: {  	s3 =	sld [smem:$0x3FFC];
	_ =	sdelay $0x3  }
0x94: {  	_ =	strace s3  }
0x95: {  	s3 =	sld [smem:$0x3FFD];
	_ =	sdelay $0x3  }
0x96: {  	_ =	strace s3  }
0x97: {  	_ =	strace $0x8FFFFFFF  }
0x98: {  	s19 =	sld [smem:$0x3FDB];
	_ =	sdelay $0x1  }
0x99: {  	s4 =	simm.s32 $_scs_section_size  }
0x9a: {  	s5 =	simm.s32 $_size__tile_overlayer_lowered;
	s6 =	simm.s32 $_tile_overlayer_lowered  }
0x9b: {  	s22 =	simm.s32 $0x1BFF;
	s21 =	sshll.u32 s6, $0x1;
	s3 =	sadd.s32 s4, s19  }
0x9c: {  	s7 =	simm.s32 $0x0;
	s20 =	sshll.u32 s5, $0x1;
	s5 =	sadd.s32 s21, s3  }
0x9d: {  	[timem:s7], [sflag:s22] =	dma.local [hbm:s5], s20  }
0x9e: {  	_ =	swait.ge [sflag:s22], s20  }
0x9f: {  	s4 =	ssub.s32 $0x0, s20;
	[sflag:s22] =	ssyncset.done $0x0  }
0xa0: {  	[sflag:s22] =	ssyncadd.s32 s4;
	_ =	sdelay $0x1  }
0xa1: {  	s23 =	simm.s32 $0x1B8B  }
0xa2: {  	_ =	swait.ge [sflag:s23], $0x1  }
0xa3: {  	[sflag:s23] =	ssyncset.done $0x0  }
0xa4: {  	s25 =	simm.s32 $0x1B8E;
	s24 =	sld [smem:$0x3FFE];
	[sflag:s23] =	ssyncadd.s32 $0xFFFFFFFF  }
0xa5: {  	s26 =	simm.s32 $execute0_lowered;
	[smem:$0x3FD2] =	sst s25  }
0xa6: {  	s5 =	sshll.u32 s26, $0x1;
	_ =	strace $0x8000004C;
	[dreg:$0x1] =	wrdreg $0xFFFFFFFF  }
0xa7: {  	s28 =	simm.s32 $_size_execute0_lowered;
	s3 =	sadd.s32 s3, s5;
	[dreg:$0x0] =	wrdreg $0x0  }
0xa8: {  	s5 =	sshll.u32 s28, $0x1;
	[dreg:$0x2] =	wrdreg s3  }
0xa9: {  	[dreg:$0x3] =	wrdreg s5  }
0xaa: {  	[dreg:$0x4] =	wrdreg $0xC0  }
0xab: {  	_ =	task [dreg:s7], $0x5FFFF  }
0xac: {  	[dreg:$0x1] =	wrdreg $0xFFFFFFFF  }
0xad: {  	[dreg:$0x0] =	wrdreg $0x60  }
0xae: {  	[dreg:$0x2] =	wrdreg s24  }
0xaf: {  	[dreg:$0x3] =	wrdreg s2  }
0xb0: {  	[dreg:$0x4] =	wrdreg $0xBA000  }
0xb1: {  	[dreg:$0x5] =	wrdreg $0x9  }
0xb2: {  	_ =	task.clear_ibuf [dreg:s7], $0x6FFFF;
	_ =	strace $0x9000004C  }
0xb3: {  	s29 =	simm.s32 $0x9;
	_ =	strace $0x8000004E  }
0xb4: {  	_ =	swait.ge [sflag:s29], $0x1  }
0xb5: {  	[sflag:s29] =	ssyncadd.s32 $0xFFFFFFFF  }
0xb6: {  	_ =	strace $0x9000004E  }
0xb7: {  	_ =	sfence  }
0xb8: {  	s30 =	sld [smem:$0x0];
	_ =	sdelay $0x2  }
0xb9: {  	s31 =	sshll.u32 s1, $0xD;
	s1 =	sshrl.u32 s1, $0x2  }
0xba: {  	s3 =	sand.u32 $0x4000, s31;
	s1 =	sadd.s32 s1, s30  }
0xbb: {  	s0 =	sor.u32 s3, s0;
	s1 =	sshll.u32 s1, $0x11  }
0xbc: {  	s0 =	sor.u32 s1, s0  }
0xbd: {  	s0 =	sadd.s32 $0x8F2B, s0  }
0xbe: {  	[sflag:s0] =	ssyncadd.remote.s32 $0x1  }
0xbf: {  	_ =	sfence.sel $0xFFFF  }
0xc0: {  	[dreg:$0x0] =	wrdreg $0xFFFFFFFF;
	(pc) =	sbr.abs _section_cstart, $3  }
0xc1: {  	[dreg:$0x1] =	wrdreg $0xFFFFFFFF  }
0xc2: {  	_ =	task.clear_ibuf [dreg:s7], $0x2FFFF;
	_ =	strace $0x9FFFFFFF  }
0xc3: {  	(tm) =	ssettm $0x7FFFFFFF  }
tec
execute0_lowered:
.L_overlay_start_1:
0x0: {  	(tag) =	ssettag $0x1  }
0x1: {  	s5 =	rddreg [dreg:$0x0]  }
0x2: {  	s0 =	rddreg [dreg:$0x1]  }
0x3: {  	s1 =	rddreg [dreg:$0x2]  }
0x4: {  	s2 =	srdreg.scid;
	s3 =	simm.s32 $0x0;
	s15 =	stileid.u32  }
0x5: {  	s29 =	simm.s32 $0x3;
	s2 =	sand.u32 $0x1, s2;
	s7 =	smul.u32 $0x14000, s15  }
0x6: {  	[smem:$0x7FF] =	sst s3;
	s4 =	sadd.s32 $0x2400, s5;
	s9 =	smul.u32 $0x50000, s15  }
0x7: {  	s12 =	sshll.u32 s15, $0x1;
	s16 =	smul.u32 $0x2800, s15;
	s8 =	ssub.s32 $0x2, s2  }
0x8: {  	s6 =	smul.u32 $0x140000, s2;
	_ =	strace $0x8000004D;
	s10 =	sshrl.u32 s8, $0x1  }
0x9: {  	p0 =	sne.s32 s2, $0x0;
	s8 =	ssub.s32 s8, s10;
	s10 =	smul.u32 $0x280, s15  }
0xa: {  	s6 =	sadd.s32 s7, s6;
	s7 =	sor.u32 s2, s12;
	s15 =	smul.u32 $0x11600, s15  }
0xb: {  	s13 =	sshrl.u32 s9, $0x2;
	s6 =	sshrl.u32 s6, $0x3;
	s7 =	smul.u32 $0x8B00, s7  }
0xc: {  	s8 =	smax.u32 s8, $0x1;
	s11 =	sadd.s32 s6, s5;
	s5 =	sadd.s32 s13, s1  }
0xd: {  	[dreg:$0x5] =	wrdreg s8;
	s18 =	sor.u32 $0x40, s10;
	s20 =	sadd.s32 $0x80, s10  }
0xe: {  	s23 =	sadd.s32 $0xC0, s10;
	s26 =	sadd.s32 $0x100, s10;
	s8 =	sadd.s32 $0x180, s10  }
0xf: {  	s14 =	sshrl.u32 s7, $0x3;
	s17 =	sadd.s32 $0x2A400, s11;
	s7 =	sadd.s32 s4, s16  }
0x10: {  	s19 =	sshll.u32 s18, $0x7;
	s21 =	sshll.u32 s20, $0x7;
	s22 =	sshll.u32 s20, $0x4  }
0x11: {  	s24 =	sshll.u32 s23, $0x7;
	s11 =	sshll.u32 s23, $0x4;
	s28 =	sshll.u32 s26, $0x7  }
0x12: {  	s23 =	sadd.s32 $0x200, s10;
	s6 =	sadd.s32 s0, s14;
	[dreg:$0x4] =	wrdreg s17  }
0x13: {  	[dreg:$0x6] =	wrdreg s7;
	s7 =	sshll.u32 s18, $0x4;
	s9 =	sadd.s32 s19, s1  }
0x14: {  	s12 =	sadd.s32 s21, s1;
	s13 =	sadd.s32 s24, s1;
	s25 =	sadd.s32 s4, s11  }
0x15: {  	s14 =	sadd.s32 $0x140, s10;
	s17 =	smul.u32 $0x8B00, s2;
	s11 =	sadd.s32 s28, s1  }
0x16: {  	s19 =	sshll.u32 s8, $0x4;
	s21 =	sadd.s32 $0x1C0, s10;
	s24 =	sshll.u32 s23, $0x7  }
0x17: {  	s10 =	sadd.s32 $0x240, s10;
	s7 =	sadd.s32 s4, s7;
	[dreg:$0x9] =	wrdreg s25  }
0x18: {  	s16 =	sshll.u32 s14, $0x7;
	s30 =	sshll.u32 s14, $0x4;
	s25 =	sadd.s32 s24, s1  }
0x19: {  	s14 =	sshll.u32 s23, $0x4;
	s9 =	sshrl.u32 s9, $0x3;
	s31 =	smov.u32 s6  }
0x1a: {  	s23 =	sadd.s32 $0x8000, s5;
	s24 =	sadd.s32 $0xA000, s5;
	[dreg:$0x7] =	wrdreg s7  }
0x1b: {  	s7 =	sadd.s32 s4, s22;
	s16 =	sadd.s32 s16, s1;
	[dreg:$0x11] =	wrdreg s9  }
0x1c: {  	s15 =	sadd.s32 s17, s15;
	s17 =	sshll.u32 s8, $0x7;
	[dreg:$0x1f] =	wrdreg s23  }
0x1d: {  	s22 =	sshll.u32 s21, $0x7;
	s28 =	sadd.s32 s4, s14;
	[smem:$0x7F9] =	sst s24  }
0x1e: {  	s9 =	sadd.s32 $0x80, s6;
	[dreg:$0x8] =	wrdreg s7;
	s7 =	sshll.u32 s26, $0x4  }
0x1f: {  	s2 =	sadd.s32 s22, s1;
	[dreg:$0xf] =	wrdreg s28;
	s22 =	sadd.s32 $0x6000, s5  }
0x20: {  	s26 =	sshll.u32 s10, $0x7;
	s28 =	sadd.s32 $0x10000, s5;
	[dreg:$0x1e] =	wrdreg s22  }
0x21: {  	s10 =	sshll.u32 s10, $0x4;
	s7 =	sadd.s32 s4, s7;
	[smem:$0x7FC] =	sst s28  }
0x22: {  	s24 =	simm.s32 $0x48;
	s8 =	sadd.s32 s4, s10;
	[dreg:$0xa] =	wrdreg s7  }
0x23: {  	s23 =	simm.s32 $0xC;
	s10 =	sshrl.u32 s12, $0x3;
	[dreg:$0x10] =	wrdreg s8  }
0x24: {  	s15 =	sadd.s32 $0x500, s15;
	s12 =	sshrl.u32 s13, $0x3;
	[dreg:$0x12] =	wrdreg s10  }
0x25: {  	s18 =	sadd.s32 s17, s1;
	s13 =	sshrl.u32 s11, $0x3;
	[dreg:$0x13] =	wrdreg s12  }
0x26: {  	s20 =	sshrl.u32 s15, $0x3;
	s15 =	sshrl.u32 s16, $0x3;
	[dreg:$0x14] =	wrdreg s13  }
0x27: {  	s14 =	simm.s32 $0xD;
	s16 =	sshrl.u32 s18, $0x3;
	[dreg:$0x15] =	wrdreg s15  }
0x28: {  	s2 =	sshrl.u32 s2, $0x3;
	s18 =	sadd.s32 $0x20, s6;
	[dreg:$0x16] =	wrdreg s16  }
0x29: {  	s22 =	simm.s32 $0x300;
	s11 =	simm.s32 $0x4;
	[dreg:$0x17] =	wrdreg s2  }
0x2a: {  	s7 =	sadd.s32 s4, s30;
	s0 =	sadd.s32 s20, s0;
	[dreg:$0x1a] =	wrdreg s18  }
0x2b: {  	s30 =	sadd.s32 s26, s1;
	s20 =	sadd.s32 $0x2000, s5;
	[dreg:$0xb] =	wrdreg s7  }
0x2c: {  	s26 =	sadd.s32 $0xE000, s5;
	s13 =	simm.s32 $0x10;
	[dreg:$0xd] =	wrdreg s0  }
0x2d: {  	s2 =	simm.s32 $0xE;
	s15 =	simm.s32 $0xF;
	[dreg:$0x1c] =	wrdreg s20  }
0x2e: {  	s18 =	simm.s32 $0x0;
	s7 =	sadd.s32 s4, s19;
	[smem:$0x7FB] =	sst s26  }
0x2f: {  	s0 =	sshll.u32 s21, $0x4;
	s17 =	sshrl.u32 s30, $0x3;
	[dreg:$0xc] =	wrdreg s7  }
0x30: {  	s19 =	sadd.s32 $0x40, s6;
	s21 =	sadd.s32 $0x4000, s5;
	[dreg:$0x19] =	wrdreg s17  }
0x31: {  	s30 =	sadd.s32 $0x12000, s5;
	s20 =	simm.s32 $0x100;
	[dreg:$0x1b] =	wrdreg s19  }
.Ltmp0:
0x32: {  	s26 =	simm.s32 $0x2;
	[dreg:$0x1d] =	wrdreg s21;
	(pc) =	sbr.rel .LBB2_1-.Ltmp0, $4  }
0x33: {  	s0 =	sadd.s32 s4, s0;
	[smem:$0x7FD] =	sst s30;
	s19 =	simm.s32 $0x1  }
0x34: {  	s21 =	simm.s32 $0x200;
	[dreg:$0xe] =	wrdreg s0;
	s0 =	sshrl.u32 s25, $0x3  }
0x35: {  	s17 =	simm.s32 $0x11;
	s25 =	sadd.s32 $0xC000, s5;
	[dreg:$0x18] =	wrdreg s0  }
0x36: {  	v0 =	vimm.f32 $0.0e+00;
	s0 =	sadd.s32 $0x60, s6;
	[smem:$0x7FA] =	sst s25;
	s25 =	simm.s32 $0x600  }
.LBB2_10:
0x37: {  	_ =	swait.ge [sflag:s13], $0x2400  }
0x38: {  	[sflag:s13] =	ssyncset.done $0x0  }
0x39: {  	[sflag:s13] =	ssyncadd.s32 $0xFFFFDC00  }
0x3a: {  	_ =	swait.ge [sflag:s23], $0x2400  }
0x3b: {  	[sflag:s23] =	ssyncset.done $0x0  }
0x3c: {  	[sflag:s23] =	ssyncadd.s32 $0xFFFFDC00  }
0x3d: {  	_ =	swait.ge [sflag:s14], $0x2400  }
0x3e: {  	[sflag:s14] =	ssyncset.done $0x0  }
0x3f: {  	[sflag:s14] =	ssyncadd.s32 $0xFFFFDC00  }
0x40: {  	_ =	swait.ge [sflag:s2], $0x2400  }
0x41: {  	[sflag:s2] =	ssyncset.done $0x0  }
0x42: {  	[sflag:s2] =	ssyncadd.s32 $0xFFFFDC00  }
0x43: {  	_ =	swait.ge [sflag:s15], $0x2400  }
0x44: {  	[sflag:s15] =	ssyncset.done $0x0  }
0x45: {  	[sflag:s15] =	ssyncadd.s32 $0xFFFFDC00  }
0x46: {  	[bflag:$0x0] =	sbarrier.arrive $0xFFFF  }
0x47: {  	s6 =	sor.u32 $0x1C11, s28;
	s7 =	rddreg [dreg:$0x4]  }
0x48: {  	[hbm:s7], [sflag:s6] =	dma.local [spmem:s10], $0x2800  }
0x49: {  	_ =	swait.ge [sflag:s17], $0x2800  }
0x4a: {  	s18 =	sadd.s32 $0x1, s18;
	s30 =	rddreg [dreg:$0x5]  }
0x4b: {  	p1 =	sne.s32 s18, s30  }
.Ltmp1:
0x4c: {  	_ = 	snop;
	(pc) =	sbr.rel @!p1 .LBB2_11-.Ltmp1, $3  }
0x4d: {  	_ =	sdelay $0x1  }
0x4e: {  	[sflag:s17] =	ssyncset.done $0x0  }
0x4f: {  	[sflag:s17] =	ssyncadd.s32 $0xFFFFD800  }
.LBB2_1:
.Ltmp2:
0x50: {  	(pc) =	sbr.rel @p0 .LBB2_3-.Ltmp2, $3  }
0x51: {  	_ =	sdelay $0x1  }
0x52: {  	s6 =	stileid.u32  }
0x53: {  	s10 =	sshrl.u32 s5, $0x3;
	s28 =	sshll.u32 s6, $0x6  }
0x54: {  	s12 =	sor.u32 $0x1C01, s28;
	s6 =	rddreg [dreg:$0x6]  }
0x55: {  	[spmem:s10], [sflag:s12] =	dma.local [hbm:s6], $0x400  }
0x56: {  	s6 =	rddreg [dreg:$0x7]  }
0x57: {  	s7 =	rddreg [dreg:$0x11]  }
0x58: {  	[spmem:s7], [sflag:s12] =	dma.local [hbm:s6], $0x400  }
0x59: {  	s6 =	rddreg [dreg:$0x8]  }
0x5a: {  	s7 =	rddreg [dreg:$0x12]  }
0x5b: {  	[spmem:s7], [sflag:s12] =	dma.local [hbm:s6], $0x400  }
0x5c: {  	s6 =	rddreg [dreg:$0x9]  }
0x5d: {  	s7 =	rddreg [dreg:$0x13]  }
0x5e: {  	[spmem:s7], [sflag:s12] =	dma.local [hbm:s6], $0x400  }
0x5f: {  	s6 =	rddreg [dreg:$0xa]  }
0x60: {  	s7 =	rddreg [dreg:$0x14]  }
0x61: {  	[spmem:s7], [sflag:s12] =	dma.local [hbm:s6], $0x400  }
0x62: {  	s6 =	rddreg [dreg:$0xb]  }
0x63: {  	s7 =	rddreg [dreg:$0x15]  }
0x64: {  	[spmem:s7], [sflag:s12] =	dma.local [hbm:s6], $0x400  }
0x65: {  	s6 =	rddreg [dreg:$0xc]  }
0x66: {  	s7 =	rddreg [dreg:$0x16]  }
0x67: {  	[spmem:s7], [sflag:s12] =	dma.local [hbm:s6], $0x400  }
0x68: {  	s6 =	rddreg [dreg:$0xe]  }
0x69: {  	s7 =	rddreg [dreg:$0x17]  }
0x6a: {  	[spmem:s7], [sflag:s12] =	dma.local [hbm:s6], $0x400  }
0x6b: {  	s6 =	rddreg [dreg:$0xf]  }
0x6c: {  	s7 =	rddreg [dreg:$0x18]  }
0x6d: {  	[spmem:s7], [sflag:s12] =	dma.local [hbm:s6], $0x400  }
0x6e: {  	s6 =	rddreg [dreg:$0x10]  }
0x6f: {  	s7 =	rddreg [dreg:$0x19]  }
0x70: {  	[spmem:s7], [sflag:s12] =	dma.local [hbm:s6], $0x400  }
0x71: {  	_ =	swait.ge [sflag:s19], $0x400  }
0x72: {  	[sflag:s19] =	ssyncset.done $0x0  }
0x73: {  	[sflag:s19] =	ssyncadd.s32 $0xFFFFFC00  }
0x74: {  	_ =	swait.ge [sflag:s19], $0x400  }
0x75: {  	[sflag:s19] =	ssyncset.done $0x0  }
0x76: {  	[sflag:s19] =	ssyncadd.s32 $0xFFFFFC00  }
0x77: {  	_ =	swait.ge [sflag:s19], $0x400  }
0x78: {  	[sflag:s19] =	ssyncset.done $0x0  }
0x79: {  	[sflag:s19] =	ssyncadd.s32 $0xFFFFFC00  }
0x7a: {  	_ =	swait.ge [sflag:s19], $0x400  }
0x7b: {  	[sflag:s19] =	ssyncset.done $0x0  }
0x7c: {  	[sflag:s19] =	ssyncadd.s32 $0xFFFFFC00  }
0x7d: {  	_ =	swait.ge [sflag:s19], $0x400  }
0x7e: {  	[sflag:s19] =	ssyncset.done $0x0  }
0x7f: {  	[sflag:s19] =	ssyncadd.s32 $0xFFFFFC00  }
0x80: {  	_ =	swait.ge [sflag:s19], $0x400  }
0x81: {  	[sflag:s19] =	ssyncset.done $0x0  }
0x82: {  	[sflag:s19] =	ssyncadd.s32 $0xFFFFFC00  }
0x83: {  	_ =	swait.ge [sflag:s19], $0x400  }
0x84: {  	[sflag:s19] =	ssyncset.done $0x0  }
0x85: {  	[sflag:s19] =	ssyncadd.s32 $0xFFFFFC00  }
0x86: {  	_ =	swait.ge [sflag:s19], $0x400  }
0x87: {  	[sflag:s19] =	ssyncset.done $0x0  }
0x88: {  	[sflag:s19] =	ssyncadd.s32 $0xFFFFFC00  }
0x89: {  	_ =	swait.ge [sflag:s19], $0x400  }
.Ltmp3:
0x8a: {  	[sflag:s19] =	ssyncset.done $0x0;
	(pc) =	sbr.rel .LBB2_6-.Ltmp3, $4  }
0x8b: {  	[sflag:s19] =	ssyncadd.s32 $0xFFFFFC00  }
0x8c: {  	_ =	swait.ge [sflag:s19], $0x400  }
0x8d: {  	[sflag:s19] =	ssyncset.done $0x0  }
0x8e: {  	[sflag:s19] =	ssyncadd.s32 $0xFFFFFC00  }
.LBB2_3:
0x8f: {  	s12 =	sshra.s32 s3, $0x2;
	s16 =	sadd.s32 $0x200, s3  }
.LBB2_4:
0x90: {  	p1 =	sne.s32 s16, $0x7E00;
	[tilespmem:s12+$0x670] =	vst v0  }
0x91: {  	[tilespmem:s12+$0x600] =	vst v0  }
0x92: {  	[tilespmem:s12+$0x610] =	vst v0  }
.Ltmp4:
0x93: {  	[tilespmem:s12+$0x620] =	vst v0;
	(pc) =	sbr.rel @p1 .LBB2_4-.Ltmp4, $4  }
0x94: {  	[tilespmem:s12+$0x630] =	vst v0  }
0x95: {  	[tilespmem:s12+$0x640] =	vst v0  }
0x96: {  	[tilespmem:s12+$0x650] =	vst v0  }
0x97: {  	[tilespmem:s12+$0x660] =	vst v0;
	s12 =	sshra.s32 s16, $0x2;
	s16 =	sadd.s32 $0x200, s16  }
0x98: {  	[tilespmem:s12+$0x670] =	vst v0  }
0x99: {  	[tilespmem:s12+$0x600] =	vst v0  }
0x9a: {  	[tilespmem:s12+$0x610] =	vst v0  }
0x9b: {  	[tilespmem:s12+$0x620] =	vst v0  }
0x9c: {  	[tilespmem:s12+$0x630] =	vst v0  }
0x9d: {  	[tilespmem:s12+$0x640] =	vst v0  }
0x9e: {  	[tilespmem:s12+$0x650] =	vst v0  }
0x9f: {  	[tilespmem:s12+$0x660] =	vst v0;
	s6 =	rddreg [dreg:$0x1c]  }
0xa0: {  	[spmem:s5] =	stream.linear.scatter [tilespmem:s25], [sflag:$0x1], $0x2000, $0x38;
	[tilespmem:$0x1FA00] =	vst v63  }
0xa1: {  	s12 =	rddreg [dreg:$0x1d]  }
0xa2: {  	[spmem:s6] =	stream.linear.scatter [tilespmem:s25], [sflag:$0x1], $0x2000, $0x38;
	[tilespmem:$0x1FA00] =	vst v63  }
0xa3: {  	s16 =	rddreg [dreg:$0x1e]  }
0xa4: {  	[spmem:s12] =	stream.linear.scatter [tilespmem:s25], [sflag:$0x1], $0x2000, $0x38;
	[tilespmem:$0x1FA00] =	vst v63  }
0xa5: {  	s30 =	rddreg [dreg:$0x1f]  }
0xa6: {  	[spmem:s16] =	stream.linear.scatter [tilespmem:s25], [sflag:$0x1], $0x2000, $0x38;
	[tilespmem:$0x1FA00] =	vst v63  }
0xa7: {  	s7 =	sld [smem:$0x7F9]  }
0xa8: {  	[spmem:s30] =	stream.linear.scatter [tilespmem:s25], [sflag:$0x1], $0x2000, $0x38;
	[tilespmem:$0x1FA00] =	vst v63  }
0xa9: {  	s8 =	sld [smem:$0x7FA]  }
0xaa: {  	[spmem:s7] =	stream.linear.scatter [tilespmem:s25], [sflag:$0x1], $0x2000, $0x38;
	[tilespmem:$0x1FA00] =	vst v63  }
0xab: {  	s12 =	sld [smem:$0x7FB]  }
0xac: {  	[spmem:s8] =	stream.linear.scatter [tilespmem:s25], [sflag:$0x1], $0x2000, $0x38;
	[tilespmem:$0x1FA00] =	vst v63  }
0xad: {  	s16 =	sld [smem:$0x7FC]  }
0xae: {  	[spmem:s12] =	stream.linear.scatter [tilespmem:s25], [sflag:$0x1], $0x2000, $0x38;
	[tilespmem:$0x1FA00] =	vst v63  }
0xaf: {  	s30 =	sld [smem:$0x7FD]  }
0xb0: {  	[spmem:s16] =	stream.linear.scatter [tilespmem:s25], [sflag:$0x1], $0x2000, $0x38;
	[tilespmem:$0x1FA00] =	vst v63  }
0xb1: {  	_ = 	snop  }
0xb2: {  	[spmem:s30] =	stream.linear.scatter [tilespmem:s25], [sflag:$0x1], $0x2000, $0x38;
	[tilespmem:$0x1FA00] =	vst v63  }
0xb3: {  	_ =	swait.ge [sflag:s19], $0x2000  }
0xb4: {  	[sflag:s19] =	ssyncset.done $0x0  }
0xb5: {  	[sflag:s19] =	ssyncadd.s32 $0xFFFFE000  }
0xb6: {  	_ =	swait.ge [sflag:s19], $0x2000  }
0xb7: {  	[sflag:s19] =	ssyncset.done $0x0  }
0xb8: {  	[sflag:s19] =	ssyncadd.s32 $0xFFFFE000  }
0xb9: {  	_ =	swait.ge [sflag:s19], $0x2000  }
0xba: {  	[sflag:s19] =	ssyncset.done $0x0  }
0xbb: {  	[sflag:s19] =	ssyncadd.s32 $0xFFFFE000  }
0xbc: {  	_ =	swait.ge [sflag:s19], $0x2000  }
0xbd: {  	[sflag:s19] =	ssyncset.done $0x0  }
0xbe: {  	[sflag:s19] =	ssyncadd.s32 $0xFFFFE000  }
0xbf: {  	_ =	swait.ge [sflag:s19], $0x2000  }
0xc0: {  	[sflag:s19] =	ssyncset.done $0x0  }
0xc1: {  	[sflag:s19] =	ssyncadd.s32 $0xFFFFE000  }
0xc2: {  	_ =	swait.ge [sflag:s19], $0x2000  }
0xc3: {  	[sflag:s19] =	ssyncset.done $0x0  }
0xc4: {  	[sflag:s19] =	ssyncadd.s32 $0xFFFFE000  }
0xc5: {  	_ =	swait.ge [sflag:s19], $0x2000  }
0xc6: {  	[sflag:s19] =	ssyncset.done $0x0  }
0xc7: {  	[sflag:s19] =	ssyncadd.s32 $0xFFFFE000  }
0xc8: {  	_ =	swait.ge [sflag:s19], $0x2000  }
0xc9: {  	[sflag:s19] =	ssyncset.done $0x0  }
0xca: {  	[sflag:s19] =	ssyncadd.s32 $0xFFFFE000  }
0xcb: {  	_ =	swait.ge [sflag:s19], $0x2000  }
0xcc: {  	[sflag:s19] =	ssyncset.done $0x0  }
0xcd: {  	[sflag:s19] =	ssyncadd.s32 $0xFFFFE000  }
0xce: {  	_ =	swait.ge [sflag:s19], $0x2000  }
0xcf: {  	[sflag:s19] =	ssyncset.done $0x0  }
0xd0: {  	[sflag:s19] =	ssyncadd.s32 $0xFFFFE000  }
.LBB2_6:
0xd1: {  	[bflag:$0x0] =	sbarrier.arrive $0xFFFF;
	s12 =	simm.s32 $0x0  }
0xd2: {  	[tilespmem:s12], [sflag:$0x1] =	stream.linear.gather [hbm4b:s31+s12], $0x100, $0x38;
	[tilespmem:$0x1FA00] =	vst v63  }
0xd3: {  	s6 =	rddreg [dreg:$0x1a]  }
0xd4: {  	[tilespmem:s20], [sflag:$0x2] =	stream.linear.gather [hbm4b:s6+s12], $0x100, $0x38;
	[tilespmem:$0x1FA00] =	vst v63  }
0xd5: {  	s30 =	rddreg [dreg:$0x1b]  }
0xd6: {  	[tilespmem:s21], [sflag:$0x3] =	stream.linear.gather [hbm4b:s30+s12], $0x100, $0x38;
	[tilespmem:$0x1FA00] =	vst v63  }
0xd7: {  	_ = 	snop  }
0xd8: {  	[tilespmem:s22], [sflag:$0x4] =	stream.linear.gather [hbm4b:s0+s12], $0x100, $0x38;
	[tilespmem:$0x1FA00] =	vst v63  }
0xd9: {  	s7 =	simm.s32 $0x400  }
0xda: {  	[tilespmem:s7], [sflag:$0x5] =	stream.linear.gather [hbm4b:s9+s12], $0x100, $0x38;
	[tilespmem:$0x1FA00] =	vst v63  }
0xdb: {  	_ =	swait.ge [sflag:s19], $0x100  }
0xdc: {  	[sflag:s19] =	ssyncset.done $0x0  }
0xdd: {  	[sflag:s19] =	ssyncadd.s32 $0xFFFFFF00  }
0xde: {  	[tilespmem:s25], [sflag:$0x7] =	stream.indirect.gather [hbm4b:s4+s24], $0x80, s12, s24, $0xb8;
	[tilespmem:$0x1FA00] =	vst v63  }
0xdf: {  	_ =	swait.ge [sflag:s26], $0x100  }
0xe0: {  	[sflag:s26] =	ssyncset.done $0x0  }
0xe1: {  	s8 =	simm.s32 $0x2A00;
	[sflag:s26] =	ssyncadd.s32 $0xFFFFFF00  }
0xe2: {  	[tilespmem:s8], [sflag:$0x8] =	stream.indirect.gather [hbm4b:s4+s24], $0x80, s20, s24, $0xb8;
	[tilespmem:$0x1FA00] =	vst v63  }
0xe3: {  	_ =	swait.ge [sflag:s29], $0x100  }
0xe4: {  	[sflag:s29] =	ssyncset.done $0x0  }
0xe5: {  	s16 =	simm.s32 $0x4E00;
	[sflag:s29] =	ssyncadd.s32 $0xFFFFFF00  }
0xe6: {  	[tilespmem:s16], [sflag:$0x9] =	stream.indirect.gather [hbm4b:s4+s24], $0x80, s21, s24, $0xb8;
	[tilespmem:$0x1FA00] =	vst v63  }
.Ltmp5:
0xe7: {  	_ = 	snop;
	(pc) =	sbr.rel .LBB2_7-.Ltmp5, $4  }
0xe8: {  	_ =	swait.ge [sflag:s11], $0x100  }
0xe9: {  	[sflag:s11] =	ssyncset.done $0x0  }
0xea: {  	s30 =	simm.s32 $0x7200;
	s16 =	rddreg [dreg:$0xd];
	[sflag:s11] =	ssyncadd.s32 $0xFFFFFF00  }
0xeb: {  	[tilespmem:s30], [sflag:$0xA] =	stream.indirect.gather [hbm4b:s4+s24], $0x80, s22, s24, $0xb8;
	[tilespmem:$0x1FA00] =	vst v63  }
.LBB2_9:
0xec: {  	s6 =	smul.u32 $0xCD, s12  }
0xed: {  	s7 =	smul.u32 $0xAB, s12  }
0xee: {  	s6 =	sshrl.u32 s6, $0xA  }
0xef: {  	s7 =	sshrl.u32 s7, $0xA;
	s6 =	sand.u32 $0x3F, s6  }
0xf0: {  	s7 =	sand.u32 $0x3F, s7;
	s6 =	smul.u32 $0x5, s6  }
0xf1: {  	s7 =	smul.u32 $0x6, s7  }
0xf2: {  	s6 =	ssub.s32 s12, s6  }
0xf3: {  	s7 =	ssub.s32 s12, s7;
	s12 =	sadd.s32 $0x1, s12;
	s6 =	sand.u32 $0xFF, s6  }
0xf4: {  	p1 =	sne.s32 s12, $0x8B;
	s30 =	smul.u32 $0x9000, s6  }
.Ltmp6:
0xf5: {  	s7 =	sand.u32 $0xFF, s7;
	s8 =	sadd.s32 $0x7, s6;
	(pc) =	sbr.rel @!p1 .LBB2_10-.Ltmp6, $4  }
0xf6: {  	s16 =	sadd.s32 $0x20, s16;
	s7 =	sshll.u32 s7, $0x8;
	_ =	swait.ge [sflag:s8], $0x2400  }
0xf7: {  	s6 =	sadd.s32 $0xC, s6;
	[sflag:s8] =	ssyncset.done $0x0;
	s30 =	sshrl.u32 s30, $0x2  }
0xf8: {  	s7 =	sor.u32 $0x80, s7;
	[sflag:s8] =	ssyncadd.s32 $0xFFFFDC00;
	s8 =	sadd.s32 $0x600, s30  }
0xf9: {  	[spmem:s1] =	stream.indirect.scatter.add.f32 [tilespmem:s8], [sflag:s6], $0x80, s7, s24, $0xb8;
	[tilespmem:$0x1FA00] =	vst v63  }
.LBB2_7:
0xfa: {  	p1 =	sgt.u32 s12, $0x86  }
.Ltmp7:
0xfb: {  	_ = 	snop;
	(pc) =	sbr.rel @p1 .LBB2_9-.Ltmp7, $1  }
0xfc: {  	_ =	sdelay $0x3  }
0xfd: {  	p1 =	seq.s32 s12, $0x0  }
0xfe: {  	s8 =	sadd.s32 @!p1 $0xFFFFFFFF, s12  }
0xff: {  	s6 =	sand.u32 @!p1 $0xFF, s8  }
0x100: {  	s6 =	smul.u32 @!p1 $0xCD, s6;
	_ =	sdelay $0x1  }
0x101: {  	s6 =	sshrl.u32 @!p1 s6, $0xA  }
0x102: {  	s6 =	smul.u32 @!p1 $0x5, s6;
	_ =	sdelay $0x1  }
0x103: {  	s6 =	ssub.s32 @!p1 s8, s6  }
0x104: {  	s6 =	sand.u32 @!p1 $0xFF, s6  }
0x105: {  	s6 =	sadd.s32 @!p1 $0xC, s6  }
0x106: {  	p2 =	seq.s32 @!p1 s12, $0x86;
	_ =	swait.ge @!p1 [sflag:s6], $0x2400  }
0x107: {  	p2 =	por p1, !p2;
	[sflag:s6] =	ssyncset.done @!p1 $0x0  }
0x108: {  	[sflag:s6] =	ssyncadd.s32 @!p1 $0xFFFFDC00;
	s6 =	sadd.s32 @p2 $0x5, s12  }
0x109: {  	s8 =	smul.u32 @p2 $0xAB, s6;
	_ =	sdelay $0x1  }
0x10a: {  	s8 =	sshrl.u32 @p2 s8, $0xA  }
0x10b: {  	s8 =	sand.u32 @p2 $0x3F, s8  }
0x10c: {  	s8 =	smul.u32 @p2 $0x6, s8;
	_ =	sdelay $0x1  }
0x10d: {  	s6 =	ssub.s32 @p2 s6, s8  }
0x10e: {  	s6 =	sand.u32 @p2 $0xFF, s6  }
0x10f: {  	s8 =	sshll.u32 @p2 s6, $0x8;
	s6 =	sadd.s32 @p2 $0x1, s6  }
0x110: {  	[tilespmem:s8], [sflag:s6] =	stream.linear.gather @p2 [hbm4b:s16+s3], $0x100, $0x38;
	[tilespmem:$0x1FA00] =	vst v63  }
0x111: {  	s6 =	sadd.s32 $0x4, s12  }
0x112: {  	s30 =	sand.u32 $0xFF, s6  }
0x113: {  	s7 =	smul.u32 $0xAB, s30  }
0x114: {  	s8 =	smul.u32 $0xCD, s30  }
0x115: {  	s7 =	sshrl.u32 s7, $0xA  }
0x116: {  	s8 =	sshrl.u32 s8, $0xA;
	s7 =	smul.u32 $0x6, s7  }
0x117: {  	s8 =	smul.u32 $0x5, s8;
	_ =	sdelay $0x1  }
0x118: {  	s7 =	ssub.s32 s6, s7;
	s6 =	ssub.s32 s6, s8  }
0x119: {  	s6 =	sand.u32 $0xFF, s6  }
0x11a: {  	s7 =	sand.u32 $0xFF, s7;
	s30 =	smul.u32 $0x9000, s6  }
.Ltmp8:
0x11b: {  	s8 =	sadd.s32 $0x1, s7;
	(pc) =	sbr.rel .LBB2_9-.Ltmp8, $4  }
0x11c: {  	_ =	swait.ge [sflag:s8], $0x100  }
0x11d: {  	s7 =	sshll.u32 s7, $0x8;
	[sflag:s8] =	ssyncset.done $0x0;
	s30 =	sshrl.u32 s30, $0x2  }
0x11e: {  	s6 =	sadd.s32 $0x7, s6;
	[sflag:s8] =	ssyncadd.s32 $0xFFFFFF00;
	s8 =	sadd.s32 $0x600, s30  }
0x11f: {  	[tilespmem:s8], [sflag:s6] =	stream.indirect.gather [hbm4b:s4+s24], $0x80, s7, s24, $0xb8;
	[tilespmem:$0x1FA00] =	vst v63  }
.LBB2_11:
0x120: {  	_ =	sfence.sel $0x180000  }
0x121: {  	[bflag:$0x0] =	sbarrier.arrive $0xFFFF  }
0x122: {  	_ =	strace $0x9000004D  }
0x123: {  	s0 =	stileid.u32;
	[bflag:$0x2] =	sbarrier.arrive $0xFFFF  }
0x124: {  	p0 =	sne.s32 s0, $0x0;
	s0 =	rddreg [dreg:$0x3]  }
0x125: {  	s0 =	sadd.s32 @!p0 $0x100000, s0  }
0x126: {  	[sflag:s0] =	ssyncadd.tile.s32 @!p0 $0x1;
	_ =	shalt  }
.Lfunc_end2:
_tile_overlayer_lowered:
.L_overlay_start_2:
0x127: {  	(tag) =	ssettag $0x2  }
0x128: {  	s0 =	rddreg [dreg:$0x0];
	s2 =	stileid.u32  }
0x129: {  	s1 =	rddreg [dreg:$0x1];
	p0 =	sne.s32 s2, $0x0  }
0x12a: {  	s3 =	rddreg [dreg:$0x2];
	[bflag:$0x3] =	sbarrier.arrive $0xFFFF;
	s2 =	simm.s32 @!p0 $0x1C11  }
0x12b: {  	[timem:s3], [sflag:s2] =	dma.local @!p0 [hbm:s0], s1  }
0x12c: {  	s0 =	simm.s32 @!p0 $0x11  }
0x12d: {  	_ =	swait.ge @!p0 [sflag:s0], s1  }
0x12e: {  	s1 =	ssub.s32 @!p0 $0x0, s1;
	[sflag:s0] =	ssyncset.done @!p0 $0x0  }
0x12f: {  	[sflag:s0] =	ssyncadd.s32 @!p0 s1  }
0x130: {  	[bflag:$0x3] =	sbarrier.arrive $0xFFFF  }
0x131: {  	_ =	shalt  }

// kernel: kernel.8.cloned.1.call-start
scs
__scs_entry_jumppad:
0x0: {  	(pc) =	sbr.rel $0x88, $3  }
0x1: {  	(tag) =	ssettag $0x0;
	lr =	simm.s32 $0x1  }
0x2: {  	[smem:$0x3F9B] =	sst lr;
	_ =	strace $0xD0000000  }
0x3: {  	_ = 	snop  }
0x4: {  	_ = 	snop  }
0x5: {  	_ = 	snop  }
0x6: {  	_ = 	snop  }
0x7: {  	_ = 	snop  }
__scs_overlays_trampoline_lowered:
0x8: {  	[smem:$0x3FAA] =	sst s0  }
0x9: {  	[smem:$0x3FAB] =	sst s1  }
0xa: {  	[smem:$0x3FAC] =	sst s2  }
0xb: {  	[smem:$0x3FAD] =	sst s3  }
0xc: {  	[smem:$0x3FAE] =	sst s4  }
0xd: {  	[smem:$0x3FAF] =	sst s5  }
0xe: {  	[smem:$0x3FB0] =	sst s6  }
0xf: {  	[smem:$0x3FB1] =	sst s7  }
0x10: {  	[smem:$0x3FB2] =	sst s8  }
0x11: {  	[smem:$0x3FB3] =	sst s9;
	s0 =	simm.s32 @!p0 $0x0  }
0x12: {  	s1 =	sld [smem:$0x3F99];
	s0 =	simm.s32 @p0 $0x1  }
0x13: {  	[smem:$0x3FB4] =	sst s0;
	s0 =	simm.s32 @!p1 $0x0  }
0x14: {  	s2 =	sld [smem:$0x3F98];
	s0 =	simm.s32 @p1 $0x1  }
0x15: {  	[smem:$0x3FB5] =	sst s0;
	s0 =	simm.s32 @!p2 $0x0  }
0x16: {  	s3 =	sld [smem:$0x3FDB];
	s0 =	simm.s32 @p2 $0x1  }
0x17: {  	s4 =	simm.s32 $0x1BF5;
	[smem:$0x3FB7] =	sst s0  }
0x18: {  	s0 =	sld [smem:$0x3F9A];
	_ =	swait.ge [sflag:s4], $0x0  }
0x19: {  	s7 =	sld [smem:$0x3F9B]  }
0x1a: {  	s8 =	sadd.s32 $0xFFFFE003, lr  }
0x1b: {  	s9 =	sadd.s32 $0xFFFFFEF7, lr;
	s5 =	simm.s32 $0xFFFFFFFF;
	p2 =	slt.u32 s8, $0xFFFFF086  }
0x1c: {  	p1 =	slt.u32 s9, $0xF7A;
	s5 =	simm.s32 @!p2 $0x0  }
0x1d: {  	s5 =	simm.s32 @p1 $0x1;
	p0 =	seq.s32 s7, s2  }
0x1e: {  	s7 =	smul.u32 @!p0 $0xF7A, s2;
	p2 =	seq.s32 @!p0 s5, $0x0  }
0x1f: {  	s9 =	smul.u32 $0xF7A, s1;
	s8 =	simm.s32 @!p0 $0x1BF5;
	p2 =	por !p2, p0  }
0x20: {  	[sflag:s8] =	ssyncset.s32 @!p0 $0xFFFFF086;
	s6 =	sadd.s32 @!p0 s3, s7;
	s7 =	simm.s32 @!p0 $0x108  }
0x21: {  	s3 =	sadd.s32 s3, s9;
	s6 =	sadd.s32 @!p0 $0x88, s6;
	s7 =	simm.s32 @p2 $0x1082  }
0x22: {  	[simem:s7], [sflag:s8] =	dma.local @!p0 [hbm:s6], $0xF7A  }
0x23: {  	s9 =	sor.u32 $0xD0000000, s2;
	s6 =	simm.s32 $0x108;
	_ =	swait.ge @!p0 [sflag:s8], $0x0  }
0x24: {  	s3 =	sadd.s32 $0x88, s3;
	s6 =	simm.s32 @!p1 $0x1082;
	[sflag:s4] =	ssyncset.s32 $0xFFFFF086  }
0x25: {  	[simem:s6], [sflag:s4] =	dma.local [hbm:s3], $0xF7A  }
0x26: {  	[smem:$0x3F9B] =	sst s1;
	(tag) =	ssettag s2;
	_ =	strace s9  }
0x27: {  	s1 =	sld [smem:$0x3FAB]  }
0x28: {  	s2 =	sld [smem:$0x3FAC]  }
0x29: {  	s4 =	sld [smem:$0x3FAE]  }
0x2a: {  	p0 =	seq.s32 s5, $0x0;
	s5 =	sld [smem:$0x3FAF]  }
0x2b: {  	s6 =	sld [smem:$0x3FB0]  }
0x2c: {  	s7 =	sld [smem:$0x3FB1]  }
0x2d: {  	s3 =	simm.s32 $0x108;
	s8 =	sld [smem:$0x3FB2]  }
0x2e: {  	s3 =	simm.s32 @!p0 $0x1082;
	s9 =	sld [smem:$0x3FB3]  }
0x2f: {  	lr =	sadd.s32 s0, s3;
	s0 =	sld [smem:$0x3FAA]  }
0x30: {  	s3 =	sld [smem:$0x3FAD]  }
0x31: {  	[smem:$0x3FB6] =	sst s10  }
0x32: {  	s10 =	sld [smem:$0x3FB4];
	_ =	sdelay $0x3  }
0x33: {  	p0 =	seq.s32 s10, $0x1;
	s10 =	sld [smem:$0x3FB6];
	_ =	sdelay $0x3  }
0x34: {  	[smem:$0x3FB6] =	sst s10  }
0x35: {  	s10 =	sld [smem:$0x3FB5];
	_ =	sdelay $0x3  }
0x36: {  	p1 =	seq.s32 s10, $0x1;
	s10 =	sld [smem:$0x3FB6];
	_ =	sdelay $0x3  }
0x37: {  	[smem:$0x3FB6] =	sst s10  }
0x38: {  	s10 =	sld [smem:$0x3FB7]  }
0x39: {  	_ = 	snop;
	(pc) =	sbr.ind lr, $3  }
0x3a: {  	_ = 	snop  }
0x3b: {  	_ = 	snop  }
0x3c: {  	p2 =	seq.s32 s10, $0x1;
	s10 =	sld [smem:$0x3FB6]  }
0x3d: {  	_ =	shalt  }
0x3e: {  	_ =	shalt  }
0x3f: {  	_ =	shalt  }
0x40: {  	_ =	shalt  }
0x41: {  	_ =	shalt  }
0x42: {  	_ =	shalt  }
0x43: {  	_ =	shalt  }
0x44: {  	_ =	shalt  }
0x45: {  	_ =	shalt  }
0x46: {  	_ =	shalt  }
0x47: {  	_ =	shalt  }
0x48: {  	_ =	shalt  }
0x49: {  	_ =	shalt  }
0x4a: {  	_ =	shalt  }
0x4b: {  	_ =	shalt  }
0x4c: {  	_ =	shalt  }
0x4d: {  	_ =	shalt  }
0x4e: {  	_ =	shalt  }
0x4f: {  	_ =	shalt  }
0x50: {  	_ =	shalt  }
0x51: {  	_ =	shalt  }
0x52: {  	_ =	shalt  }
0x53: {  	_ =	shalt  }
0x54: {  	_ =	shalt  }
0x55: {  	_ =	shalt  }
0x56: {  	_ =	shalt  }
0x57: {  	_ =	shalt  }
0x58: {  	_ =	shalt  }
0x59: {  	_ =	shalt  }
0x5a: {  	_ =	shalt  }
0x5b: {  	_ =	shalt  }
0x5c: {  	_ =	shalt  }
0x5d: {  	_ =	shalt  }
0x5e: {  	_ =	shalt  }
0x5f: {  	_ =	shalt  }
0x60: {  	_ =	shalt  }
0x61: {  	_ =	shalt  }
0x62: {  	_ =	shalt  }
0x63: {  	_ =	shalt  }
0x64: {  	_ =	shalt  }
0x65: {  	_ =	shalt  }
0x66: {  	_ =	shalt  }
0x67: {  	_ =	shalt  }
0x68: {  	_ =	shalt  }
0x69: {  	_ =	shalt  }
0x6a: {  	_ =	shalt  }
0x6b: {  	_ =	shalt  }
0x6c: {  	_ =	shalt  }
0x6d: {  	_ =	shalt  }
0x6e: {  	_ =	shalt  }
0x6f: {  	_ =	shalt  }
0x70: {  	_ =	shalt  }
0x71: {  	_ =	shalt  }
0x72: {  	_ =	shalt  }
0x73: {  	_ =	shalt  }
0x74: {  	_ =	shalt  }
0x75: {  	_ =	shalt  }
0x76: {  	_ =	shalt  }
0x77: {  	_ =	shalt  }
0x78: {  	_ =	shalt  }
0x79: {  	_ =	shalt  }
0x7a: {  	_ =	shalt  }
0x7b: {  	_ =	shalt  }
0x7c: {  	_ =	shalt  }
0x7d: {  	_ =	shalt  }
0x7e: {  	_ =	shalt  }
0x7f: {  	_ =	shalt  }
0x80: {  	_ =	shalt  }
0x81: {  	_ =	shalt  }
0x82: {  	_ =	shalt  }
0x83: {  	_ =	shalt  }
0x84: {  	_ =	shalt  }
0x85: {  	_ =	shalt  }
0x86: {  	_ =	shalt  }
0x87: {  	_ =	shalt  }
.Lfunc_end0:
.L_simem_size_0:
called_computation_lowered:
.L_overlay_start_0:
0x88: {  	s2 =	sld [smem:$0x3FD9]  }
0x89: {  	s3 =	sld [smem:$0x3FFE];
	_ =	sdelay $0x1  }
0x8a: {  	s1 =	srdreg.scid  }
0x8b: {  	s0 =	sand.u32 $0x1, s1  }
0x8c: {  	s16 =	sshll.u32 s0, $0xA;
	s2 =	sadd.s32 s3, s2  }
0x8d: {  	s2 =	sadd.s32 s2, s16  }
0x8e: {  	[smem:$0x3FC2] =	sst s2  }
0x8f: {  	_ = 	snop  }
0x90: {  	(tm) =	ssettm $0x1  }
0x91: {  	s17 =	sld [smem:$0x3FFB];
	_ =	sdelay $0x3  }
0x92: {  	_ =	strace s17  }
0x93: {  	s2 =	sld [smem:$0x3FFC];
	_ =	sdelay $0x3  }
0x94: {  	_ =	strace s2  }
0x95: {  	s2 =	sld [smem:$0x3FFD];
	_ =	sdelay $0x3  }
0x96: {  	_ =	strace s2  }
0x97: {  	_ =	strace $0x8FFFFFFF  }
0x98: {  	s18 =	sld [smem:$0x3FDB];
	_ =	sdelay $0x1  }
0x99: {  	s19 =	simm.s32 $_scs_section_size  }
0x9a: {  	s4 =	simm.s32 $_size__tile_overlayer_lowered;
	s5 =	simm.s32 $_tile_overlayer_lowered  }
0x9b: {  	s22 =	simm.s32 $0x1BFF;
	s21 =	sshll.u32 s5, $0x1;
	s2 =	sadd.s32 s19, s18  }
0x9c: {  	s6 =	simm.s32 $0x0;
	s20 =	sshll.u32 s4, $0x1;
	s4 =	sadd.s32 s21, s2  }
0x9d: {  	[timem:s6], [sflag:s22] =	dma.local [hbm:s4], s20  }
0x9e: {  	_ =	swait.ge [sflag:s22], s20  }
0x9f: {  	s3 =	ssub.s32 $0x0, s20;
	[sflag:s22] =	ssyncset.done $0x0  }
0xa0: {  	[sflag:s22] =	ssyncadd.s32 s3;
	_ =	sdelay $0x1  }
0xa1: {  	s23 =	simm.s32 $0x1B8B  }
0xa2: {  	_ =	swait.ge [sflag:s23], $0x1  }
0xa3: {  	[sflag:s23] =	ssyncset.done $0x0  }
0xa4: {  	s25 =	simm.s32 $0x1B8E;
	s24 =	sld [smem:$0x3FFE];
	[sflag:s23] =	ssyncadd.s32 $0xFFFFFFFF  }
0xa5: {  	s26 =	simm.s32 $execute0_lowered;
	[smem:$0x3FD2] =	sst s25  }
0xa6: {  	s4 =	sshll.u32 s26, $0x1;
	_ =	strace $0x80000046;
	[dreg:$0x1] =	wrdreg $0xFFFFFFFF  }
0xa7: {  	s28 =	simm.s32 $_size_execute0_lowered;
	s2 =	sadd.s32 s2, s4;
	[dreg:$0x0] =	wrdreg $0x0  }
0xa8: {  	s4 =	sshll.u32 s28, $0x1;
	[dreg:$0x2] =	wrdreg s2  }
0xa9: {  	[dreg:$0x3] =	wrdreg s4  }
0xaa: {  	[dreg:$0x4] =	wrdreg $0xC0  }
0xab: {  	_ =	task [dreg:s6], $0x5FFFF  }
0xac: {  	[dreg:$0x1] =	wrdreg $0xFFFFFFFF  }
0xad: {  	[dreg:$0x0] =	wrdreg $0x60  }
0xae: {  	[dreg:$0x2] =	wrdreg s24  }
0xaf: {  	[dreg:$0x3] =	wrdreg $0x43000  }
0xb0: {  	[dreg:$0x4] =	wrdreg $0x9  }
0xb1: {  	_ =	task.clear_ibuf [dreg:s6], $0x5FFFF;
	_ =	strace $0x90000046  }
0xb2: {  	s29 =	simm.s32 $0x9;
	_ =	strace $0x80000048  }
0xb3: {  	_ =	swait.ge [sflag:s29], $0x1  }
0xb4: {  	[sflag:s29] =	ssyncadd.s32 $0xFFFFFFFF  }
0xb5: {  	_ =	strace $0x90000048  }
0xb6: {  	_ =	sfence  }
0xb7: {  	s30 =	sld [smem:$0x0];
	_ =	sdelay $0x2  }
0xb8: {  	s31 =	sshll.u32 s1, $0xD;
	s1 =	sshrl.u32 s1, $0x2  }
0xb9: {  	s3 =	sand.u32 $0x4000, s31;
	s1 =	sadd.s32 s1, s30  }
0xba: {  	s0 =	sor.u32 s3, s0;
	s1 =	sshll.u32 s1, $0x11  }
0xbb: {  	s0 =	sor.u32 s1, s0  }
0xbc: {  	s0 =	sadd.s32 $0x8F2B, s0  }
0xbd: {  	[sflag:s0] =	ssyncadd.remote.s32 $0x1  }
0xbe: {  	_ =	sfence.sel $0xFFFF  }
0xbf: {  	[dreg:$0x0] =	wrdreg $0xFFFFFFFF;
	(pc) =	sbr.abs _section_cstart, $3  }
0xc0: {  	[dreg:$0x1] =	wrdreg $0xFFFFFFFF  }
0xc1: {  	_ =	task.clear_ibuf [dreg:s6], $0x2FFFF;
	_ =	strace $0x9FFFFFFF  }
0xc2: {  	(tm) =	ssettm $0x7FFFFFFF  }
0xc3: {  	_ =	shalt  }
tec
execute0_lowered:
.L_overlay_start_1:
0x0: {  	(tag) =	ssettag $0x1  }
0x1: {  	s4 =	rddreg [dreg:$0x0]  }
0x2: {  	s2 =	rddreg [dreg:$0x1]  }
0x3: {  	s0 =	rddreg [dreg:$0x2]  }
0x4: {  	s5 =	srdreg.scid;
	s1 =	stileid.u32;
	s3 =	simm.s32 $0x0  }
0x5: {  	s11 =	simm.s32 $0x4000;
	s14 =	simm.s32 $0x0;
	s5 =	sand.u32 $0x1, s5  }
0x6: {  	s6 =	smul.u32 $0x280, s1;
	[smem:$0x7FF] =	sst s3;
	s10 =	sshll.u32 s1, $0xC  }
0x7: {  	s12 =	sshll.u32 s1, $0x6;
	s7 =	smul.u32 $0x2800, s5;
	_ =	strace $0x80000047  }
0x8: {  	s8 =	sshll.u32 s5, $0xB;
	s5 =	ssub.s32 $0x2, s5;
	s12 =	sor.u32 $0x1C01, s12  }
0x9: {  	s8 =	sadd.s32 s8, s4;
	s9 =	sshrl.u32 s5, $0x1;
	s7 =	sadd.s32 s6, s7  }
0xa: {  	s9 =	ssub.s32 s5, s9;
	s31 =	sadd.s32 s10, s8;
	s7 =	sshrl.u32 s7, $0x3  }
0xb: {  	s8 =	simm.s32 $0x4080;
	s10 =	simm.s32 $0x50;
	s7 =	sadd.s32 s7, s4  }
0xc: {  	s5 =	sadd.s32 $0x2400, s31;
	s4 =	sadd.s32 s6, s2;
	s6 =	sadd.s32 $0x12400, s7  }
0xd: {  	v0 =	vimm.f32 $1.000000000e+00;
	v1 =	vimm.f32 $0.0e+00;
	s7 =	smax.u32 s9, $0x1;
	s9 =	simm.s32 $0x1;
	s13 =	sshrl.u32 s4, $0x3  }
.LBB2_1:
0xe: {  	[tilespmem:$0x4000] =	vst v0  }
0xf: {  	[tilespmem:$0x4010] =	vst v0  }
0x10: {  	[tilespmem:$0x4020] =	vst v0  }
0x11: {  	[tilespmem:$0x4030] =	vst v0  }
0x12: {  	[tilespmem:$0x4040] =	vst v0  }
0x13: {  	[tilespmem:$0x4080] =	vst v1  }
0x14: {  	[tilespmem:$0x4090] =	vst v1  }
0x15: {  	[tilespmem:$0x40A0] =	vst v1  }
0x16: {  	[tilespmem:$0x40B0] =	vst v1  }
0x17: {  	[tilespmem:$0x40C0] =	vst v1  }
0x18: {  	[tilespmem:$0x40D0] =	vst v1  }
0x19: {  	[tilespmem:$0x40E0] =	vst v1  }
0x1a: {  	[tilespmem:$0x40F0] =	vst v1  }
0x1b: {  	[tilespmem:$0x4100] =	vst v1  }
0x1c: {  	[tilespmem:$0x4110] =	vst v1  }
0x1d: {  	[tilespmem:$0x4120] =	vst v1  }
0x1e: {  	[tilespmem:$0x4130] =	vst v1  }
0x1f: {  	[tilespmem:$0x4140] =	vst v1  }
0x20: {  	[tilespmem:$0x4150] =	vst v1  }
0x21: {  	[tilespmem:$0x4160] =	vst v1  }
0x22: {  	[tilespmem:$0x4170] =	vst v1  }
0x23: {  	[tilespmem:$0x4180] =	vst v1  }
0x24: {  	[tilespmem:$0x4190] =	vst v1  }
0x25: {  	[tilespmem:$0x41A0] =	vst v1  }
0x26: {  	[tilespmem:$0x41B0] =	vst v1  }
0x27: {  	[tilespmem:$0x41C0] =	vst v1  }
0x28: {  	[tilespmem:$0x41D0] =	vst v1  }
0x29: {  	[tilespmem:$0x41E0] =	vst v1  }
0x2a: {  	[tilespmem:$0x41F0] =	vst v1  }
0x2b: {  	[tilespmem:$0x4200] =	vst v1  }
0x2c: {  	[tilespmem:$0x4210] =	vst v1  }
0x2d: {  	[tilespmem:$0x4220] =	vst v1  }
0x2e: {  	[tilespmem:$0x4230] =	vst v1  }
0x2f: {  	[tilespmem:$0x4240] =	vst v1  }
0x30: {  	[tilespmem:$0x4250] =	vst v1  }
0x31: {  	[tilespmem:$0x4260] =	vst v1  }
0x32: {  	[tilespmem:$0x4270] =	vst v1  }
0x33: {  	[tilespmem:$0x4280] =	vst v1  }
0x34: {  	[tilespmem:$0x4290] =	vst v1  }
0x35: {  	[tilespmem:$0x42A0] =	vst v1  }
0x36: {  	[tilespmem:$0x42B0] =	vst v1  }
0x37: {  	[tilespmem:$0x42C0] =	vst v1  }
0x38: {  	[tilespmem:$0x42D0] =	vst v1  }
0x39: {  	[tilespmem:$0x42E0] =	vst v1  }
0x3a: {  	[tilespmem:$0x42F0] =	vst v1  }
0x3b: {  	[spmem:s4] =	stream.linear.scatter [tilespmem:s8], [sflag:$0x1], $0x280, $0x38;
	[tilespmem:$0x4580] =	vst v63  }
0x3c: {  	_ =	swait.ge [sflag:s9], $0x280  }
0x3d: {  	[sflag:s9] =	ssyncset.done $0x0  }
0x3e: {  	[sflag:s9] =	ssyncadd.s32 $0xFFFFFD80  }
0x3f: {  	[tilespmem:s3], [sflag:$0x1] =	stream.linear.gather [hbm4b:s5+s3], $0x3E80, $0x38;
	[tilespmem:$0x4580] =	vst v63  }
0x40: {  	_ =	swait.ge [sflag:s9], $0x3E80  }
0x41: {  	[sflag:s9] =	ssyncset.done $0x0  }
0x42: {  	[sflag:s9] =	ssyncadd.s32 $0xFFFFC180  }
0x43: {  	s15 =	simm.s32 $0x0;
	[bflag:$0x0] =	sbarrier.arrive $0xFFFF  }
0x44: {  	[spmem:s2] =	stream.indirect.scatter.add.f32 [tilespmem:s11], [sflag:$0x1], $0x1, s15, s10, $0xb8;
	[tilespmem:$0x4580] =	vst v63  }
0x45: {  	_ =	swait.ge [sflag:s9], $0x50  }
0x46: {  	s15 =	simm.s32 $0x200;
	[sflag:s9] =	ssyncset.done $0x0  }
.LBB2_2:
0x47: {  	s16 =	sshra.s32 s15, $0x2;
	[sflag:s9] =	ssyncadd.s32 $0xFFFFFFB0;
	p0 =	sne.s32 s15, $0xF800  }
0x48: {  	[spmem:s2] =	stream.indirect.scatter.add.f32 [tilespmem:s11], [sflag:$0x1], $0x1, s16, s10, $0xb8;
	[tilespmem:$0x4580] =	vst v63  }
.Ltmp0:
0x49: {  	_ = 	snop;
	(pc) =	sbr.rel @p0 .LBB2_2-.Ltmp0, $4  }
0x4a: {  	_ = 	snop  }
0x4b: {  	s15 =	sadd.s32 $0x200, s15  }
0x4c: {  	_ =	swait.ge [sflag:s9], $0x50  }
0x4d: {  	[sflag:s9] =	ssyncset.done $0x0  }
0x4e: {  	s14 =	sadd.s32 $0x1, s14  }
0x4f: {  	[sflag:s9] =	ssyncadd.s32 $0xFFFFFFB0;
	p0 =	sne.s32 s14, s7  }
.Ltmp1:
0x50: {  	[bflag:$0x0] =	sbarrier.arrive $0xFFFF;
	(pc) =	sbr.rel @p0 .LBB2_1-.Ltmp1, $4  }
0x51: {  	[hbm:s6], [sflag:s12] =	dma.local [spmem:s13], $0x50  }
0x52: {  	_ =	swait.ge [sflag:s9], $0x50  }
0x53: {  	[sflag:s9] =	ssyncset.done $0x0  }
0x54: {  	[sflag:s9] =	ssyncadd.s32 $0xFFFFFFB0  }
0x55: {  	_ =	sfence.sel $0x180000  }
0x56: {  	[bflag:$0x0] =	sbarrier.arrive $0xFFFF  }
0x57: {  	p0 =	sne.s32 s1, $0x0;
	_ =	strace $0x90000047  }
0x58: {  	s0 =	sadd.s32 @!p0 $0x100000, s0;
	[bflag:$0x2] =	sbarrier.arrive $0xFFFF  }
0x59: {  	[sflag:s0] =	ssyncadd.tile.s32 @!p0 $0x1;
	_ =	shalt  }
.Lfunc_end2:
_tile_overlayer_lowered:
.L_overlay_start_2:
0x5a: {  	(tag) =	ssettag $0x2  }
0x5b: {  	s0 =	rddreg [dreg:$0x0];
	s2 =	stileid.u32  }
0x5c: {  	s1 =	rddreg [dreg:$0x1];
	p0 =	sne.s32 s2, $0x0  }
0x5d: {  	s3 =	rddreg [dreg:$0x2];
	[bflag:$0x3] =	sbarrier.arrive $0xFFFF;
	s2 =	simm.s32 @!p0 $0x1C01  }
0x5e: {  	[timem:s3], [sflag:s2] =	dma.local @!p0 [hbm:s0], s1  }
0x5f: {  	s0 =	simm.s32 @!p0 $0x1  }
0x60: {  	_ =	swait.ge @!p0 [sflag:s0], s1  }
0x61: {  	s1 =	ssub.s32 @!p0 $0x0, s1;
	[sflag:s0] =	ssyncset.done @!p0 $0x0  }
0x62: {  	[sflag:s0] =	ssyncadd.s32 @!p0 s1  }
0x63: {  	[bflag:$0x3] =	sbarrier.arrive $0xFFFF  }
0x64: {  	_ =	shalt  }

</sc_bundles>
